<compile_context>
chip_gen: v7x
topology: tpu7x:2x2x1
jax: 0.10.2.dev20260603
libtpu: 0.0.44.dev20260713+nightly
codegen_flags: <defaults>
</compile_context>

<pallas_src>
import functools

import jax
import jax.numpy as jnp
from jax import lax
from jax.experimental import pallas as pl
from jax.experimental.pallas import tpu as pltpu
from jax.experimental.pallas import tpu_sc as plsc

N = 10000
D = 128
E = 320000
TAU = 2.0
V_TH = 1.0
BN_EPS = 1e-5

N_PAD = 10240
EPT = E // 32
C = 160
NWIN_FULL = 62
TAIL = EPT - NWIN_FULL * C
WPB = 8
NBLK = 8
BLKW = 2 * WPB * C
TPT = NBLK * BLKW + 2 * TAIL
CD = 1000
NWD = EPT // CD
RPT = N_PAD // 16
assert NWIN_FULL % 2 == 0 and 0 < TAIL <= C and TAIL % 8 == 0 and C % 8 == 0


def _deg_body(dst_hbm, ones_hbm, zeros_hbm, out_hbm, idx_v, ones_v, acc):
    c = lax.axis_index("c")
    s = lax.axis_index("s")
    pltpu.sync_copy(zeros_hbm.at[pl.ds(s * RPT, RPT)], acc.at[pl.ds(s * RPT, RPT)])
    pltpu.sync_copy(ones_hbm, ones_v)
    pltpu.sync_copy(dst_hbm.at[pl.ds((c * 16 + s) * EPT, EPT)], idx_v)
    plsc.subcore_barrier()

    def body(w, carry):
        pltpu.sync_copy(ones_v, acc.at[idx_v.at[pl.ds(w * CD, CD)]], add=True)
        return carry

    lax.fori_loop(0, NWD, body, 0)
    plsc.subcore_barrier()
    pltpu.sync_copy(acc.at[pl.ds(s * RPT, RPT)],
                    out_hbm.at[pl.ds(c * N_PAD + s * RPT, RPT)])


def _spmm_body(idx_hbm, g_hbm, zeros_hbm, out_hbm,
               idx_v, rows0, rows1, acc, sem0, sem1, sem_i):
    c = lax.axis_index("c")
    s = lax.axis_index("s")
    base = (c * 16 + s) * TPT
    rows = (rows0, rows1)
    sems = (sem0, sem1)

    def src_slice(w):
        p = (w // WPB) % 2
        return idx_v.at[pl.ds(p * BLKW + (w % WPB) * C, C)]

    def dst_slice(w):
        p = (w // WPB) % 2
        return idx_v.at[pl.ds(p * BLKW + WPB * C + (w % WPB) * C, C)]

    def blk_copy(w):
        blk = w // WPB
        return pltpu.make_async_copy(
            idx_hbm.at[pl.ds(base + blk * BLKW, BLKW)],
            idx_v.at[pl.ds((blk % 2) * BLKW, BLKW)], sem_i)

    def idx_gather(w, b):
        pltpu.async_copy(g_hbm.at[src_slice(w)], rows[b], sems[b])

    def gwait(w, b):
        pltpu.make_async_copy(g_hbm.at[src_slice(w)], rows[b], sems[b]).wait()

    def scat(w, b):
        pltpu.sync_copy(rows[b], acc.at[dst_slice(w)], add=True)

    @pl.when(c == 0)
    def _():
        pltpu.sync_copy(g_hbm.at[pl.ds(s * RPT, RPT)], acc.at[pl.ds(s * RPT, RPT)])

    @pl.when(c != 0)
    def _():
        pltpu.sync_copy(zeros_hbm.at[pl.ds(s * RPT, RPT)], acc.at[pl.ds(s * RPT, RPT)])

    blk_copy(0).start()
    blk_copy(0).wait()
    idx_gather(0, 0)
    plsc.subcore_barrier()

    def body(k, carry):
        w0 = 2 * k
        nb = (w0 + 2) % WPB == 0

        @pl.when(nb)
        def _():
            blk_copy(w0 + 2).start()

        gwait(w0, 0)
        idx_gather(w0 + 1, 1)
        scat(w0, 0)
        gwait(w0 + 1, 1)

        @pl.when(nb)
        def _():
            blk_copy(w0 + 2).wait()

        idx_gather(w0 + 2, 0)
        scat(w0 + 1, 1)
        return carry

    lax.fori_loop(0, NWIN_FULL // 2 - 1, body, 0)
    wl = NWIN_FULL - 2
    gwait(wl, 0)
    idx_gather(wl + 1, 1)
    scat(wl, 0)
    gwait(wl + 1, 1)
    toff = base + NBLK * BLKW
    tv = 2 * BLKW
    pltpu.sync_copy(idx_hbm.at[pl.ds(toff, 2 * TAIL)],
                    idx_v.at[pl.ds(tv, 2 * TAIL)])
    pltpu.async_copy(g_hbm.at[idx_v.at[pl.ds(tv, TAIL)]],
                     rows0.at[pl.ds(0, TAIL)], sem0)
    scat(wl + 1, 1)
    pltpu.make_async_copy(g_hbm.at[idx_v.at[pl.ds(tv, TAIL)]],
                          rows0.at[pl.ds(0, TAIL)], sem0).wait()
    pltpu.sync_copy(rows0.at[pl.ds(0, TAIL)],
                    acc.at[idx_v.at[pl.ds(tv + TAIL, TAIL)]], add=True)
    plsc.subcore_barrier()
    pltpu.sync_copy(acc.at[pl.ds(s * RPT, RPT)],
                    out_hbm.at[pl.ds(c * N_PAD + s * RPT, RPT)])


@functools.cache
def _sc_kernels():
    mesh = plsc.VectorSubcoreMesh(core_axis_name="c", subcore_axis_name="s")
    deg = pl.kernel(
        _deg_body,
        out_type=jax.ShapeDtypeStruct((2 * N_PAD,), jnp.float32),
        mesh=mesh,
        scratch_types=[
            pltpu.VMEM((EPT,), jnp.int32),
            pltpu.VMEM((CD,), jnp.float32),
            pltpu.VMEM_SHARED((N_PAD,), jnp.float32),
        ],
    )
    spmm = pl.kernel(
        _spmm_body,
        out_type=jax.ShapeDtypeStruct((2 * N_PAD, D), jnp.float32),
        mesh=mesh,
        scratch_types=[
            pltpu.VMEM((2 * BLKW + 2 * TAIL,), jnp.int32),
            pltpu.VMEM((C, D), jnp.float32),
            pltpu.VMEM((C, D), jnp.float32),
            pltpu.VMEM_SHARED((N_PAD, D), jnp.float32),
            pltpu.SemaphoreType.DMA,
            pltpu.SemaphoreType.DMA,
            pltpu.SemaphoreType.DMA,
        ],
    )
    return deg, spmm


def _pack_edges(src, dst):
    full = NWIN_FULL * C
    pad_w = NBLK * WPB - NWIN_FULL
    s2 = src.reshape(32, EPT)
    d2 = dst.reshape(32, EPT)

    def blocks(a):
        w = a[:, :full].reshape(32, NWIN_FULL, C)
        w = jnp.pad(w, ((0, 0), (0, pad_w), (0, 0)))
        return w.reshape(32, NBLK, WPB * C)

    blk = jnp.stack([blocks(s2), blocks(d2)], axis=2)
    tails = jnp.concatenate([s2[:, full:], d2[:, full:]], axis=1)
    return jnp.concatenate(
        [blk.reshape(32, NBLK * BLKW), tails], axis=1).reshape(-1)


R = 512
GB = N_PAD // R


def _prep_body(x_ref, da_ref, db_ref, g0_ref, dis_ref, inv_ref):
    i = pl.program_id(0)
    deg = da_ref[...] + db_ref[...] + 1.0
    dis = jnp.where(deg > 0, lax.rsqrt(jnp.maximum(deg, 1e-12)), 0.0)
    dis_ref[...] = dis
    inv_ref[...] = dis * dis
    row = i * R + lax.broadcasted_iota(jnp.int32, (R, 1), 0)
    g0_ref[...] = jnp.where(row < N, x_ref[...] * dis, 0.0)


def _rescale_body(sa_ref, sb_ref, inv_ref, g1_ref):
    g1_ref[...] = (sa_ref[...] + sb_ref[...]) * inv_ref[...]


def _mmba_body(sa_ref, sb_ref, dis_ref, w_ref, gam_ref, bet_ref, o_ref,
               y_scr, cs_ref, cq_ref):
    i = pl.program_id(0)

    @pl.when(i == 0)
    def _():
        cs_ref[...] = jnp.zeros_like(cs_ref)
        cq_ref[...] = jnp.zeros_like(cq_ref)

    @pl.when(i < GB)
    def _():
        st = (sa_ref[...] + sb_ref[...]) * dis_ref[...]
        y = lax.dot_general(st, w_ref[...], (((1,), (1,)), ((), ())),
                            preferred_element_type=jnp.float32)
        y_scr[pl.ds(i * R, R), :] = y
        cs_ref[...] += jnp.sum(y.reshape(R // 8, 8, D), axis=0)
        cq_ref[...] += jnp.sum((y * y).reshape(R // 8, 8, D), axis=0)

    @pl.when(i >= GB)
    def _():
        j = i - GB
        invn = 1.0 / float(N)
        mean = jnp.sum(cs_ref[...], axis=0, keepdims=True) * invn
        ex2 = jnp.sum(cq_ref[...], axis=0, keepdims=True) * invn
        var = ex2 - mean * mean
        r = lax.rsqrt(var + BN_EPS)
        y = y_scr[pl.ds(j * R, R), :]
        hbn = (y - mean) * (r * gam_ref[0:1, :]) + bet_ref[0:1, :]
        v = hbn * (1.0 / TAU)
        o_ref[...] = jnp.where(v >= V_TH, 1.0, 0.0)


_blk_rd = lambda off=0: pl.BlockSpec((R, D), lambda i, o=off: (i + o, 0))
_blk_r1 = lambda off=0: pl.BlockSpec((R, 1), lambda i, o=off: (i + o, 0))
_blk_s8 = pl.BlockSpec((8, D), lambda i: (0, 0))

_prep = pl.pallas_call(
    _prep_body,
    grid=(GB,),
    in_specs=[_blk_rd(), _blk_r1(), _blk_r1(GB)],
    out_specs=[_blk_rd(), _blk_r1(), _blk_r1()],
    out_shape=[
        jax.ShapeDtypeStruct((N_PAD, D), jnp.float32),
        jax.ShapeDtypeStruct((N_PAD, 1), jnp.float32),
        jax.ShapeDtypeStruct((N_PAD, 1), jnp.float32),
    ],
)

_rescale = pl.pallas_call(
    _rescale_body,
    grid=(GB,),
    in_specs=[_blk_rd(), _blk_rd(GB), _blk_r1()],
    out_specs=_blk_rd(),
    out_shape=jax.ShapeDtypeStruct((N_PAD, D), jnp.float32),
)

_blk_in = lambda off=0: pl.BlockSpec(
    (R, D), lambda i, o=off: (jnp.minimum(i, GB - 1) + o, 0))
_blk_in1 = pl.BlockSpec((R, 1), lambda i: (jnp.minimum(i, GB - 1), 0))

_mmba = pl.pallas_call(
    _mmba_body,
    grid=(2 * GB,),
    in_specs=[_blk_in(), _blk_in(GB), _blk_in1,
              pl.BlockSpec((D, D), lambda i: (0, 0)), _blk_s8, _blk_s8],
    out_specs=pl.BlockSpec((R, D), lambda i: (jnp.maximum(i - GB, 0), 0)),
    out_shape=jax.ShapeDtypeStruct((N, D), jnp.float32),
    scratch_shapes=[
        pltpu.VMEM((N_PAD, D), jnp.float32),
        pltpu.VMEM((8, D), jnp.float32),
        pltpu.VMEM((8, D), jnp.float32),
    ],
)


def kernel(x, edge_index, W, b, gamma, beta):
    f32 = jnp.float32
    src = edge_index[0]
    dst = edge_index[1]
    zeros2d = jnp.zeros((N_PAD, D), f32)
    zeros1d = jnp.zeros((N_PAD,), f32)
    ones_cd = jnp.ones((CD,), f32)

    _deg_kernel, _spmm_kernel = _sc_kernels()
    packed = _pack_edges(src, dst)
    degs = _deg_kernel(dst, ones_cd, zeros1d).reshape(2 * N_PAD, 1)
    g0, dis, inv = _prep(x, degs, degs)
    s1 = _spmm_kernel(packed, g0, zeros2d)
    g1 = _rescale(s1, s1, inv)
    s2 = _spmm_kernel(packed, g1, zeros2d)
    gam8 = jnp.broadcast_to(gamma.reshape(1, D), (8, D))
    bet8 = jnp.broadcast_to(beta.reshape(1, D), (8, D))
    return _mmba(s2, s2, dis, W, gam8, bet8)

# --- scband reference (transcript-rebuilt; emitter-appended) ---
"""Pipeline reference for scband-spiking-gcnconv-26465588478209 (READ-ONLY COPY).

The authoritative reference and input builder live on the scoring server;
editing this copy changes nothing except your own understanding.
"""

import jax, jax.numpy as jnp
import numpy as np

N = 10000
E = 320000
D_IN = 128
D_OUT = 128
K = 2
TAU = 2.0
V_TH = 1.0
BN_EPS = 1e-5


def setup_inputs(seed: int = 0):
    key = jax.random.key(seed)
    k1, k2, k3, k4 = jax.random.split(key, 4)
    x = jax.random.normal(k1, (N, D_IN), dtype=jnp.float32)
    edge_index = jax.random.randint(k2, (2, E), 0, N, dtype=jnp.int32)
    glorot = float(np.sqrt(6.0 / (D_IN + D_OUT)))
    W = jax.random.uniform(k3, (D_OUT, D_IN), dtype=jnp.float32, minval=-glorot, maxval=glorot)
    b = jnp.zeros((D_OUT,), dtype=jnp.float32)
    gamma = jnp.ones((D_OUT,), dtype=jnp.float32)
    beta = jnp.zeros((D_OUT,), dtype=jnp.float32)
    return {"x": x, "edge_index": edge_index, "W": W, "b": b, "gamma": gamma, "beta": beta}


def reference(x, edge_index, W, b, gamma, beta):
    src = edge_index[0]
    dst = edge_index[1]
    # add self loops (weight 1)
    loop = jnp.arange(N, dtype=src.dtype)
    src2 = jnp.concatenate([src, loop])
    dst2 = jnp.concatenate([dst, loop])
    ew = jnp.ones((src2.shape[0],), dtype=x.dtype)
    # GCN symmetric normalization: D^{-1/2} A D^{-1/2}
    deg = jax.ops.segment_sum(ew, dst2, num_segments=N)
    dis = jnp.where(deg > 0, jax.lax.rsqrt(jnp.maximum(deg, 1e-12)), 0.0)
    norm = dis[src2] * ew * dis[dst2]
    # K rounds of sparse propagation: out[dst] += norm * h[src]
    h = x
    for _ in range(K):
        h = jax.ops.segment_sum(norm[:, None] * h[src2], dst2, num_segments=N)
    # linear projection
    h = h @ W.T + b
    # BatchNorm1d (training-mode batch statistics over nodes)
    mean = jnp.mean(h, axis=0)
    var = jnp.var(h, axis=0)
    h = (h - mean) * jax.lax.rsqrt(var + BN_EPS) * gamma + beta
    # single-step LIF neuron: v starts at v_reset=0, charge v = v + (x - (v - v_reset))/tau
    v = h / TAU
    spike = (v >= V_TH).astype(jnp.float32)
    return spike

if __name__ == "__main__":
    import jax
    _d = setup_inputs()
    print(jax.jit(kernel)(*tuple(_d.values())))

</pallas_src>

<mosaic_0001>
#map = affine_map<(d0, d1) -> (0)>
module attributes {stable_mosaic.version = 14 : i64} {
  func.func @_deg_body(%arg0: i32, %arg1: i32, %arg2: memref<320000xi32, #tpu.memory_space<hbm>>, %arg3: memref<1000xf32, #tpu.memory_space<hbm>>, %arg4: memref<10240xf32, #tpu.memory_space<hbm>>, %arg5: memref<20480xf32, #tpu.memory_space<hbm>>, %arg6: memref<10000xi32, #tpu.memory_space<vmem>>, %arg7: memref<1000xf32, #tpu.memory_space<vmem>>, %arg8: memref<10240xf32, #tpu.memory_space<vmem_shared>>) attributes {dimension_semantics = [#tpu.dimension_semantics<core_parallel>, #tpu.dimension_semantics<subcore_parallel>], iteration_bounds = array<i64: 2, 16>, scalar_prefetch = 0 : i64, scratch_operands = 3 : i64, tpu.core_type = #tpu.core_type<sc_vector_subcore>, window_params = [{transform_indices = #map}, {transform_indices = #map}, {transform_indices = #map}, {transform_indices = #map}]} {
    %mul3A = arith.constant 640 : i32
    %mul3A_0 = arith.muli %arg1, %mul3A : i32
    %mul3A_1 = arith.constant 640 : i32
    %mul3A_2 = arith.muli %arg1, %mul3A_1 : i32
    "tpu.region"() ({
      %run_scoped3A = tpu.sem_alloc : memref<!tpu.dma_semaphore, #tpu.memory_space<semaphore_mem>>
      %dma_start3A = tpu.memref_slice %arg8[%mul3A_2] : memref<10240xf32, #tpu.memory_space<vmem_shared>> -> memref<640xf32, #tpu.memory_space<vmem_shared>>
      %dma_start3A_20 = tpu.memref_slice %arg4[%mul3A_0] : memref<10240xf32, #tpu.memory_space<hbm>> -> memref<640xf32, #tpu.memory_space<hbm>>
      tpu.enqueue_dma source(%dma_start3A_20 : memref<640xf32, #tpu.memory_space<hbm>>) target(%dma_start3A : memref<640xf32, #tpu.memory_space<vmem_shared>>) target_semaphore(%run_scoped3A : memref<!tpu.dma_semaphore, #tpu.memory_space<semaphore_mem>>)
      %dma_wait3A = tpu.memref_slice %arg8[%mul3A_2] : memref<10240xf32, #tpu.memory_space<vmem_shared>> -> memref<640xf32, #tpu.memory_space<vmem_shared>>
      %dma_wait3A_21 = tpu.memref_slice %arg4[%mul3A_0] : memref<10240xf32, #tpu.memory_space<hbm>> -> memref<640xf32, #tpu.memory_space<hbm>>
      tpu.wait_dma2 semaphore(%run_scoped3A : memref<!tpu.dma_semaphore, #tpu.memory_space<semaphore_mem>>) src(%dma_wait3A_21 : memref<640xf32, #tpu.memory_space<hbm>>) dst(%dma_wait3A : memref<640xf32, #tpu.memory_space<vmem_shared>>)
      tpu.yield
    }) : () -> ()
    "tpu.region"() ({
      %run_scoped3A = tpu.sem_alloc : memref<!tpu.dma_semaphore, #tpu.memory_space<semaphore_mem>>
      tpu.enqueue_dma source(%arg3 : memref<1000xf32, #tpu.memory_space<hbm>>) target(%arg7 : memref<1000xf32, #tpu.memory_space<vmem>>) target_semaphore(%run_scoped3A : memref<!tpu.dma_semaphore, #tpu.memory_space<semaphore_mem>>)
      tpu.wait_dma2 semaphore(%run_scoped3A : memref<!tpu.dma_semaphore, #tpu.memory_space<semaphore_mem>>) src(%arg3 : memref<1000xf32, #tpu.memory_space<hbm>>) dst(%arg7 : memref<1000xf32, #tpu.memory_space<vmem>>)
      tpu.yield
    }) : () -> ()
    %mul3A_3 = arith.constant 16 : i32
    %mul3A_4 = arith.muli %arg0, %mul3A_3 : i32
    %add3A = arith.addi %mul3A_4, %arg1 : i32
    %mul3A_5 = arith.constant 10000 : i32
    %mul3A_6 = arith.muli %add3A, %mul3A_5 : i32
    "tpu.region"() ({
      %run_scoped3A = tpu.sem_alloc : memref<!tpu.dma_semaphore, #tpu.memory_space<semaphore_mem>>
      %dma_start3A = tpu.memref_slice %arg2[%mul3A_6] : memref<320000xi32, #tpu.memory_space<hbm>> -> memref<10000xi32, #tpu.memory_space<hbm>>
      %dma_start3A_20 = tpu.memref_slice %arg2[%mul3A_6] : memref<320000xi32, #tpu.memory_space<hbm>> -> memref<10000xi32, #tpu.memory_space<hbm>>
      tpu.enqueue_dma source(%dma_start3A_20 : memref<10000xi32, #tpu.memory_space<hbm>>) target(%arg6 : memref<10000xi32, #tpu.memory_space<vmem>>) target_semaphore(%run_scoped3A : memref<!tpu.dma_semaphore, #tpu.memory_space<semaphore_mem>>)
      %dma_wait3A = tpu.memref_slice %arg2[%mul3A_6] : memref<320000xi32, #tpu.memory_space<hbm>> -> memref<10000xi32, #tpu.memory_space<hbm>>
      %dma_wait3A_21 = tpu.memref_slice %arg2[%mul3A_6] : memref<320000xi32, #tpu.memory_space<hbm>> -> memref<10000xi32, #tpu.memory_space<hbm>>
      tpu.wait_dma2 semaphore(%run_scoped3A : memref<!tpu.dma_semaphore, #tpu.memory_space<semaphore_mem>>) src(%dma_wait3A_21 : memref<10000xi32, #tpu.memory_space<hbm>>) dst(%arg6 : memref<10000xi32, #tpu.memory_space<vmem>>)
      tpu.yield
    }) : () -> ()
    %barrier3A = arith.constant 0 : index
    tpu.barrier barrier_id(%barrier3A)
    %scan3A = arith.constant 0 : i32
    %scan3A_7 = arith.constant 0 : i32
    %scan3A_8 = arith.constant 10 : i32
    %scan3A_9 = arith.addi %scan3A_7, %scan3A_8 : i32
    %scan3A_10 = arith.constant 1 : i32
    scf.for %scan3A_20 = %scan3A_7 to %scan3A_9 step %scan3A_10  : i32 {
      %mul3A_21 = arith.constant 1000 : i32
      %mul3A_22 = arith.muli %scan3A_20, %mul3A_21 : i32
      "tpu.region"() ({
        %run_scoped3A = tpu.sem_alloc : memref<!tpu.dma_semaphore, #tpu.memory_space<semaphore_mem>>
        %dma_start3A = tpu.memref_slice %arg6[%mul3A_22] : memref<10000xi32, #tpu.memory_space<vmem>> -> memref<1000xi32, #tpu.memory_space<vmem>>
        %dma_start3A_23 = arith.constant 0 : i32
        %dma_start3A_24 = tpu.memref_slice %arg8[%dma_start3A_23] : memref<10240xf32, #tpu.memory_space<vmem_shared>> -> memref<10240xf32, #tpu.memory_space<vmem_shared>>
        tpu.enqueue_indirect_dma source(%arg7 : memref<1000xf32, #tpu.memory_space<vmem>>) target(%dma_start3A_24 : memref<10240xf32, #tpu.memory_space<vmem_shared>>) offsets(%dma_start3A : memref<1000xi32, #tpu.memory_space<vmem>>) semaphore(%run_scoped3A : memref<!tpu.dma_semaphore, #tpu.memory_space<semaphore_mem>>) {add = true}
        %dma_wait3A = tpu.memref_slice %arg6[%mul3A_22] : memref<10000xi32, #tpu.memory_space<vmem>> -> memref<1000xi32, #tpu.memory_space<vmem>>
        %dma_wait3A_25 = arith.constant 0 : i32
        %dma_wait3A_26 = tpu.memref_slice %arg8[%dma_wait3A_25] : memref<10240xf32, #tpu.memory_space<vmem_shared>> -> memref<10240xf32, #tpu.memory_space<vmem_shared>>
        tpu.wait_indirect_dma semaphore(%run_scoped3A : memref<!tpu.dma_semaphore, #tpu.memory_space<semaphore_mem>>) src(%arg7 : memref<1000xf32, #tpu.memory_space<vmem>>) dst(%dma_wait3A_26 : memref<10240xf32, #tpu.memory_space<vmem_shared>>)
        tpu.yield
      }) : () -> ()
    }
    %scan3A_11 = arith.constant 10 : i32
    %barrier3A_12 = arith.constant 0 : index
    tpu.barrier barrier_id(%barrier3A_12)
    %mul3A_13 = arith.constant 640 : i32
    %mul3A_14 = arith.muli %arg1, %mul3A_13 : i32
    %mul3A_15 = arith.constant 10240 : i32
    %mul3A_16 = arith.muli %arg0, %mul3A_15 : i32
    %mul3A_17 = arith.constant 640 : i32
    %mul3A_18 = arith.muli %arg1, %mul3A_17 : i32
    %add3A_19 = arith.addi %mul3A_16, %mul3A_18 : i32
    "tpu.region"() ({
      %run_scoped3A = tpu.sem_alloc : memref<!tpu.dma_semaphore, #tpu.memory_space<semaphore_mem>>
      %dma_start3A = tpu.memref_slice %arg5[%add3A_19] : memref<20480xf32, #tpu.memory_space<hbm>> -> memref<640xf32, #tpu.memory_space<hbm>>
      %dma_start3A_20 = tpu.memref_slice %arg8[%mul3A_14] : memref<10240xf32, #tpu.memory_space<vmem_shared>> -> memref<640xf32, #tpu.memory_space<vmem_shared>>
      tpu.enqueue_dma source(%dma_start3A_20 : memref<640xf32, #tpu.memory_space<vmem_shared>>) target(%dma_start3A : memref<640xf32, #tpu.memory_space<hbm>>) target_semaphore(%run_scoped3A : memref<!tpu.dma_semaphore, #tpu.memory_space<semaphore_mem>>)
      %dma_wait3A = tpu.memref_slice %arg5[%add3A_19] : memref<20480xf32, #tpu.memory_space<hbm>> -> memref<640xf32, #tpu.memory_space<hbm>>
      %dma_wait3A_21 = tpu.memref_slice %arg8[%mul3A_14] : memref<10240xf32, #tpu.memory_space<vmem_shared>> -> memref<640xf32, #tpu.memory_space<vmem_shared>>
      tpu.wait_dma2 semaphore(%run_scoped3A : memref<!tpu.dma_semaphore, #tpu.memory_space<semaphore_mem>>) src(%dma_wait3A_21 : memref<640xf32, #tpu.memory_space<vmem_shared>>) dst(%dma_wait3A : memref<640xf32, #tpu.memory_space<hbm>>)
      tpu.yield
    }) : () -> ()
    return
  }
}

#map = affine_map<(d0, d1) -> (0)>
#map1 = affine_map<(d0, d1) -> (0, 0)>
module attributes {stable_mosaic.version = 14 : i64} {
  func.func @_spmm_body(%arg0: i32, %arg1: i32, %arg2: memref<660480xi32, #tpu.memory_space<hbm>>, %arg3: memref<10240x128xf32, #tpu.memory_space<hbm>>, %arg4: memref<10240x128xf32, #tpu.memory_space<hbm>>, %arg5: memref<20480x128xf32, #tpu.memory_space<hbm>>, %arg6: memref<5280xi32, #tpu.memory_space<vmem>>, %arg7: memref<160x128xf32, #tpu.memory_space<vmem>>, %arg8: memref<160x128xf32, #tpu.memory_space<vmem>>, %arg9: memref<10240x128xf32, #tpu.memory_space<vmem_shared>>, %arg10: memref<!tpu.dma_semaphore, #tpu.memory_space<semaphore_mem>>, %arg11: memref<!tpu.dma_semaphore, #tpu.memory_space<semaphore_mem>>, %arg12: memref<!tpu.dma_semaphore, #tpu.memory_space<semaphore_mem>>) attributes {dimension_semantics = [#tpu.dimension_semantics<core_parallel>, #tpu.dimension_semantics<subcore_parallel>], iteration_bounds = array<i64: 2, 16>, scalar_prefetch = 0 : i64, scratch_operands = 7 : i64, tpu.core_type = #tpu.core_type<sc_vector_subcore>, window_params = [{transform_indices = #map}, {transform_indices = #map1}, {transform_indices = #map1}, {transform_indices = #map1}]} {
    %mul3A = arith.constant 16 : i32
    %mul3A_0 = arith.muli %arg0, %mul3A : i32
    %add3A = arith.addi %mul3A_0, %arg1 : i32
    %mul3A_1 = arith.constant 20640 : i32
    %mul3A_2 = arith.muli %add3A, %mul3A_1 : i32
    %eq3A = arith.constant 0 : i32
    %eq3A_3 = arith.cmpi eq, %arg0, %eq3A : i32
    %convert_element_type3A = arith.extui %eq3A_3 : i1 to i32
    %cond3A = arith.constant 0 : i32
    %cond3A_4 = arith.cmpi ne, %convert_element_type3A, %cond3A : i32
    scf.if %cond3A_4 {
      %mul3A_74 = arith.constant 640 : i32
      %mul3A_75 = arith.muli %arg1, %mul3A_74 : i32
      %mul3A_76 = arith.constant 640 : i32
      %mul3A_77 = arith.muli %arg1, %mul3A_76 : i32
      "tpu.region"() ({
        %run_scoped3A = tpu.sem_alloc : memref<!tpu.dma_semaphore, #tpu.memory_space<semaphore_mem>>
        %dma_start3A_78 = arith.constant 0 : i32
        %dma_start3A_79 = tpu.memref_slice %arg9[%mul3A_77, %dma_start3A_78] : memref<10240x128xf32, #tpu.memory_space<vmem_shared>> -> memref<640x128xf32, #tpu.memory_space<vmem_shared>>
        %dma_start3A_80 = arith.constant 0 : i32
        %dma_start3A_81 = tpu.memref_slice %arg3[%mul3A_75, %dma_start3A_80] : memref<10240x128xf32, #tpu.memory_space<hbm>> -> memref<640x128xf32, #tpu.memory_space<hbm>>
        tpu.enqueue_dma source(%dma_start3A_81 : memref<640x128xf32, #tpu.memory_space<hbm>>) target(%dma_start3A_79 : memref<640x128xf32, #tpu.memory_space<vmem_shared>>) target_semaphore(%run_scoped3A : memref<!tpu.dma_semaphore, #tpu.memory_space<semaphore_mem>>)
        %dma_wait3A_82 = arith.constant 0 : i32
        %dma_wait3A_83 = tpu.memref_slice %arg9[%mul3A_77, %dma_wait3A_82] : memref<10240x128xf32, #tpu.memory_space<vmem_shared>> -> memref<640x128xf32, #tpu.memory_space<vmem_shared>>
        %dma_wait3A_84 = arith.constant 0 : i32
        %dma_wait3A_85 = tpu.memref_slice %arg3[%mul3A_75, %dma_wait3A_84] : memref<10240x128xf32, #tpu.memory_space<hbm>> -> memref<640x128xf32, #tpu.memory_space<hbm>>
        tpu.wait_dma2 semaphore(%run_scoped3A : memref<!tpu.dma_semaphore, #tpu.memory_space<semaphore_mem>>) src(%dma_wait3A_85 : memref<640x128xf32, #tpu.memory_space<hbm>>) dst(%dma_wait3A_83 : memref<640x128xf32, #tpu.memory_space<vmem_shared>>)
        tpu.yield
      }) : () -> ()
    } else {
    }
    %ne3A = arith.constant 0 : i32
    %ne3A_5 = arith.cmpi ne, %arg0, %ne3A : i32
    %convert_element_type3A_6 = arith.extui %ne3A_5 : i1 to i32
    %cond3A_7 = arith.constant 0 : i32
    %cond3A_8 = arith.cmpi ne, %convert_element_type3A_6, %cond3A_7 : i32
    scf.if %cond3A_8 {
      %mul3A_74 = arith.constant 640 : i32
      %mul3A_75 = arith.muli %arg1, %mul3A_74 : i32
      %mul3A_76 = arith.constant 640 : i32
      %mul3A_77 = arith.muli %arg1, %mul3A_76 : i32
      "tpu.region"() ({
        %run_scoped3A = tpu.sem_alloc : memref<!tpu.dma_semaphore, #tpu.memory_space<semaphore_mem>>
        %dma_start3A_78 = arith.constant 0 : i32
        %dma_start3A_79 = tpu.memref_slice %arg9[%mul3A_77, %dma_start3A_78] : memref<10240x128xf32, #tpu.memory_space<vmem_shared>> -> memref<640x128xf32, #tpu.memory_space<vmem_shared>>
        %dma_start3A_80 = arith.constant 0 : i32
        %dma_start3A_81 = tpu.memref_slice %arg4[%mul3A_75, %dma_start3A_80] : memref<10240x128xf32, #tpu.memory_space<hbm>> -> memref<640x128xf32, #tpu.memory_space<hbm>>
        tpu.enqueue_dma source(%dma_start3A_81 : memref<640x128xf32, #tpu.memory_space<hbm>>) target(%dma_start3A_79 : memref<640x128xf32, #tpu.memory_space<vmem_shared>>) target_semaphore(%run_scoped3A : memref<!tpu.dma_semaphore, #tpu.memory_space<semaphore_mem>>)
        %dma_wait3A_82 = arith.constant 0 : i32
        %dma_wait3A_83 = tpu.memref_slice %arg9[%mul3A_77, %dma_wait3A_82] : memref<10240x128xf32, #tpu.memory_space<vmem_shared>> -> memref<640x128xf32, #tpu.memory_space<vmem_shared>>
        %dma_wait3A_84 = arith.constant 0 : i32
        %dma_wait3A_85 = tpu.memref_slice %arg4[%mul3A_75, %dma_wait3A_84] : memref<10240x128xf32, #tpu.memory_space<hbm>> -> memref<640x128xf32, #tpu.memory_space<hbm>>
        tpu.wait_dma2 semaphore(%run_scoped3A : memref<!tpu.dma_semaphore, #tpu.memory_space<semaphore_mem>>) src(%dma_wait3A_85 : memref<640x128xf32, #tpu.memory_space<hbm>>) dst(%dma_wait3A_83 : memref<640x128xf32, #tpu.memory_space<vmem_shared>>)
        tpu.yield
      }) : () -> ()
    } else {
    }
    %add3A_9 = arith.constant 0 : i32
    %add3A_10 = arith.addi %mul3A_2, %add3A_9 : i32
    %dma_start3A = arith.constant 0 : i32
    %dma_start3A_11 = tpu.memref_slice %arg6[%dma_start3A] : memref<5280xi32, #tpu.memory_space<vmem>> -> memref<2560xi32, #tpu.memory_space<vmem>>
    %dma_start3A_12 = tpu.memref_slice %arg2[%add3A_10] : memref<660480xi32, #tpu.memory_space<hbm>> -> memref<2560xi32, #tpu.memory_space<hbm>>
    %dma_start3A_13 = arith.constant 0 : i32
    %dma_start3A_14 = tpu.memref_slice %arg6[%dma_start3A_13] : memref<5280xi32, #tpu.memory_space<vmem>> -> memref<2560xi32, #tpu.memory_space<vmem>>
    %dma_start3A_15 = tpu.memref_slice %arg2[%add3A_10] : memref<660480xi32, #tpu.memory_space<hbm>> -> memref<2560xi32, #tpu.memory_space<hbm>>
    tpu.enqueue_dma source(%dma_start3A_15 : memref<2560xi32, #tpu.memory_space<hbm>>) target(%dma_start3A_14 : memref<2560xi32, #tpu.memory_space<vmem>>) target_semaphore(%arg12 : memref<!tpu.dma_semaphore, #tpu.memory_space<semaphore_mem>>)
    %add3A_16 = arith.constant 0 : i32
    %add3A_17 = arith.addi %mul3A_2, %add3A_16 : i32
    %dma_wait3A = arith.constant 0 : i32
    %dma_wait3A_18 = tpu.memref_slice %arg6[%dma_wait3A] : memref<5280xi32, #tpu.memory_space<vmem>> -> memref<2560xi32, #tpu.memory_space<vmem>>
    %dma_wait3A_19 = tpu.memref_slice %arg2[%add3A_17] : memref<660480xi32, #tpu.memory_space<hbm>> -> memref<2560xi32, #tpu.memory_space<hbm>>
    %dma_wait3A_20 = arith.constant 0 : i32
    %dma_wait3A_21 = tpu.memref_slice %arg6[%dma_wait3A_20] : memref<5280xi32, #tpu.memory_space<vmem>> -> memref<2560xi32, #tpu.memory_space<vmem>>
    %dma_wait3A_22 = tpu.memref_slice %arg2[%add3A_17] : memref<660480xi32, #tpu.memory_space<hbm>> -> memref<2560xi32, #tpu.memory_space<hbm>>
    tpu.wait_dma2 semaphore(%arg12 : memref<!tpu.dma_semaphore, #tpu.memory_space<semaphore_mem>>) src(%dma_wait3A_22 : memref<2560xi32, #tpu.memory_space<hbm>>) dst(%dma_wait3A_21 : memref<2560xi32, #tpu.memory_space<vmem>>)
    %dma_start3A_23 = arith.constant 0 : i32
    %dma_start3A_24 = tpu.memref_slice %arg6[%dma_start3A_23] : memref<5280xi32, #tpu.memory_space<vmem>> -> memref<160xi32, #tpu.memory_space<vmem>>
    %dma_start3A_25 = arith.constant 0 : i32
    %dma_start3A_26 = arith.constant 0 : i32
    %dma_start3A_27 = tpu.memref_slice %arg3[%dma_start3A_25, %dma_start3A_26] : memref<10240x128xf32, #tpu.memory_space<hbm>> -> memref<10240x128xf32, #tpu.memory_space<hbm>>
    tpu.enqueue_indirect_dma source(%dma_start3A_27 : memref<10240x128xf32, #tpu.memory_space<hbm>>) target(%arg7 : memref<160x128xf32, #tpu.memory_space<vmem>>) offsets(%dma_start3A_24 : memref<160xi32, #tpu.memory_space<vmem>>) semaphore(%arg10 : memref<!tpu.dma_semaphore, #tpu.memory_space<semaphore_mem>>)
    %barrier3A = arith.constant 0 : index
    tpu.barrier barrier_id(%barrier3A)
    %scan3A = arith.constant 0 : i32
    %scan3A_28 = arith.constant 0 : i32
    %scan3A_29 = arith.constant 30 : i32
    %scan3A_30 = arith.addi %scan3A_28, %scan3A_29 : i32
    %scan3A_31 = arith.constant 1 : i32
    scf.for %scan3A_74 = %scan3A_28 to %scan3A_30 step %scan3A_31  : i32 {
      %mul3A_75 = arith.constant 2 : i32
      %mul3A_76 = arith.muli %mul3A_75, %scan3A_74 : i32
      %add3A_77 = arith.constant 2 : i32
      %add3A_78 = arith.addi %mul3A_76, %add3A_77 : i32
      %jit3A = arith.constant 8 : i32
      %eq3A_79 = arith.constant 0 : i32
      %eq3A_80 = arith.cmpi eq, %jit3A, %eq3A_79 : i32
      %jit3A_81 = arith.constant 1 : i32
      %select_n3A = arith.select %eq3A_80, %jit3A_81, %jit3A : i32
      %rem3A = arith.remsi %add3A_78, %select_n3A : i32
      %ne3A_82 = arith.constant 0 : i32
      %ne3A_83 = arith.cmpi ne, %rem3A, %ne3A_82 : i32
      %lt3A = arith.constant 0 : i32
      %lt3A_84 = arith.cmpi slt, %rem3A, %lt3A : i32
      %lt3A_85 = arith.constant 0 : i32
      %lt3A_86 = arith.cmpi slt, %select_n3A, %lt3A_85 : i32
      %ne3A_87 = arith.xori %lt3A_84, %lt3A_86 : i1
      %and3A = arith.andi %ne3A_87, %ne3A_83 : i1
      %add3A_88 = arith.addi %rem3A, %select_n3A : i32
      %select_n3A_89 = arith.select %and3A, %add3A_88, %rem3A : i32
      %eq3A_90 = arith.constant 0 : i32
      %eq3A_91 = arith.cmpi eq, %select_n3A_89, %eq3A_90 : i32
      %convert_element_type3A_92 = arith.extui %eq3A_91 : i1 to i32
      %cond3A_93 = arith.constant 0 : i32
      %cond3A_94 = arith.cmpi ne, %convert_element_type3A_92, %cond3A_93 : i32
      scf.if %cond3A_94 {
        %add3A_489 = arith.constant 2 : i32
        %add3A_490 = arith.addi %mul3A_76, %add3A_489 : i32
        %jit3A_491 = arith.constant 8 : i32
        %div3A_492 = arith.divsi %add3A_490, %jit3A_491 : i32
        %sign3A_493 = arith.constant 0 : i32
        %sign3A_494 = arith.cmpi sgt, %add3A_490, %sign3A_493 : i32
        %sign3A_495 = arith.extui %sign3A_494 : i1 to i32
        %sign3A_496 = arith.constant 0 : i32
        %sign3A_497 = arith.cmpi slt, %add3A_490, %sign3A_496 : i32
        %sign3A_498 = arith.extui %sign3A_497 : i1 to i32
        %sign3A_499 = arith.subi %sign3A_495, %sign3A_498 : i32
        %sign3A_500 = arith.constant 0 : i32
        %sign3A_501 = arith.cmpi sgt, %jit3A_491, %sign3A_500 : i32
        %sign3A_502 = arith.extui %sign3A_501 : i1 to i32
        %sign3A_503 = arith.constant 0 : i32
        %sign3A_504 = arith.cmpi slt, %jit3A_491, %sign3A_503 : i32
        %sign3A_505 = arith.extui %sign3A_504 : i1 to i32
        %sign3A_506 = arith.subi %sign3A_502, %sign3A_505 : i32
        %ne3A_507 = arith.cmpi ne, %sign3A_499, %sign3A_506 : i32
        %rem3A_508 = arith.remsi %add3A_490, %jit3A_491 : i32
        %ne3A_509 = arith.constant 0 : i32
        %ne3A_510 = arith.cmpi ne, %rem3A_508, %ne3A_509 : i32
        %and3A_511 = arith.andi %ne3A_507, %ne3A_510 : i1
        %sub3A_512 = arith.constant 1 : i32
        %sub3A_513 = arith.subi %div3A_492, %sub3A_512 : i32
        %select_n3A_514 = arith.select %and3A_511, %sub3A_513, %div3A_492 : i32
        %mul3A_515 = arith.constant 2560 : i32
        %mul3A_516 = arith.muli %select_n3A_514, %mul3A_515 : i32
        %add3A_517 = arith.addi %mul3A_2, %mul3A_516 : i32
        %jit3A_518 = arith.constant 2 : i32
        %eq3A_519 = arith.constant 0 : i32
        %eq3A_520 = arith.cmpi eq, %jit3A_518, %eq3A_519 : i32
        %jit3A_521 = arith.constant 1 : i32
        %select_n3A_522 = arith.select %eq3A_520, %jit3A_521, %jit3A_518 : i32
        %rem3A_523 = arith.remsi %select_n3A_514, %select_n3A_522 : i32
        %ne3A_524 = arith.constant 0 : i32
        %ne3A_525 = arith.cmpi ne, %rem3A_523, %ne3A_524 : i32
        %lt3A_526 = arith.constant 0 : i32
        %lt3A_527 = arith.cmpi slt, %rem3A_523, %lt3A_526 : i32
        %lt3A_528 = arith.constant 0 : i32
        %lt3A_529 = arith.cmpi slt, %select_n3A_522, %lt3A_528 : i32
        %ne3A_530 = arith.xori %lt3A_527, %lt3A_529 : i1
        %and3A_531 = arith.andi %ne3A_530, %ne3A_525 : i1
        %add3A_532 = arith.addi %rem3A_523, %select_n3A_522 : i32
        %select_n3A_533 = arith.select %and3A_531, %add3A_532, %rem3A_523 : i32
        %mul3A_534 = arith.constant 2560 : i32
        %mul3A_535 = arith.muli %select_n3A_533, %mul3A_534 : i32
        %dma_start3A_536 = tpu.memref_slice %arg6[%mul3A_535] : memref<5280xi32, #tpu.memory_space<vmem>> -> memref<2560xi32, #tpu.memory_space<vmem>>
        %dma_start3A_537 = tpu.memref_slice %arg2[%add3A_517] : memref<660480xi32, #tpu.memory_space<hbm>> -> memref<2560xi32, #tpu.memory_space<hbm>>
        %dma_start3A_538 = tpu.memref_slice %arg6[%mul3A_535] : memref<5280xi32, #tpu.memory_space<vmem>> -> memref<2560xi32, #tpu.memory_space<vmem>>
        %dma_start3A_539 = tpu.memref_slice %arg2[%add3A_517] : memref<660480xi32, #tpu.memory_space<hbm>> -> memref<2560xi32, #tpu.memory_space<hbm>>
        tpu.enqueue_dma source(%dma_start3A_539 : memref<2560xi32, #tpu.memory_space<hbm>>) target(%dma_start3A_538 : memref<2560xi32, #tpu.memory_space<vmem>>) target_semaphore(%arg12 : memref<!tpu.dma_semaphore, #tpu.memory_space<semaphore_mem>>)
      } else {
      }
      %jit3A_95 = arith.constant 8 : i32
      %div3A = arith.divsi %mul3A_76, %jit3A_95 : i32
      %sign3A = arith.constant 0 : i32
      %sign3A_96 = arith.cmpi sgt, %mul3A_76, %sign3A : i32
      %sign3A_97 = arith.extui %sign3A_96 : i1 to i32
      %sign3A_98 = arith.constant 0 : i32
      %sign3A_99 = arith.cmpi slt, %mul3A_76, %sign3A_98 : i32
      %sign3A_100 = arith.extui %sign3A_99 : i1 to i32
      %sign3A_101 = arith.subi %sign3A_97, %sign3A_100 : i32
      %sign3A_102 = arith.constant 0 : i32
      %sign3A_103 = arith.cmpi sgt, %jit3A_95, %sign3A_102 : i32
      %sign3A_104 = arith.extui %sign3A_103 : i1 to i32
      %sign3A_105 = arith.constant 0 : i32
      %sign3A_106 = arith.cmpi slt, %jit3A_95, %sign3A_105 : i32
      %sign3A_107 = arith.extui %sign3A_106 : i1 to i32
      %sign3A_108 = arith.subi %sign3A_104, %sign3A_107 : i32
      %ne3A_109 = arith.cmpi ne, %sign3A_101, %sign3A_108 : i32
      %rem3A_110 = arith.remsi %mul3A_76, %jit3A_95 : i32
      %ne3A_111 = arith.constant 0 : i32
      %ne3A_112 = arith.cmpi ne, %rem3A_110, %ne3A_111 : i32
      %and3A_113 = arith.andi %ne3A_109, %ne3A_112 : i1
      %sub3A = arith.constant 1 : i32
      %sub3A_114 = arith.subi %div3A, %sub3A : i32
      %select_n3A_115 = arith.select %and3A_113, %sub3A_114, %div3A : i32
      %jit3A_116 = arith.constant 2 : i32
      %eq3A_117 = arith.constant 0 : i32
      %eq3A_118 = arith.cmpi eq, %jit3A_116, %eq3A_117 : i32
      %jit3A_119 = arith.constant 1 : i32
      %select_n3A_120 = arith.select %eq3A_118, %jit3A_119, %jit3A_116 : i32
      %rem3A_121 = arith.remsi %select_n3A_115, %select_n3A_120 : i32
      %ne3A_122 = arith.constant 0 : i32
      %ne3A_123 = arith.cmpi ne, %rem3A_121, %ne3A_122 : i32
      %lt3A_124 = arith.constant 0 : i32
      %lt3A_125 = arith.cmpi slt, %rem3A_121, %lt3A_124 : i32
      %lt3A_126 = arith.constant 0 : i32
      %lt3A_127 = arith.cmpi slt, %select_n3A_120, %lt3A_126 : i32
      %ne3A_128 = arith.xori %lt3A_125, %lt3A_127 : i1
      %and3A_129 = arith.andi %ne3A_128, %ne3A_123 : i1
      %add3A_130 = arith.addi %rem3A_121, %select_n3A_120 : i32
      %select_n3A_131 = arith.select %and3A_129, %add3A_130, %rem3A_121 : i32
      %mul3A_132 = arith.constant 2560 : i32
      %mul3A_133 = arith.muli %select_n3A_131, %mul3A_132 : i32
      %jit3A_134 = arith.constant 8 : i32
      %eq3A_135 = arith.constant 0 : i32
      %eq3A_136 = arith.cmpi eq, %jit3A_134, %eq3A_135 : i32
      %jit3A_137 = arith.constant 1 : i32
      %select_n3A_138 = arith.select %eq3A_136, %jit3A_137, %jit3A_134 : i32
      %rem3A_139 = arith.remsi %mul3A_76, %select_n3A_138 : i32
      %ne3A_140 = arith.constant 0 : i32
      %ne3A_141 = arith.cmpi ne, %rem3A_139, %ne3A_140 : i32
      %lt3A_142 = arith.constant 0 : i32
      %lt3A_143 = arith.cmpi slt, %rem3A_139, %lt3A_142 : i32
      %lt3A_144 = arith.constant 0 : i32
      %lt3A_145 = arith.cmpi slt, %select_n3A_138, %lt3A_144 : i32
      %ne3A_146 = arith.xori %lt3A_143, %lt3A_145 : i1
      %and3A_147 = arith.andi %ne3A_146, %ne3A_141 : i1
      %add3A_148 = arith.addi %rem3A_139, %select_n3A_138 : i32
      %select_n3A_149 = arith.select %and3A_147, %add3A_148, %rem3A_139 : i32
      %mul3A_150 = arith.constant 160 : i32
      %mul3A_151 = arith.muli %select_n3A_149, %mul3A_150 : i32
      %add3A_152 = arith.addi %mul3A_133, %mul3A_151 : i32
      %dma_wait3A_153 = tpu.memref_slice %arg6[%add3A_152] : memref<5280xi32, #tpu.memory_space<vmem>> -> memref<160xi32, #tpu.memory_space<vmem>>
      %dma_wait3A_154 = arith.constant 0 : i32
      %dma_wait3A_155 = arith.constant 0 : i32
      %dma_wait3A_156 = tpu.memref_slice %arg3[%dma_wait3A_154, %dma_wait3A_155] : memref<10240x128xf32, #tpu.memory_space<hbm>> -> memref<10240x128xf32, #tpu.memory_space<hbm>>
      tpu.wait_indirect_dma semaphore(%arg10 : memref<!tpu.dma_semaphore, #tpu.memory_space<semaphore_mem>>) src(%dma_wait3A_156 : memref<10240x128xf32, #tpu.memory_space<hbm>>) dst(%arg7 : memref<160x128xf32, #tpu.memory_space<vmem>>)
      %add3A_157 = arith.constant 1 : i32
      %add3A_158 = arith.addi %mul3A_76, %add3A_157 : i32
      %jit3A_159 = arith.constant 8 : i32
      %div3A_160 = arith.divsi %add3A_158, %jit3A_159 : i32
      %sign3A_161 = arith.constant 0 : i32
      %sign3A_162 = arith.cmpi sgt, %add3A_158, %sign3A_161 : i32
      %sign3A_163 = arith.extui %sign3A_162 : i1 to i32
      %sign3A_164 = arith.constant 0 : i32
      %sign3A_165 = arith.cmpi slt, %add3A_158, %sign3A_164 : i32
      %sign3A_166 = arith.extui %sign3A_165 : i1 to i32
      %sign3A_167 = arith.subi %sign3A_163, %sign3A_166 : i32
      %sign3A_168 = arith.constant 0 : i32
      %sign3A_169 = arith.cmpi sgt, %jit3A_159, %sign3A_168 : i32
      %sign3A_170 = arith.extui %sign3A_169 : i1 to i32
      %sign3A_171 = arith.constant 0 : i32
      %sign3A_172 = arith.cmpi slt, %jit3A_159, %sign3A_171 : i32
      %sign3A_173 = arith.extui %sign3A_172 : i1 to i32
      %sign3A_174 = arith.subi %sign3A_170, %sign3A_173 : i32
      %ne3A_175 = arith.cmpi ne, %sign3A_167, %sign3A_174 : i32
      %rem3A_176 = arith.remsi %add3A_158, %jit3A_159 : i32
      %ne3A_177 = arith.constant 0 : i32
      %ne3A_178 = arith.cmpi ne, %rem3A_176, %ne3A_177 : i32
      %and3A_179 = arith.andi %ne3A_175, %ne3A_178 : i1
      %sub3A_180 = arith.constant 1 : i32
      %sub3A_181 = arith.subi %div3A_160, %sub3A_180 : i32
      %select_n3A_182 = arith.select %and3A_179, %sub3A_181, %div3A_160 : i32
      %jit3A_183 = arith.constant 2 : i32
      %eq3A_184 = arith.constant 0 : i32
      %eq3A_185 = arith.cmpi eq, %jit3A_183, %eq3A_184 : i32
      %jit3A_186 = arith.constant 1 : i32
      %select_n3A_187 = arith.select %eq3A_185, %jit3A_186, %jit3A_183 : i32
      %rem3A_188 = arith.remsi %select_n3A_182, %select_n3A_187 : i32
      %ne3A_189 = arith.constant 0 : i32
      %ne3A_190 = arith.cmpi ne, %rem3A_188, %ne3A_189 : i32
      %lt3A_191 = arith.constant 0 : i32
      %lt3A_192 = arith.cmpi slt, %rem3A_188, %lt3A_191 : i32
      %lt3A_193 = arith.constant 0 : i32
      %lt3A_194 = arith.cmpi slt, %select_n3A_187, %lt3A_193 : i32
      %ne3A_195 = arith.xori %lt3A_192, %lt3A_194 : i1
      %and3A_196 = arith.andi %ne3A_195, %ne3A_190 : i1
      %add3A_197 = arith.addi %rem3A_188, %select_n3A_187 : i32
      %select_n3A_198 = arith.select %and3A_196, %add3A_197, %rem3A_188 : i32
      %mul3A_199 = arith.constant 2560 : i32
      %mul3A_200 = arith.muli %select_n3A_198, %mul3A_199 : i32
      %jit3A_201 = arith.constant 8 : i32
      %eq3A_202 = arith.constant 0 : i32
      %eq3A_203 = arith.cmpi eq, %jit3A_201, %eq3A_202 : i32
      %jit3A_204 = arith.constant 1 : i32
      %select_n3A_205 = arith.select %eq3A_203, %jit3A_204, %jit3A_201 : i32
      %rem3A_206 = arith.remsi %add3A_158, %select_n3A_205 : i32
      %ne3A_207 = arith.constant 0 : i32
      %ne3A_208 = arith.cmpi ne, %rem3A_206, %ne3A_207 : i32
      %lt3A_209 = arith.constant 0 : i32
      %lt3A_210 = arith.cmpi slt, %rem3A_206, %lt3A_209 : i32
      %lt3A_211 = arith.constant 0 : i32
      %lt3A_212 = arith.cmpi slt, %select_n3A_205, %lt3A_211 : i32
      %ne3A_213 = arith.xori %lt3A_210, %lt3A_212 : i1
      %and3A_214 = arith.andi %ne3A_213, %ne3A_208 : i1
      %add3A_215 = arith.addi %rem3A_206, %select_n3A_205 : i32
      %select_n3A_216 = arith.select %and3A_214, %add3A_215, %rem3A_206 : i32
      %mul3A_217 = arith.constant 160 : i32
      %mul3A_218 = arith.muli %select_n3A_216, %mul3A_217 : i32
      %add3A_219 = arith.addi %mul3A_200, %mul3A_218 : i32
      %dma_start3A_220 = tpu.memref_slice %arg6[%add3A_219] : memref<5280xi32, #tpu.memory_space<vmem>> -> memref<160xi32, #tpu.memory_space<vmem>>
      %dma_start3A_221 = arith.constant 0 : i32
      %dma_start3A_222 = arith.constant 0 : i32
      %dma_start3A_223 = tpu.memref_slice %arg3[%dma_start3A_221, %dma_start3A_222] : memref<10240x128xf32, #tpu.memory_space<hbm>> -> memref<10240x128xf32, #tpu.memory_space<hbm>>
      tpu.enqueue_indirect_dma source(%dma_start3A_223 : memref<10240x128xf32, #tpu.memory_space<hbm>>) target(%arg8 : memref<160x128xf32, #tpu.memory_space<vmem>>) offsets(%dma_start3A_220 : memref<160xi32, #tpu.memory_space<vmem>>) semaphore(%arg11 : memref<!tpu.dma_semaphore, #tpu.memory_space<semaphore_mem>>)
      %jit3A_224 = arith.constant 8 : i32
      %div3A_225 = arith.divsi %mul3A_76, %jit3A_224 : i32
      %sign3A_226 = arith.constant 0 : i32
      %sign3A_227 = arith.cmpi sgt, %mul3A_76, %sign3A_226 : i32
      %sign3A_228 = arith.extui %sign3A_227 : i1 to i32
      %sign3A_229 = arith.constant 0 : i32
      %sign3A_230 = arith.cmpi slt, %mul3A_76, %sign3A_229 : i32
      %sign3A_231 = arith.extui %sign3A_230 : i1 to i32
      %sign3A_232 = arith.subi %sign3A_228, %sign3A_231 : i32
      %sign3A_233 = arith.constant 0 : i32
      %sign3A_234 = arith.cmpi sgt, %jit3A_224, %sign3A_233 : i32
      %sign3A_235 = arith.extui %sign3A_234 : i1 to i32
      %sign3A_236 = arith.constant 0 : i32
      %sign3A_237 = arith.cmpi slt, %jit3A_224, %sign3A_236 : i32
      %sign3A_238 = arith.extui %sign3A_237 : i1 to i32
      %sign3A_239 = arith.subi %sign3A_235, %sign3A_238 : i32
      %ne3A_240 = arith.cmpi ne, %sign3A_232, %sign3A_239 : i32
      %rem3A_241 = arith.remsi %mul3A_76, %jit3A_224 : i32
      %ne3A_242 = arith.constant 0 : i32
      %ne3A_243 = arith.cmpi ne, %rem3A_241, %ne3A_242 : i32
      %and3A_244 = arith.andi %ne3A_240, %ne3A_243 : i1
      %sub3A_245 = arith.constant 1 : i32
      %sub3A_246 = arith.subi %div3A_225, %sub3A_245 : i32
      %select_n3A_247 = arith.select %and3A_244, %sub3A_246, %div3A_225 : i32
      %jit3A_248 = arith.constant 2 : i32
      %eq3A_249 = arith.constant 0 : i32
      %eq3A_250 = arith.cmpi eq, %jit3A_248, %eq3A_249 : i32
      %jit3A_251 = arith.constant 1 : i32
      %select_n3A_252 = arith.select %eq3A_250, %jit3A_251, %jit3A_248 : i32
      %rem3A_253 = arith.remsi %select_n3A_247, %select_n3A_252 : i32
      %ne3A_254 = arith.constant 0 : i32
      %ne3A_255 = arith.cmpi ne, %rem3A_253, %ne3A_254 : i32
      %lt3A_256 = arith.constant 0 : i32
      %lt3A_257 = arith.cmpi slt, %rem3A_253, %lt3A_256 : i32
      %lt3A_258 = arith.constant 0 : i32
      %lt3A_259 = arith.cmpi slt, %select_n3A_252, %lt3A_258 : i32
      %ne3A_260 = arith.xori %lt3A_257, %lt3A_259 : i1
      %and3A_261 = arith.andi %ne3A_260, %ne3A_255 : i1
      %add3A_262 = arith.addi %rem3A_253, %select_n3A_252 : i32
      %select_n3A_263 = arith.select %and3A_261, %add3A_262, %rem3A_253 : i32
      %mul3A_264 = arith.constant 2560 : i32
      %mul3A_265 = arith.muli %select_n3A_263, %mul3A_264 : i32
      %add3A_266 = arith.constant 1280 : i32
      %add3A_267 = arith.addi %mul3A_265, %add3A_266 : i32
      %jit3A_268 = arith.constant 8 : i32
      %eq3A_269 = arith.constant 0 : i32
      %eq3A_270 = arith.cmpi eq, %jit3A_268, %eq3A_269 : i32
      %jit3A_271 = arith.constant 1 : i32
      %select_n3A_272 = arith.select %eq3A_270, %jit3A_271, %jit3A_268 : i32
      %rem3A_273 = arith.remsi %mul3A_76, %select_n3A_272 : i32
      %ne3A_274 = arith.constant 0 : i32
      %ne3A_275 = arith.cmpi ne, %rem3A_273, %ne3A_274 : i32
      %lt3A_276 = arith.constant 0 : i32
      %lt3A_277 = arith.cmpi slt, %rem3A_273, %lt3A_276 : i32
      %lt3A_278 = arith.constant 0 : i32
      %lt3A_279 = arith.cmpi slt, %select_n3A_272, %lt3A_278 : i32
      %ne3A_280 = arith.xori %lt3A_277, %lt3A_279 : i1
      %and3A_281 = arith.andi %ne3A_280, %ne3A_275 : i1
      %add3A_282 = arith.addi %rem3A_273, %select_n3A_272 : i32
      %select_n3A_283 = arith.select %and3A_281, %add3A_282, %rem3A_273 : i32
      %mul3A_284 = arith.constant 160 : i32
      %mul3A_285 = arith.muli %select_n3A_283, %mul3A_284 : i32
      %add3A_286 = arith.addi %add3A_267, %mul3A_285 : i32
      "tpu.region"() ({
        %run_scoped3A = tpu.sem_alloc : memref<!tpu.dma_semaphore, #tpu.memory_space<semaphore_mem>>
        %dma_start3A_489 = tpu.memref_slice %arg6[%add3A_286] : memref<5280xi32, #tpu.memory_space<vmem>> -> memref<160xi32, #tpu.memory_space<vmem>>
        %dma_start3A_490 = arith.constant 0 : i32
        %dma_start3A_491 = arith.constant 0 : i32
        %dma_start3A_492 = tpu.memref_slice %arg9[%dma_start3A_490, %dma_start3A_491] : memref<10240x128xf32, #tpu.memory_space<vmem_shared>> -> memref<10240x128xf32, #tpu.memory_space<vmem_shared>>
        tpu.enqueue_indirect_dma source(%arg7 : memref<160x128xf32, #tpu.memory_space<vmem>>) target(%dma_start3A_492 : memref<10240x128xf32, #tpu.memory_space<vmem_shared>>) offsets(%dma_start3A_489 : memref<160xi32, #tpu.memory_space<vmem>>) semaphore(%run_scoped3A : memref<!tpu.dma_semaphore, #tpu.memory_space<semaphore_mem>>) {add = true}
        %dma_wait3A_493 = tpu.memref_slice %arg6[%add3A_286] : memref<5280xi32, #tpu.memory_space<vmem>> -> memref<160xi32, #tpu.memory_space<vmem>>
        %dma_wait3A_494 = arith.constant 0 : i32
        %dma_wait3A_495 = arith.constant 0 : i32
        %dma_wait3A_496 = tpu.memref_slice %arg9[%dma_wait3A_494, %dma_wait3A_495] : memref<10240x128xf32, #tpu.memory_space<vmem_shared>> -> memref<10240x128xf32, #tpu.memory_space<vmem_shared>>
        tpu.wait_indirect_dma semaphore(%run_scoped3A : memref<!tpu.dma_semaphore, #tpu.memory_space<semaphore_mem>>) src(%arg7 : memref<160x128xf32, #tpu.memory_space<vmem>>) dst(%dma_wait3A_496 : memref<10240x128xf32, #tpu.memory_space<vmem_shared>>)
        tpu.yield
      }) : () -> ()
      %add3A_287 = arith.constant 1 : i32
      %add3A_288 = arith.addi %mul3A_76, %add3A_287 : i32
      %jit3A_289 = arith.constant 8 : i32
      %div3A_290 = arith.divsi %add3A_288, %jit3A_289 : i32
      %sign3A_291 = arith.constant 0 : i32
      %sign3A_292 = arith.cmpi sgt, %add3A_288, %sign3A_291 : i32
      %sign3A_293 = arith.extui %sign3A_292 : i1 to i32
      %sign3A_294 = arith.constant 0 : i32
      %sign3A_295 = arith.cmpi slt, %add3A_288, %sign3A_294 : i32
      %sign3A_296 = arith.extui %sign3A_295 : i1 to i32
      %sign3A_297 = arith.subi %sign3A_293, %sign3A_296 : i32
      %sign3A_298 = arith.constant 0 : i32
      %sign3A_299 = arith.cmpi sgt, %jit3A_289, %sign3A_298 : i32
      %sign3A_300 = arith.extui %sign3A_299 : i1 to i32
      %sign3A_301 = arith.constant 0 : i32
      %sign3A_302 = arith.cmpi slt, %jit3A_289, %sign3A_301 : i32
      %sign3A_303 = arith.extui %sign3A_302 : i1 to i32
      %sign3A_304 = arith.subi %sign3A_300, %sign3A_303 : i32
      %ne3A_305 = arith.cmpi ne, %sign3A_297, %sign3A_304 : i32
      %rem3A_306 = arith.remsi %add3A_288, %jit3A_289 : i32
      %ne3A_307 = arith.constant 0 : i32
      %ne3A_308 = arith.cmpi ne, %rem3A_306, %ne3A_307 : i32
      %and3A_309 = arith.andi %ne3A_305, %ne3A_308 : i1
      %sub3A_310 = arith.constant 1 : i32
      %sub3A_311 = arith.subi %div3A_290, %sub3A_310 : i32
      %select_n3A_312 = arith.select %and3A_309, %sub3A_311, %div3A_290 : i32
      %jit3A_313 = arith.constant 2 : i32
      %eq3A_314 = arith.constant 0 : i32
      %eq3A_315 = arith.cmpi eq, %jit3A_313, %eq3A_314 : i32
      %jit3A_316 = arith.constant 1 : i32
      %select_n3A_317 = arith.select %eq3A_315, %jit3A_316, %jit3A_313 : i32
      %rem3A_318 = arith.remsi %select_n3A_312, %select_n3A_317 : i32
      %ne3A_319 = arith.constant 0 : i32
      %ne3A_320 = arith.cmpi ne, %rem3A_318, %ne3A_319 : i32
      %lt3A_321 = arith.constant 0 : i32
      %lt3A_322 = arith.cmpi slt, %rem3A_318, %lt3A_321 : i32
      %lt3A_323 = arith.constant 0 : i32
      %lt3A_324 = arith.cmpi slt, %select_n3A_317, %lt3A_323 : i32
      %ne3A_325 = arith.xori %lt3A_322, %lt3A_324 : i1
      %and3A_326 = arith.andi %ne3A_325, %ne3A_320 : i1
      %add3A_327 = arith.addi %rem3A_318, %select_n3A_317 : i32
      %select_n3A_328 = arith.select %and3A_326, %add3A_327, %rem3A_318 : i32
      %mul3A_329 = arith.constant 2560 : i32
      %mul3A_330 = arith.muli %select_n3A_328, %mul3A_329 : i32
      %jit3A_331 = arith.constant 8 : i32
      %eq3A_332 = arith.constant 0 : i32
      %eq3A_333 = arith.cmpi eq, %jit3A_331, %eq3A_332 : i32
      %jit3A_334 = arith.constant 1 : i32
      %select_n3A_335 = arith.select %eq3A_333, %jit3A_334, %jit3A_331 : i32
      %rem3A_336 = arith.remsi %add3A_288, %select_n3A_335 : i32
      %ne3A_337 = arith.constant 0 : i32
      %ne3A_338 = arith.cmpi ne, %rem3A_336, %ne3A_337 : i32
      %lt3A_339 = arith.constant 0 : i32
      %lt3A_340 = arith.cmpi slt, %rem3A_336, %lt3A_339 : i32
      %lt3A_341 = arith.constant 0 : i32
      %lt3A_342 = arith.cmpi slt, %select_n3A_335, %lt3A_341 : i32
      %ne3A_343 = arith.xori %lt3A_340, %lt3A_342 : i1
      %and3A_344 = arith.andi %ne3A_343, %ne3A_338 : i1
      %add3A_345 = arith.addi %rem3A_336, %select_n3A_335 : i32
      %select_n3A_346 = arith.select %and3A_344, %add3A_345, %rem3A_336 : i32
      %mul3A_347 = arith.constant 160 : i32
      %mul3A_348 = arith.muli %select_n3A_346, %mul3A_347 : i32
      %add3A_349 = arith.addi %mul3A_330, %mul3A_348 : i32
      %dma_wait3A_350 = tpu.memref_slice %arg6[%add3A_349] : memref<5280xi32, #tpu.memory_space<vmem>> -> memref<160xi32, #tpu.memory_space<vmem>>
      %dma_wait3A_351 = arith.constant 0 : i32
      %dma_wait3A_352 = arith.constant 0 : i32
      %dma_wait3A_353 = tpu.memref_slice %arg3[%dma_wait3A_351, %dma_wait3A_352] : memref<10240x128xf32, #tpu.memory_space<hbm>> -> memref<10240x128xf32, #tpu.memory_space<hbm>>
      tpu.wait_indirect_dma semaphore(%arg11 : memref<!tpu.dma_semaphore, #tpu.memory_space<semaphore_mem>>) src(%dma_wait3A_353 : memref<10240x128xf32, #tpu.memory_space<hbm>>) dst(%arg8 : memref<160x128xf32, #tpu.memory_space<vmem>>)
      %convert_element_type3A_354 = arith.extui %eq3A_91 : i1 to i32
      %cond3A_355 = arith.constant 0 : i32
      %cond3A_356 = arith.cmpi ne, %convert_element_type3A_354, %cond3A_355 : i32
      scf.if %cond3A_356 {
        %add3A_489 = arith.constant 2 : i32
        %add3A_490 = arith.addi %mul3A_76, %add3A_489 : i32
        %jit3A_491 = arith.constant 8 : i32
        %div3A_492 = arith.divsi %add3A_490, %jit3A_491 : i32
        %sign3A_493 = arith.constant 0 : i32
        %sign3A_494 = arith.cmpi sgt, %add3A_490, %sign3A_493 : i32
        %sign3A_495 = arith.extui %sign3A_494 : i1 to i32
        %sign3A_496 = arith.constant 0 : i32
        %sign3A_497 = arith.cmpi slt, %add3A_490, %sign3A_496 : i32
        %sign3A_498 = arith.extui %sign3A_497 : i1 to i32
        %sign3A_499 = arith.subi %sign3A_495, %sign3A_498 : i32
        %sign3A_500 = arith.constant 0 : i32
        %sign3A_501 = arith.cmpi sgt, %jit3A_491, %sign3A_500 : i32
        %sign3A_502 = arith.extui %sign3A_501 : i1 to i32
        %sign3A_503 = arith.constant 0 : i32
        %sign3A_504 = arith.cmpi slt, %jit3A_491, %sign3A_503 : i32
        %sign3A_505 = arith.extui %sign3A_504 : i1 to i32
        %sign3A_506 = arith.subi %sign3A_502, %sign3A_505 : i32
        %ne3A_507 = arith.cmpi ne, %sign3A_499, %sign3A_506 : i32
        %rem3A_508 = arith.remsi %add3A_490, %jit3A_491 : i32
        %ne3A_509 = arith.constant 0 : i32
        %ne3A_510 = arith.cmpi ne, %rem3A_508, %ne3A_509 : i32
        %and3A_511 = arith.andi %ne3A_507, %ne3A_510 : i1
        %sub3A_512 = arith.constant 1 : i32
        %sub3A_513 = arith.subi %div3A_492, %sub3A_512 : i32
        %select_n3A_514 = arith.select %and3A_511, %sub3A_513, %div3A_492 : i32
        %mul3A_515 = arith.constant 2560 : i32
        %mul3A_516 = arith.muli %select_n3A_514, %mul3A_515 : i32
        %add3A_517 = arith.addi %mul3A_2, %mul3A_516 : i32
        %jit3A_518 = arith.constant 2 : i32
        %eq3A_519 = arith.constant 0 : i32
        %eq3A_520 = arith.cmpi eq, %jit3A_518, %eq3A_519 : i32
        %jit3A_521 = arith.constant 1 : i32
        %select_n3A_522 = arith.select %eq3A_520, %jit3A_521, %jit3A_518 : i32
        %rem3A_523 = arith.remsi %select_n3A_514, %select_n3A_522 : i32
        %ne3A_524 = arith.constant 0 : i32
        %ne3A_525 = arith.cmpi ne, %rem3A_523, %ne3A_524 : i32
        %lt3A_526 = arith.constant 0 : i32
        %lt3A_527 = arith.cmpi slt, %rem3A_523, %lt3A_526 : i32
        %lt3A_528 = arith.constant 0 : i32
        %lt3A_529 = arith.cmpi slt, %select_n3A_522, %lt3A_528 : i32
        %ne3A_530 = arith.xori %lt3A_527, %lt3A_529 : i1
        %and3A_531 = arith.andi %ne3A_530, %ne3A_525 : i1
        %add3A_532 = arith.addi %rem3A_523, %select_n3A_522 : i32
        %select_n3A_533 = arith.select %and3A_531, %add3A_532, %rem3A_523 : i32
        %mul3A_534 = arith.constant 2560 : i32
        %mul3A_535 = arith.muli %select_n3A_533, %mul3A_534 : i32
        %dma_wait3A_536 = tpu.memref_slice %arg6[%mul3A_535] : memref<5280xi32, #tpu.memory_space<vmem>> -> memref<2560xi32, #tpu.memory_space<vmem>>
        %dma_wait3A_537 = tpu.memref_slice %arg2[%add3A_517] : memref<660480xi32, #tpu.memory_space<hbm>> -> memref<2560xi32, #tpu.memory_space<hbm>>
        %dma_wait3A_538 = tpu.memref_slice %arg6[%mul3A_535] : memref<5280xi32, #tpu.memory_space<vmem>> -> memref<2560xi32, #tpu.memory_space<vmem>>
        %dma_wait3A_539 = tpu.memref_slice %arg2[%add3A_517] : memref<660480xi32, #tpu.memory_space<hbm>> -> memref<2560xi32, #tpu.memory_space<hbm>>
        tpu.wait_dma2 semaphore(%arg12 : memref<!tpu.dma_semaphore, #tpu.memory_space<semaphore_mem>>) src(%dma_wait3A_539 : memref<2560xi32, #tpu.memory_space<hbm>>) dst(%dma_wait3A_538 : memref<2560xi32, #tpu.memory_space<vmem>>)
      } else {
      }
      %add3A_357 = arith.constant 2 : i32
      %add3A_358 = arith.addi %mul3A_76, %add3A_357 : i32
      %jit3A_359 = arith.constant 8 : i32
      %div3A_360 = arith.divsi %add3A_358, %jit3A_359 : i32
      %sign3A_361 = arith.constant 0 : i32
      %sign3A_362 = arith.cmpi sgt, %add3A_358, %sign3A_361 : i32
      %sign3A_363 = arith.extui %sign3A_362 : i1 to i32
      %sign3A_364 = arith.constant 0 : i32
      %sign3A_365 = arith.cmpi slt, %add3A_358, %sign3A_364 : i32
      %sign3A_366 = arith.extui %sign3A_365 : i1 to i32
      %sign3A_367 = arith.subi %sign3A_363, %sign3A_366 : i32
      %sign3A_368 = arith.constant 0 : i32
      %sign3A_369 = arith.cmpi sgt, %jit3A_359, %sign3A_368 : i32
      %sign3A_370 = arith.extui %sign3A_369 : i1 to i32
      %sign3A_371 = arith.constant 0 : i32
      %sign3A_372 = arith.cmpi slt, %jit3A_359, %sign3A_371 : i32
      %sign3A_373 = arith.extui %sign3A_372 : i1 to i32
      %sign3A_374 = arith.subi %sign3A_370, %sign3A_373 : i32
      %ne3A_375 = arith.cmpi ne, %sign3A_367, %sign3A_374 : i32
      %rem3A_376 = arith.remsi %add3A_358, %jit3A_359 : i32
      %ne3A_377 = arith.constant 0 : i32
      %ne3A_378 = arith.cmpi ne, %rem3A_376, %ne3A_377 : i32
      %and3A_379 = arith.andi %ne3A_375, %ne3A_378 : i1
      %sub3A_380 = arith.constant 1 : i32
      %sub3A_381 = arith.subi %div3A_360, %sub3A_380 : i32
      %select_n3A_382 = arith.select %and3A_379, %sub3A_381, %div3A_360 : i32
      %jit3A_383 = arith.constant 2 : i32
      %eq3A_384 = arith.constant 0 : i32
      %eq3A_385 = arith.cmpi eq, %jit3A_383, %eq3A_384 : i32
      %jit3A_386 = arith.constant 1 : i32
      %select_n3A_387 = arith.select %eq3A_385, %jit3A_386, %jit3A_383 : i32
      %rem3A_388 = arith.remsi %select_n3A_382, %select_n3A_387 : i32
      %ne3A_389 = arith.constant 0 : i32
      %ne3A_390 = arith.cmpi ne, %rem3A_388, %ne3A_389 : i32
      %lt3A_391 = arith.constant 0 : i32
      %lt3A_392 = arith.cmpi slt, %rem3A_388, %lt3A_391 : i32
      %lt3A_393 = arith.constant 0 : i32
      %lt3A_394 = arith.cmpi slt, %select_n3A_387, %lt3A_393 : i32
      %ne3A_395 = arith.xori %lt3A_392, %lt3A_394 : i1
      %and3A_396 = arith.andi %ne3A_395, %ne3A_390 : i1
      %add3A_397 = arith.addi %rem3A_388, %select_n3A_387 : i32
      %select_n3A_398 = arith.select %and3A_396, %add3A_397, %rem3A_388 : i32
      %mul3A_399 = arith.constant 2560 : i32
      %mul3A_400 = arith.muli %select_n3A_398, %mul3A_399 : i32
      %jit3A_401 = arith.constant 8 : i32
      %eq3A_402 = arith.constant 0 : i32
      %eq3A_403 = arith.cmpi eq, %jit3A_401, %eq3A_402 : i32
      %jit3A_404 = arith.constant 1 : i32
      %select_n3A_405 = arith.select %eq3A_403, %jit3A_404, %jit3A_401 : i32
      %rem3A_406 = arith.remsi %add3A_358, %select_n3A_405 : i32
      %ne3A_407 = arith.constant 0 : i32
      %ne3A_408 = arith.cmpi ne, %rem3A_406, %ne3A_407 : i32
      %lt3A_409 = arith.constant 0 : i32
      %lt3A_410 = arith.cmpi slt, %rem3A_406, %lt3A_409 : i32
      %lt3A_411 = arith.constant 0 : i32
      %lt3A_412 = arith.cmpi slt, %select_n3A_405, %lt3A_411 : i32
      %ne3A_413 = arith.xori %lt3A_410, %lt3A_412 : i1
      %and3A_414 = arith.andi %ne3A_413, %ne3A_408 : i1
      %add3A_415 = arith.addi %rem3A_406, %select_n3A_405 : i32
      %select_n3A_416 = arith.select %and3A_414, %add3A_415, %rem3A_406 : i32
      %mul3A_417 = arith.constant 160 : i32
      %mul3A_418 = arith.muli %select_n3A_416, %mul3A_417 : i32
      %add3A_419 = arith.addi %mul3A_400, %mul3A_418 : i32
      %dma_start3A_420 = tpu.memref_slice %arg6[%add3A_419] : memref<5280xi32, #tpu.memory_space<vmem>> -> memref<160xi32, #tpu.memory_space<vmem>>
      %dma_start3A_421 = arith.constant 0 : i32
      %dma_start3A_422 = arith.constant 0 : i32
      %dma_start3A_423 = tpu.memref_slice %arg3[%dma_start3A_421, %dma_start3A_422] : memref<10240x128xf32, #tpu.memory_space<hbm>> -> memref<10240x128xf32, #tpu.memory_space<hbm>>
      tpu.enqueue_indirect_dma source(%dma_start3A_423 : memref<10240x128xf32, #tpu.memory_space<hbm>>) target(%arg7 : memref<160x128xf32, #tpu.memory_space<vmem>>) offsets(%dma_start3A_420 : memref<160xi32, #tpu.memory_space<vmem>>) semaphore(%arg10 : memref<!tpu.dma_semaphore, #tpu.memory_space<semaphore_mem>>)
      %add3A_424 = arith.constant 1 : i32
      %add3A_425 = arith.addi %mul3A_76, %add3A_424 : i32
      %jit3A_426 = arith.constant 8 : i32
      %div3A_427 = arith.divsi %add3A_425, %jit3A_426 : i32
      %sign3A_428 = arith.constant 0 : i32
      %sign3A_429 = arith.cmpi sgt, %add3A_425, %sign3A_428 : i32
      %sign3A_430 = arith.extui %sign3A_429 : i1 to i32
      %sign3A_431 = arith.constant 0 : i32
      %sign3A_432 = arith.cmpi slt, %add3A_425, %sign3A_431 : i32
      %sign3A_433 = arith.extui %sign3A_432 : i1 to i32
      %sign3A_434 = arith.subi %sign3A_430, %sign3A_433 : i32
      %sign3A_435 = arith.constant 0 : i32
      %sign3A_436 = arith.cmpi sgt, %jit3A_426, %sign3A_435 : i32
      %sign3A_437 = arith.extui %sign3A_436 : i1 to i32
      %sign3A_438 = arith.constant 0 : i32
      %sign3A_439 = arith.cmpi slt, %jit3A_426, %sign3A_438 : i32
      %sign3A_440 = arith.extui %sign3A_439 : i1 to i32
      %sign3A_441 = arith.subi %sign3A_437, %sign3A_440 : i32
      %ne3A_442 = arith.cmpi ne, %sign3A_434, %sign3A_441 : i32
      %rem3A_443 = arith.remsi %add3A_425, %jit3A_426 : i32
      %ne3A_444 = arith.constant 0 : i32
      %ne3A_445 = arith.cmpi ne, %rem3A_443, %ne3A_444 : i32
      %and3A_446 = arith.andi %ne3A_442, %ne3A_445 : i1
      %sub3A_447 = arith.constant 1 : i32
      %sub3A_448 = arith.subi %div3A_427, %sub3A_447 : i32
      %select_n3A_449 = arith.select %and3A_446, %sub3A_448, %div3A_427 : i32
      %jit3A_450 = arith.constant 2 : i32
      %eq3A_451 = arith.constant 0 : i32
      %eq3A_452 = arith.cmpi eq, %jit3A_450, %eq3A_451 : i32
      %jit3A_453 = arith.constant 1 : i32
      %select_n3A_454 = arith.select %eq3A_452, %jit3A_453, %jit3A_450 : i32
      %rem3A_455 = arith.remsi %select_n3A_449, %select_n3A_454 : i32
      %ne3A_456 = arith.constant 0 : i32
      %ne3A_457 = arith.cmpi ne, %rem3A_455, %ne3A_456 : i32
      %lt3A_458 = arith.constant 0 : i32
      %lt3A_459 = arith.cmpi slt, %rem3A_455, %lt3A_458 : i32
      %lt3A_460 = arith.constant 0 : i32
      %lt3A_461 = arith.cmpi slt, %select_n3A_454, %lt3A_460 : i32
      %ne3A_462 = arith.xori %lt3A_459, %lt3A_461 : i1
      %and3A_463 = arith.andi %ne3A_462, %ne3A_457 : i1
      %add3A_464 = arith.addi %rem3A_455, %select_n3A_454 : i32
      %select_n3A_465 = arith.select %and3A_463, %add3A_464, %rem3A_455 : i32
      %mul3A_466 = arith.constant 2560 : i32
      %mul3A_467 = arith.muli %select_n3A_465, %mul3A_466 : i32
      %add3A_468 = arith.constant 1280 : i32
      %add3A_469 = arith.addi %mul3A_467, %add3A_468 : i32
      %jit3A_470 = arith.constant 8 : i32
      %eq3A_471 = arith.constant 0 : i32
      %eq3A_472 = arith.cmpi eq, %jit3A_470, %eq3A_471 : i32
      %jit3A_473 = arith.constant 1 : i32
      %select_n3A_474 = arith.select %eq3A_472, %jit3A_473, %jit3A_470 : i32
      %rem3A_475 = arith.remsi %add3A_425, %select_n3A_474 : i32
      %ne3A_476 = arith.constant 0 : i32
      %ne3A_477 = arith.cmpi ne, %rem3A_475, %ne3A_476 : i32
      %lt3A_478 = arith.constant 0 : i32
      %lt3A_479 = arith.cmpi slt, %rem3A_475, %lt3A_478 : i32
      %lt3A_480 = arith.constant 0 : i32
      %lt3A_481 = arith.cmpi slt, %select_n3A_474, %lt3A_480 : i32
      %ne3A_482 = arith.xori %lt3A_479, %lt3A_481 : i1
      %and3A_483 = arith.andi %ne3A_482, %ne3A_477 : i1
      %add3A_484 = arith.addi %rem3A_475, %select_n3A_474 : i32
      %select_n3A_485 = arith.select %and3A_483, %add3A_484, %rem3A_475 : i32
      %mul3A_486 = arith.constant 160 : i32
      %mul3A_487 = arith.muli %select_n3A_485, %mul3A_486 : i32
      %add3A_488 = arith.addi %add3A_469, %mul3A_487 : i32
      "tpu.region"() ({
        %run_scoped3A = tpu.sem_alloc : memref<!tpu.dma_semaphore, #tpu.memory_space<semaphore_mem>>
        %dma_start3A_489 = tpu.memref_slice %arg6[%add3A_488] : memref<5280xi32, #tpu.memory_space<vmem>> -> memref<160xi32, #tpu.memory_space<vmem>>
        %dma_start3A_490 = arith.constant 0 : i32
        %dma_start3A_491 = arith.constant 0 : i32
        %dma_start3A_492 = tpu.memref_slice %arg9[%dma_start3A_490, %dma_start3A_491] : memref<10240x128xf32, #tpu.memory_space<vmem_shared>> -> memref<10240x128xf32, #tpu.memory_space<vmem_shared>>
        tpu.enqueue_indirect_dma source(%arg8 : memref<160x128xf32, #tpu.memory_space<vmem>>) target(%dma_start3A_492 : memref<10240x128xf32, #tpu.memory_space<vmem_shared>>) offsets(%dma_start3A_489 : memref<160xi32, #tpu.memory_space<vmem>>) semaphore(%run_scoped3A : memref<!tpu.dma_semaphore, #tpu.memory_space<semaphore_mem>>) {add = true}
        %dma_wait3A_493 = tpu.memref_slice %arg6[%add3A_488] : memref<5280xi32, #tpu.memory_space<vmem>> -> memref<160xi32, #tpu.memory_space<vmem>>
        %dma_wait3A_494 = arith.constant 0 : i32
        %dma_wait3A_495 = arith.constant 0 : i32
        %dma_wait3A_496 = tpu.memref_slice %arg9[%dma_wait3A_494, %dma_wait3A_495] : memref<10240x128xf32, #tpu.memory_space<vmem_shared>> -> memref<10240x128xf32, #tpu.memory_space<vmem_shared>>
        tpu.wait_indirect_dma semaphore(%run_scoped3A : memref<!tpu.dma_semaphore, #tpu.memory_space<semaphore_mem>>) src(%arg8 : memref<160x128xf32, #tpu.memory_space<vmem>>) dst(%dma_wait3A_496 : memref<10240x128xf32, #tpu.memory_space<vmem_shared>>)
        tpu.yield
      }) : () -> ()
    }
    %scan3A_32 = arith.constant 30 : i32
    %dma_wait3A_33 = arith.constant 3200 : i32
    %dma_wait3A_34 = tpu.memref_slice %arg6[%dma_wait3A_33] : memref<5280xi32, #tpu.memory_space<vmem>> -> memref<160xi32, #tpu.memory_space<vmem>>
    %dma_wait3A_35 = arith.constant 0 : i32
    %dma_wait3A_36 = arith.constant 0 : i32
    %dma_wait3A_37 = tpu.memref_slice %arg3[%dma_wait3A_35, %dma_wait3A_36] : memref<10240x128xf32, #tpu.memory_space<hbm>> -> memref<10240x128xf32, #tpu.memory_space<hbm>>
    tpu.wait_indirect_dma semaphore(%arg10 : memref<!tpu.dma_semaphore, #tpu.memory_space<semaphore_mem>>) src(%dma_wait3A_37 : memref<10240x128xf32, #tpu.memory_space<hbm>>) dst(%arg7 : memref<160x128xf32, #tpu.memory_space<vmem>>)
    %dma_start3A_38 = arith.constant 3360 : i32
    %dma_start3A_39 = tpu.memref_slice %arg6[%dma_start3A_38] : memref<5280xi32, #tpu.memory_space<vmem>> -> memref<160xi32, #tpu.memory_space<vmem>>
    %dma_start3A_40 = arith.constant 0 : i32
    %dma_start3A_41 = arith.constant 0 : i32
    %dma_start3A_42 = tpu.memref_slice %arg3[%dma_start3A_40, %dma_start3A_41] : memref<10240x128xf32, #tpu.memory_space<hbm>> -> memref<10240x128xf32, #tpu.memory_space<hbm>>
    tpu.enqueue_indirect_dma source(%dma_start3A_42 : memref<10240x128xf32, #tpu.memory_space<hbm>>) target(%arg8 : memref<160x128xf32, #tpu.memory_space<vmem>>) offsets(%dma_start3A_39 : memref<160xi32, #tpu.memory_space<vmem>>) semaphore(%arg11 : memref<!tpu.dma_semaphore, #tpu.memory_space<semaphore_mem>>)
    "tpu.region"() ({
      %run_scoped3A = tpu.sem_alloc : memref<!tpu.dma_semaphore, #tpu.memory_space<semaphore_mem>>
      %dma_start3A_74 = arith.constant 4480 : i32
      %dma_start3A_75 = tpu.memref_slice %arg6[%dma_start3A_74] : memref<5280xi32, #tpu.memory_space<vmem>> -> memref<160xi32, #tpu.memory_space<vmem>>
      %dma_start3A_76 = arith.constant 0 : i32
      %dma_start3A_77 = arith.constant 0 : i32
      %dma_start3A_78 = tpu.memref_slice %arg9[%dma_start3A_76, %dma_start3A_77] : memref<10240x128xf32, #tpu.memory_space<vmem_shared>> -> memref<10240x128xf32, #tpu.memory_space<vmem_shared>>
      tpu.enqueue_indirect_dma source(%arg7 : memref<160x128xf32, #tpu.memory_space<vmem>>) target(%dma_start3A_78 : memref<10240x128xf32, #tpu.memory_space<vmem_shared>>) offsets(%dma_start3A_75 : memref<160xi32, #tpu.memory_space<vmem>>) semaphore(%run_scoped3A : memref<!tpu.dma_semaphore, #tpu.memory_space<semaphore_mem>>) {add = true}
      %dma_wait3A_79 = arith.constant 4480 : i32
      %dma_wait3A_80 = tpu.memref_slice %arg6[%dma_wait3A_79] : memref<5280xi32, #tpu.memory_space<vmem>> -> memref<160xi32, #tpu.memory_space<vmem>>
      %dma_wait3A_81 = arith.constant 0 : i32
      %dma_wait3A_82 = arith.constant 0 : i32
      %dma_wait3A_83 = tpu.memref_slice %arg9[%dma_wait3A_81, %dma_wait3A_82] : memref<10240x128xf32, #tpu.memory_space<vmem_shared>> -> memref<10240x128xf32, #tpu.memory_space<vmem_shared>>
      tpu.wait_indirect_dma semaphore(%run_scoped3A : memref<!tpu.dma_semaphore, #tpu.memory_space<semaphore_mem>>) src(%arg7 : memref<160x128xf32, #tpu.memory_space<vmem>>) dst(%dma_wait3A_83 : memref<10240x128xf32, #tpu.memory_space<vmem_shared>>)
      tpu.yield
    }) : () -> ()
    %dma_wait3A_43 = arith.constant 3360 : i32
    %dma_wait3A_44 = tpu.memref_slice %arg6[%dma_wait3A_43] : memref<5280xi32, #tpu.memory_space<vmem>> -> memref<160xi32, #tpu.memory_space<vmem>>
    %dma_wait3A_45 = arith.constant 0 : i32
    %dma_wait3A_46 = arith.constant 0 : i32
    %dma_wait3A_47 = tpu.memref_slice %arg3[%dma_wait3A_45, %dma_wait3A_46] : memref<10240x128xf32, #tpu.memory_space<hbm>> -> memref<10240x128xf32, #tpu.memory_space<hbm>>
    tpu.wait_indirect_dma semaphore(%arg11 : memref<!tpu.dma_semaphore, #tpu.memory_space<semaphore_mem>>) src(%dma_wait3A_47 : memref<10240x128xf32, #tpu.memory_space<hbm>>) dst(%arg8 : memref<160x128xf32, #tpu.memory_space<vmem>>)
    %add3A_48 = arith.constant 20480 : i32
    %add3A_49 = arith.addi %mul3A_2, %add3A_48 : i32
    "tpu.region"() ({
      %run_scoped3A = tpu.sem_alloc : memref<!tpu.dma_semaphore, #tpu.memory_space<semaphore_mem>>
      %dma_start3A_74 = arith.constant 5120 : i32
      %dma_start3A_75 = tpu.memref_slice %arg6[%dma_start3A_74] : memref<5280xi32, #tpu.memory_space<vmem>> -> memref<160xi32, #tpu.memory_space<vmem>>
      %dma_start3A_76 = tpu.memref_slice %arg2[%add3A_49] : memref<660480xi32, #tpu.memory_space<hbm>> -> memref<160xi32, #tpu.memory_space<hbm>>
      %dma_start3A_77 = arith.constant 5120 : i32
      %dma_start3A_78 = tpu.memref_slice %arg6[%dma_start3A_77] : memref<5280xi32, #tpu.memory_space<vmem>> -> memref<160xi32, #tpu.memory_space<vmem>>
      %dma_start3A_79 = tpu.memref_slice %arg2[%add3A_49] : memref<660480xi32, #tpu.memory_space<hbm>> -> memref<160xi32, #tpu.memory_space<hbm>>
      tpu.enqueue_dma source(%dma_start3A_79 : memref<160xi32, #tpu.memory_space<hbm>>) target(%dma_start3A_78 : memref<160xi32, #tpu.memory_space<vmem>>) target_semaphore(%run_scoped3A : memref<!tpu.dma_semaphore, #tpu.memory_space<semaphore_mem>>)
      %dma_wait3A_80 = arith.constant 5120 : i32
      %dma_wait3A_81 = tpu.memref_slice %arg6[%dma_wait3A_80] : memref<5280xi32, #tpu.memory_space<vmem>> -> memref<160xi32, #tpu.memory_space<vmem>>
      %dma_wait3A_82 = tpu.memref_slice %arg2[%add3A_49] : memref<660480xi32, #tpu.memory_space<hbm>> -> memref<160xi32, #tpu.memory_space<hbm>>
      %dma_wait3A_83 = arith.constant 5120 : i32
      %dma_wait3A_84 = tpu.memref_slice %arg6[%dma_wait3A_83] : memref<5280xi32, #tpu.memory_space<vmem>> -> memref<160xi32, #tpu.memory_space<vmem>>
      %dma_wait3A_85 = tpu.memref_slice %arg2[%add3A_49] : memref<660480xi32, #tpu.memory_space<hbm>> -> memref<160xi32, #tpu.memory_space<hbm>>
      tpu.wait_dma2 semaphore(%run_scoped3A : memref<!tpu.dma_semaphore, #tpu.memory_space<semaphore_mem>>) src(%dma_wait3A_85 : memref<160xi32, #tpu.memory_space<hbm>>) dst(%dma_wait3A_84 : memref<160xi32, #tpu.memory_space<vmem>>)
      tpu.yield
    }) : () -> ()
    %dma_start3A_50 = arith.constant 0 : i32
    %dma_start3A_51 = arith.constant 0 : i32
    %dma_start3A_52 = tpu.memref_slice %arg7[%dma_start3A_50, %dma_start3A_51] : memref<160x128xf32, #tpu.memory_space<vmem>> -> memref<80x128xf32, #tpu.memory_space<vmem>>
    %dma_start3A_53 = arith.constant 5120 : i32
    %dma_start3A_54 = tpu.memref_slice %arg6[%dma_start3A_53] : memref<5280xi32, #tpu.memory_space<vmem>> -> memref<80xi32, #tpu.memory_space<vmem>>
    %dma_start3A_55 = arith.constant 0 : i32
    %dma_start3A_56 = arith.constant 0 : i32
    %dma_start3A_57 = tpu.memref_slice %arg3[%dma_start3A_55, %dma_start3A_56] : memref<10240x128xf32, #tpu.memory_space<hbm>> -> memref<10240x128xf32, #tpu.memory_space<hbm>>
    tpu.enqueue_indirect_dma source(%dma_start3A_57 : memref<10240x128xf32, #tpu.memory_space<hbm>>) target(%dma_start3A_52 : memref<80x128xf32, #tpu.memory_space<vmem>>) offsets(%dma_start3A_54 : memref<80xi32, #tpu.memory_space<vmem>>) semaphore(%arg10 : memref<!tpu.dma_semaphore, #tpu.memory_space<semaphore_mem>>)
    "tpu.region"() ({
      %run_scoped3A = tpu.sem_alloc : memref<!tpu.dma_semaphore, #tpu.memory_space<semaphore_mem>>
      %dma_start3A_74 = arith.constant 4640 : i32
      %dma_start3A_75 = tpu.memref_slice %arg6[%dma_start3A_74] : memref<5280xi32, #tpu.memory_space<vmem>> -> memref<160xi32, #tpu.memory_space<vmem>>
      %dma_start3A_76 = arith.constant 0 : i32
      %dma_start3A_77 = arith.constant 0 : i32
      %dma_start3A_78 = tpu.memref_slice %arg9[%dma_start3A_76, %dma_start3A_77] : memref<10240x128xf32, #tpu.memory_space<vmem_shared>> -> memref<10240x128xf32, #tpu.memory_space<vmem_shared>>
      tpu.enqueue_indirect_dma source(%arg8 : memref<160x128xf32, #tpu.memory_space<vmem>>) target(%dma_start3A_78 : memref<10240x128xf32, #tpu.memory_space<vmem_shared>>) offsets(%dma_start3A_75 : memref<160xi32, #tpu.memory_space<vmem>>) semaphore(%run_scoped3A : memref<!tpu.dma_semaphore, #tpu.memory_space<semaphore_mem>>) {add = true}
      %dma_wait3A_79 = arith.constant 4640 : i32
      %dma_wait3A_80 = tpu.memref_slice %arg6[%dma_wait3A_79] : memref<5280xi32, #tpu.memory_space<vmem>> -> memref<160xi32, #tpu.memory_space<vmem>>
      %dma_wait3A_81 = arith.constant 0 : i32
      %dma_wait3A_82 = arith.constant 0 : i32
      %dma_wait3A_83 = tpu.memref_slice %arg9[%dma_wait3A_81, %dma_wait3A_82] : memref<10240x128xf32, #tpu.memory_space<vmem_shared>> -> memref<10240x128xf32, #tpu.memory_space<vmem_shared>>
      tpu.wait_indirect_dma semaphore(%run_scoped3A : memref<!tpu.dma_semaphore, #tpu.memory_space<semaphore_mem>>) src(%arg8 : memref<160x128xf32, #tpu.memory_space<vmem>>) dst(%dma_wait3A_83 : memref<10240x128xf32, #tpu.memory_space<vmem_shared>>)
      tpu.yield
    }) : () -> ()
    %dma_wait3A_58 = arith.constant 0 : i32
    %dma_wait3A_59 = arith.constant 0 : i32
    %dma_wait3A_60 = tpu.memref_slice %arg7[%dma_wait3A_58, %dma_wait3A_59] : memref<160x128xf32, #tpu.memory_space<vmem>> -> memref<80x128xf32, #tpu.memory_space<vmem>>
    %dma_wait3A_61 = arith.constant 5120 : i32
    %dma_wait3A_62 = tpu.memref_slice %arg6[%dma_wait3A_61] : memref<5280xi32, #tpu.memory_space<vmem>> -> memref<80xi32, #tpu.memory_space<vmem>>
    %dma_wait3A_63 = arith.constant 0 : i32
    %dma_wait3A_64 = arith.constant 0 : i32
    %dma_wait3A_65 = tpu.memref_slice %arg3[%dma_wait3A_63, %dma_wait3A_64] : memref<10240x128xf32, #tpu.memory_space<hbm>> -> memref<10240x128xf32, #tpu.memory_space<hbm>>
    tpu.wait_indirect_dma semaphore(%arg10 : memref<!tpu.dma_semaphore, #tpu.memory_space<semaphore_mem>>) src(%dma_wait3A_65 : memref<10240x128xf32, #tpu.memory_space<hbm>>) dst(%dma_wait3A_60 : memref<80x128xf32, #tpu.memory_space<vmem>>)
    "tpu.region"() ({
      %run_scoped3A = tpu.sem_alloc : memref<!tpu.dma_semaphore, #tpu.memory_space<semaphore_mem>>
      %dma_start3A_74 = arith.constant 0 : i32
      %dma_start3A_75 = arith.constant 0 : i32
      %dma_start3A_76 = tpu.memref_slice %arg7[%dma_start3A_74, %dma_start3A_75] : memref<160x128xf32, #tpu.memory_space<vmem>> -> memref<80x128xf32, #tpu.memory_space<vmem>>
      %dma_start3A_77 = arith.constant 5200 : i32
      %dma_start3A_78 = tpu.memref_slice %arg6[%dma_start3A_77] : memref<5280xi32, #tpu.memory_space<vmem>> -> memref<80xi32, #tpu.memory_space<vmem>>
      %dma_start3A_79 = arith.constant 0 : i32
      %dma_start3A_80 = arith.constant 0 : i32
      %dma_start3A_81 = tpu.memref_slice %arg9[%dma_start3A_79, %dma_start3A_80] : memref<10240x128xf32, #tpu.memory_space<vmem_shared>> -> memref<10240x128xf32, #tpu.memory_space<vmem_shared>>
      tpu.enqueue_indirect_dma source(%dma_start3A_76 : memref<80x128xf32, #tpu.memory_space<vmem>>) target(%dma_start3A_81 : memref<10240x128xf32, #tpu.memory_space<vmem_shared>>) offsets(%dma_start3A_78 : memref<80xi32, #tpu.memory_space<vmem>>) semaphore(%run_scoped3A : memref<!tpu.dma_semaphore, #tpu.memory_space<semaphore_mem>>) {add = true}
      %dma_wait3A_82 = arith.constant 0 : i32
      %dma_wait3A_83 = arith.constant 0 : i32
      %dma_wait3A_84 = tpu.memref_slice %arg7[%dma_wait3A_82, %dma_wait3A_83] : memref<160x128xf32, #tpu.memory_space<vmem>> -> memref<80x128xf32, #tpu.memory_space<vmem>>
      %dma_wait3A_85 = arith.constant 5200 : i32
      %dma_wait3A_86 = tpu.memref_slice %arg6[%dma_wait3A_85] : memref<5280xi32, #tpu.memory_space<vmem>> -> memref<80xi32, #tpu.memory_space<vmem>>
      %dma_wait3A_87 = arith.constant 0 : i32
      %dma_wait3A_88 = arith.constant 0 : i32
      %dma_wait3A_89 = tpu.memref_slice %arg9[%dma_wait3A_87, %dma_wait3A_88] : memref<10240x128xf32, #tpu.memory_space<vmem_shared>> -> memref<10240x128xf32, #tpu.memory_space<vmem_shared>>
      tpu.wait_indirect_dma semaphore(%run_scoped3A : memref<!tpu.dma_semaphore, #tpu.memory_space<semaphore_mem>>) src(%dma_wait3A_84 : memref<80x128xf32, #tpu.memory_space<vmem>>) dst(%dma_wait3A_89 : memref<10240x128xf32, #tpu.memory_space<vmem_shared>>)
      tpu.yield
    }) : () -> ()
    %barrier3A_66 = arith.constant 0 : index
    tpu.barrier barrier_id(%barrier3A_66)
    %mul3A_67 = arith.constant 640 : i32
    %mul3A_68 = arith.muli %arg1, %mul3A_67 : i32
    %mul3A_69 = arith.constant 10240 : i32
    %mul3A_70 = arith.muli %arg0, %mul3A_69 : i32
    %mul3A_71 = arith.constant 640 : i32
    %mul3A_72 = arith.muli %arg1, %mul3A_71 : i32
    %add3A_73 = arith.addi %mul3A_70, %mul3A_72 : i32
    "tpu.region"() ({
      %run_scoped3A = tpu.sem_alloc : memref<!tpu.dma_semaphore, #tpu.memory_space<semaphore_mem>>
      %dma_start3A_74 = arith.constant 0 : i32
      %dma_start3A_75 = tpu.memref_slice %arg5[%add3A_73, %dma_start3A_74] : memref<20480x128xf32, #tpu.memory_space<hbm>> -> memref<640x128xf32, #tpu.memory_space<hbm>>
      %dma_start3A_76 = arith.constant 0 : i32
      %dma_start3A_77 = tpu.memref_slice %arg9[%mul3A_68, %dma_start3A_76] : memref<10240x128xf32, #tpu.memory_space<vmem_shared>> -> memref<640x128xf32, #tpu.memory_space<vmem_shared>>
      tpu.enqueue_dma source(%dma_start3A_77 : memref<640x128xf32, #tpu.memory_space<vmem_shared>>) target(%dma_start3A_75 : memref<640x128xf32, #tpu.memory_space<hbm>>) target_semaphore(%run_scoped3A : memref<!tpu.dma_semaphore, #tpu.memory_space<semaphore_mem>>)
      %dma_wait3A_78 = arith.constant 0 : i32
      %dma_wait3A_79 = tpu.memref_slice %arg5[%add3A_73, %dma_wait3A_78] : memref<20480x128xf32, #tpu.memory_space<hbm>> -> memref<640x128xf32, #tpu.memory_space<hbm>>
      %dma_wait3A_80 = arith.constant 0 : i32
      %dma_wait3A_81 = tpu.memref_slice %arg9[%mul3A_68, %dma_wait3A_80] : memref<10240x128xf32, #tpu.memory_space<vmem_shared>> -> memref<640x128xf32, #tpu.memory_space<vmem_shared>>
      tpu.wait_dma2 semaphore(%run_scoped3A : memref<!tpu.dma_semaphore, #tpu.memory_space<semaphore_mem>>) src(%dma_wait3A_81 : memref<640x128xf32, #tpu.memory_space<vmem_shared>>) dst(%dma_wait3A_79 : memref<640x128xf32, #tpu.memory_space<hbm>>)
      tpu.yield
    }) : () -> ()
    return
  }
}

#map = affine_map<(d0, d1) -> (0)>
#map1 = affine_map<(d0, d1) -> (0, 0)>
module attributes {stable_mosaic.version = 14 : i64} {
  func.func @_spmm_body(%arg0: i32, %arg1: i32, %arg2: memref<660480xi32, #tpu.memory_space<hbm>>, %arg3: memref<10240x128xf32, #tpu.memory_space<hbm>>, %arg4: memref<10240x128xf32, #tpu.memory_space<hbm>>, %arg5: memref<20480x128xf32, #tpu.memory_space<hbm>>, %arg6: memref<5280xi32, #tpu.memory_space<vmem>>, %arg7: memref<160x128xf32, #tpu.memory_space<vmem>>, %arg8: memref<160x128xf32, #tpu.memory_space<vmem>>, %arg9: memref<10240x128xf32, #tpu.memory_space<vmem_shared>>, %arg10: memref<!tpu.dma_semaphore, #tpu.memory_space<semaphore_mem>>, %arg11: memref<!tpu.dma_semaphore, #tpu.memory_space<semaphore_mem>>, %arg12: memref<!tpu.dma_semaphore, #tpu.memory_space<semaphore_mem>>) attributes {dimension_semantics = [#tpu.dimension_semantics<core_parallel>, #tpu.dimension_semantics<subcore_parallel>], iteration_bounds = array<i64: 2, 16>, scalar_prefetch = 0 : i64, scratch_operands = 7 : i64, tpu.core_type = #tpu.core_type<sc_vector_subcore>, window_params = [{transform_indices = #map}, {transform_indices = #map1}, {transform_indices = #map1}, {transform_indices = #map1}]} {
    %mul3A = arith.constant 16 : i32
    %mul3A_0 = arith.muli %arg0, %mul3A : i32
    %add3A = arith.addi %mul3A_0, %arg1 : i32
    %mul3A_1 = arith.constant 20640 : i32
    %mul3A_2 = arith.muli %add3A, %mul3A_1 : i32
    %eq3A = arith.constant 0 : i32
    %eq3A_3 = arith.cmpi eq, %arg0, %eq3A : i32
    %convert_element_type3A = arith.extui %eq3A_3 : i1 to i32
    %cond3A = arith.constant 0 : i32
    %cond3A_4 = arith.cmpi ne, %convert_element_type3A, %cond3A : i32
    scf.if %cond3A_4 {
      %mul3A_74 = arith.constant 640 : i32
      %mul3A_75 = arith.muli %arg1, %mul3A_74 : i32
      %mul3A_76 = arith.constant 640 : i32
      %mul3A_77 = arith.muli %arg1, %mul3A_76 : i32
      "tpu.region"() ({
        %run_scoped3A = tpu.sem_alloc : memref<!tpu.dma_semaphore, #tpu.memory_space<semaphore_mem>>
        %dma_start3A_78 = arith.constant 0 : i32
        %dma_start3A_79 = tpu.memref_slice %arg9[%mul3A_77, %dma_start3A_78] : memref<10240x128xf32, #tpu.memory_space<vmem_shared>> -> memref<640x128xf32, #tpu.memory_space<vmem_shared>>
        %dma_start3A_80 = arith.constant 0 : i32
        %dma_start3A_81 = tpu.memref_slice %arg3[%mul3A_75, %dma_start3A_80] : memref<10240x128xf32, #tpu.memory_space<hbm>> -> memref<640x128xf32, #tpu.memory_space<hbm>>
        tpu.enqueue_dma source(%dma_start3A_81 : memref<640x128xf32, #tpu.memory_space<hbm>>) target(%dma_start3A_79 : memref<640x128xf32, #tpu.memory_space<vmem_shared>>) target_semaphore(%run_scoped3A : memref<!tpu.dma_semaphore, #tpu.memory_space<semaphore_mem>>)
        %dma_wait3A_82 = arith.constant 0 : i32
        %dma_wait3A_83 = tpu.memref_slice %arg9[%mul3A_77, %dma_wait3A_82] : memref<10240x128xf32, #tpu.memory_space<vmem_shared>> -> memref<640x128xf32, #tpu.memory_space<vmem_shared>>
        %dma_wait3A_84 = arith.constant 0 : i32
        %dma_wait3A_85 = tpu.memref_slice %arg3[%mul3A_75, %dma_wait3A_84] : memref<10240x128xf32, #tpu.memory_space<hbm>> -> memref<640x128xf32, #tpu.memory_space<hbm>>
        tpu.wait_dma2 semaphore(%run_scoped3A : memref<!tpu.dma_semaphore, #tpu.memory_space<semaphore_mem>>) src(%dma_wait3A_85 : memref<640x128xf32, #tpu.memory_space<hbm>>) dst(%dma_wait3A_83 : memref<640x128xf32, #tpu.memory_space<vmem_shared>>)
        tpu.yield
      }) : () -> ()
    } else {
    }
    %ne3A = arith.constant 0 : i32
    %ne3A_5 = arith.cmpi ne, %arg0, %ne3A : i32
    %convert_element_type3A_6 = arith.extui %ne3A_5 : i1 to i32
    %cond3A_7 = arith.constant 0 : i32
    %cond3A_8 = arith.cmpi ne, %convert_element_type3A_6, %cond3A_7 : i32
    scf.if %cond3A_8 {
      %mul3A_74 = arith.constant 640 : i32
      %mul3A_75 = arith.muli %arg1, %mul3A_74 : i32
      %mul3A_76 = arith.constant 640 : i32
      %mul3A_77 = arith.muli %arg1, %mul3A_76 : i32
      "tpu.region"() ({
        %run_scoped3A = tpu.sem_alloc : memref<!tpu.dma_semaphore, #tpu.memory_space<semaphore_mem>>
        %dma_start3A_78 = arith.constant 0 : i32
        %dma_start3A_79 = tpu.memref_slice %arg9[%mul3A_77, %dma_start3A_78] : memref<10240x128xf32, #tpu.memory_space<vmem_shared>> -> memref<640x128xf32, #tpu.memory_space<vmem_shared>>
        %dma_start3A_80 = arith.constant 0 : i32
        %dma_start3A_81 = tpu.memref_slice %arg4[%mul3A_75, %dma_start3A_80] : memref<10240x128xf32, #tpu.memory_space<hbm>> -> memref<640x128xf32, #tpu.memory_space<hbm>>
        tpu.enqueue_dma source(%dma_start3A_81 : memref<640x128xf32, #tpu.memory_space<hbm>>) target(%dma_start3A_79 : memref<640x128xf32, #tpu.memory_space<vmem_shared>>) target_semaphore(%run_scoped3A : memref<!tpu.dma_semaphore, #tpu.memory_space<semaphore_mem>>)
        %dma_wait3A_82 = arith.constant 0 : i32
        %dma_wait3A_83 = tpu.memref_slice %arg9[%mul3A_77, %dma_wait3A_82] : memref<10240x128xf32, #tpu.memory_space<vmem_shared>> -> memref<640x128xf32, #tpu.memory_space<vmem_shared>>
        %dma_wait3A_84 = arith.constant 0 : i32
        %dma_wait3A_85 = tpu.memref_slice %arg4[%mul3A_75, %dma_wait3A_84] : memref<10240x128xf32, #tpu.memory_space<hbm>> -> memref<640x128xf32, #tpu.memory_space<hbm>>
        tpu.wait_dma2 semaphore(%run_scoped3A : memref<!tpu.dma_semaphore, #tpu.memory_space<semaphore_mem>>) src(%dma_wait3A_85 : memref<640x128xf32, #tpu.memory_space<hbm>>) dst(%dma_wait3A_83 : memref<640x128xf32, #tpu.memory_space<vmem_shared>>)
        tpu.yield
      }) : () -> ()
    } else {
    }
    %add3A_9 = arith.constant 0 : i32
    %add3A_10 = arith.addi %mul3A_2, %add3A_9 : i32
    %dma_start3A = arith.constant 0 : i32
    %dma_start3A_11 = tpu.memref_slice %arg6[%dma_start3A] : memref<5280xi32, #tpu.memory_space<vmem>> -> memref<2560xi32, #tpu.memory_space<vmem>>
    %dma_start3A_12 = tpu.memref_slice %arg2[%add3A_10] : memref<660480xi32, #tpu.memory_space<hbm>> -> memref<2560xi32, #tpu.memory_space<hbm>>
    %dma_start3A_13 = arith.constant 0 : i32
    %dma_start3A_14 = tpu.memref_slice %arg6[%dma_start3A_13] : memref<5280xi32, #tpu.memory_space<vmem>> -> memref<2560xi32, #tpu.memory_space<vmem>>
    %dma_start3A_15 = tpu.memref_slice %arg2[%add3A_10] : memref<660480xi32, #tpu.memory_space<hbm>> -> memref<2560xi32, #tpu.memory_space<hbm>>
    tpu.enqueue_dma source(%dma_start3A_15 : memref<2560xi32, #tpu.memory_space<hbm>>) target(%dma_start3A_14 : memref<2560xi32, #tpu.memory_space<vmem>>) target_semaphore(%arg12 : memref<!tpu.dma_semaphore, #tpu.memory_space<semaphore_mem>>)
    %add3A_16 = arith.constant 0 : i32
    %add3A_17 = arith.addi %mul3A_2, %add3A_16 : i32
    %dma_wait3A = arith.constant 0 : i32
    %dma_wait3A_18 = tpu.memref_slice %arg6[%dma_wait3A] : memref<5280xi32, #tpu.memory_space<vmem>> -> memref<2560xi32, #tpu.memory_space<vmem>>
    %dma_wait3A_19 = tpu.memref_slice %arg2[%add3A_17] : memref<660480xi32, #tpu.memory_space<hbm>> -> memref<2560xi32, #tpu.memory_space<hbm>>
    %dma_wait3A_20 = arith.constant 0 : i32
    %dma_wait3A_21 = tpu.memref_slice %arg6[%dma_wait3A_20] : memref<5280xi32, #tpu.memory_space<vmem>> -> memref<2560xi32, #tpu.memory_space<vmem>>
    %dma_wait3A_22 = tpu.memref_slice %arg2[%add3A_17] : memref<660480xi32, #tpu.memory_space<hbm>> -> memref<2560xi32, #tpu.memory_space<hbm>>
    tpu.wait_dma2 semaphore(%arg12 : memref<!tpu.dma_semaphore, #tpu.memory_space<semaphore_mem>>) src(%dma_wait3A_22 : memref<2560xi32, #tpu.memory_space<hbm>>) dst(%dma_wait3A_21 : memref<2560xi32, #tpu.memory_space<vmem>>)
    %dma_start3A_23 = arith.constant 0 : i32
    %dma_start3A_24 = tpu.memref_slice %arg6[%dma_start3A_23] : memref<5280xi32, #tpu.memory_space<vmem>> -> memref<160xi32, #tpu.memory_space<vmem>>
    %dma_start3A_25 = arith.constant 0 : i32
    %dma_start3A_26 = arith.constant 0 : i32
    %dma_start3A_27 = tpu.memref_slice %arg3[%dma_start3A_25, %dma_start3A_26] : memref<10240x128xf32, #tpu.memory_space<hbm>> -> memref<10240x128xf32, #tpu.memory_space<hbm>>
    tpu.enqueue_indirect_dma source(%dma_start3A_27 : memref<10240x128xf32, #tpu.memory_space<hbm>>) target(%arg7 : memref<160x128xf32, #tpu.memory_space<vmem>>) offsets(%dma_start3A_24 : memref<160xi32, #tpu.memory_space<vmem>>) semaphore(%arg10 : memref<!tpu.dma_semaphore, #tpu.memory_space<semaphore_mem>>)
    %barrier3A = arith.constant 0 : index
    tpu.barrier barrier_id(%barrier3A)
    %scan3A = arith.constant 0 : i32
    %scan3A_28 = arith.constant 0 : i32
    %scan3A_29 = arith.constant 30 : i32
    %scan3A_30 = arith.addi %scan3A_28, %scan3A_29 : i32
    %scan3A_31 = arith.constant 1 : i32
    scf.for %scan3A_74 = %scan3A_28 to %scan3A_30 step %scan3A_31  : i32 {
      %mul3A_75 = arith.constant 2 : i32
      %mul3A_76 = arith.muli %mul3A_75, %scan3A_74 : i32
      %add3A_77 = arith.constant 2 : i32
      %add3A_78 = arith.addi %mul3A_76, %add3A_77 : i32
      %jit3A = arith.constant 8 : i32
      %eq3A_79 = arith.constant 0 : i32
      %eq3A_80 = arith.cmpi eq, %jit3A, %eq3A_79 : i32
      %jit3A_81 = arith.constant 1 : i32
      %select_n3A = arith.select %eq3A_80, %jit3A_81, %jit3A : i32
      %rem3A = arith.remsi %add3A_78, %select_n3A : i32
      %ne3A_82 = arith.constant 0 : i32
      %ne3A_83 = arith.cmpi ne, %rem3A, %ne3A_82 : i32
      %lt3A = arith.constant 0 : i32
      %lt3A_84 = arith.cmpi slt, %rem3A, %lt3A : i32
      %lt3A_85 = arith.constant 0 : i32
      %lt3A_86 = arith.cmpi slt, %select_n3A, %lt3A_85 : i32
      %ne3A_87 = arith.xori %lt3A_84, %lt3A_86 : i1
      %and3A = arith.andi %ne3A_87, %ne3A_83 : i1
      %add3A_88 = arith.addi %rem3A, %select_n3A : i32
      %select_n3A_89 = arith.select %and3A, %add3A_88, %rem3A : i32
      %eq3A_90 = arith.constant 0 : i32
      %eq3A_91 = arith.cmpi eq, %select_n3A_89, %eq3A_90 : i32
      %convert_element_type3A_92 = arith.extui %eq3A_91 : i1 to i32
      %cond3A_93 = arith.constant 0 : i32
      %cond3A_94 = arith.cmpi ne, %convert_element_type3A_92, %cond3A_93 : i32
      scf.if %cond3A_94 {
        %add3A_489 = arith.constant 2 : i32
        %add3A_490 = arith.addi %mul3A_76, %add3A_489 : i32
        %jit3A_491 = arith.constant 8 : i32
        %div3A_492 = arith.divsi %add3A_490, %jit3A_491 : i32
        %sign3A_493 = arith.constant 0 : i32
        %sign3A_494 = arith.cmpi sgt, %add3A_490, %sign3A_493 : i32
        %sign3A_495 = arith.extui %sign3A_494 : i1 to i32
        %sign3A_496 = arith.constant 0 : i32
        %sign3A_497 = arith.cmpi slt, %add3A_490, %sign3A_496 : i32
        %sign3A_498 = arith.extui %sign3A_497 : i1 to i32
        %sign3A_499 = arith.subi %sign3A_495, %sign3A_498 : i32
        %sign3A_500 = arith.constant 0 : i32
        %sign3A_501 = arith.cmpi sgt, %jit3A_491, %sign3A_500 : i32
        %sign3A_502 = arith.extui %sign3A_501 : i1 to i32
        %sign3A_503 = arith.constant 0 : i32
        %sign3A_504 = arith.cmpi slt, %jit3A_491, %sign3A_503 : i32
        %sign3A_505 = arith.extui %sign3A_504 : i1 to i32
        %sign3A_506 = arith.subi %sign3A_502, %sign3A_505 : i32
        %ne3A_507 = arith.cmpi ne, %sign3A_499, %sign3A_506 : i32
        %rem3A_508 = arith.remsi %add3A_490, %jit3A_491 : i32
        %ne3A_509 = arith.constant 0 : i32
        %ne3A_510 = arith.cmpi ne, %rem3A_508, %ne3A_509 : i32
        %and3A_511 = arith.andi %ne3A_507, %ne3A_510 : i1
        %sub3A_512 = arith.constant 1 : i32
        %sub3A_513 = arith.subi %div3A_492, %sub3A_512 : i32
        %select_n3A_514 = arith.select %and3A_511, %sub3A_513, %div3A_492 : i32
        %mul3A_515 = arith.constant 2560 : i32
        %mul3A_516 = arith.muli %select_n3A_514, %mul3A_515 : i32
        %add3A_517 = arith.addi %mul3A_2, %mul3A_516 : i32
        %jit3A_518 = arith.constant 2 : i32
        %eq3A_519 = arith.constant 0 : i32
        %eq3A_520 = arith.cmpi eq, %jit3A_518, %eq3A_519 : i32
        %jit3A_521 = arith.constant 1 : i32
        %select_n3A_522 = arith.select %eq3A_520, %jit3A_521, %jit3A_518 : i32
        %rem3A_523 = arith.remsi %select_n3A_514, %select_n3A_522 : i32
        %ne3A_524 = arith.constant 0 : i32
        %ne3A_525 = arith.cmpi ne, %rem3A_523, %ne3A_524 : i32
        %lt3A_526 = arith.constant 0 : i32
        %lt3A_527 = arith.cmpi slt, %rem3A_523, %lt3A_526 : i32
        %lt3A_528 = arith.constant 0 : i32
        %lt3A_529 = arith.cmpi slt, %select_n3A_522, %lt3A_528 : i32
        %ne3A_530 = arith.xori %lt3A_527, %lt3A_529 : i1
        %and3A_531 = arith.andi %ne3A_530, %ne3A_525 : i1
        %add3A_532 = arith.addi %rem3A_523, %select_n3A_522 : i32
        %select_n3A_533 = arith.select %and3A_531, %add3A_532, %rem3A_523 : i32
        %mul3A_534 = arith.constant 2560 : i32
        %mul3A_535 = arith.muli %select_n3A_533, %mul3A_534 : i32
        %dma_start3A_536 = tpu.memref_slice %arg6[%mul3A_535] : memref<5280xi32, #tpu.memory_space<vmem>> -> memref<2560xi32, #tpu.memory_space<vmem>>
        %dma_start3A_537 = tpu.memref_slice %arg2[%add3A_517] : memref<660480xi32, #tpu.memory_space<hbm>> -> memref<2560xi32, #tpu.memory_space<hbm>>
        %dma_start3A_538 = tpu.memref_slice %arg6[%mul3A_535] : memref<5280xi32, #tpu.memory_space<vmem>> -> memref<2560xi32, #tpu.memory_space<vmem>>
        %dma_start3A_539 = tpu.memref_slice %arg2[%add3A_517] : memref<660480xi32, #tpu.memory_space<hbm>> -> memref<2560xi32, #tpu.memory_space<hbm>>
        tpu.enqueue_dma source(%dma_start3A_539 : memref<2560xi32, #tpu.memory_space<hbm>>) target(%dma_start3A_538 : memref<2560xi32, #tpu.memory_space<vmem>>) target_semaphore(%arg12 : memref<!tpu.dma_semaphore, #tpu.memory_space<semaphore_mem>>)
      } else {
      }
      %jit3A_95 = arith.constant 8 : i32
      %div3A = arith.divsi %mul3A_76, %jit3A_95 : i32
      %sign3A = arith.constant 0 : i32
      %sign3A_96 = arith.cmpi sgt, %mul3A_76, %sign3A : i32
      %sign3A_97 = arith.extui %sign3A_96 : i1 to i32
      %sign3A_98 = arith.constant 0 : i32
      %sign3A_99 = arith.cmpi slt, %mul3A_76, %sign3A_98 : i32
      %sign3A_100 = arith.extui %sign3A_99 : i1 to i32
      %sign3A_101 = arith.subi %sign3A_97, %sign3A_100 : i32
      %sign3A_102 = arith.constant 0 : i32
      %sign3A_103 = arith.cmpi sgt, %jit3A_95, %sign3A_102 : i32
      %sign3A_104 = arith.extui %sign3A_103 : i1 to i32
      %sign3A_105 = arith.constant 0 : i32
      %sign3A_106 = arith.cmpi slt, %jit3A_95, %sign3A_105 : i32
      %sign3A_107 = arith.extui %sign3A_106 : i1 to i32
      %sign3A_108 = arith.subi %sign3A_104, %sign3A_107 : i32
      %ne3A_109 = arith.cmpi ne, %sign3A_101, %sign3A_108 : i32
      %rem3A_110 = arith.remsi %mul3A_76, %jit3A_95 : i32
      %ne3A_111 = arith.constant 0 : i32
      %ne3A_112 = arith.cmpi ne, %rem3A_110, %ne3A_111 : i32
      %and3A_113 = arith.andi %ne3A_109, %ne3A_112 : i1
      %sub3A = arith.constant 1 : i32
      %sub3A_114 = arith.subi %div3A, %sub3A : i32
      %select_n3A_115 = arith.select %and3A_113, %sub3A_114, %div3A : i32
      %jit3A_116 = arith.constant 2 : i32
      %eq3A_117 = arith.constant 0 : i32
      %eq3A_118 = arith.cmpi eq, %jit3A_116, %eq3A_117 : i32
      %jit3A_119 = arith.constant 1 : i32
      %select_n3A_120 = arith.select %eq3A_118, %jit3A_119, %jit3A_116 : i32
      %rem3A_121 = arith.remsi %select_n3A_115, %select_n3A_120 : i32
      %ne3A_122 = arith.constant 0 : i32
      %ne3A_123 = arith.cmpi ne, %rem3A_121, %ne3A_122 : i32
      %lt3A_124 = arith.constant 0 : i32
      %lt3A_125 = arith.cmpi slt, %rem3A_121, %lt3A_124 : i32
      %lt3A_126 = arith.constant 0 : i32
      %lt3A_127 = arith.cmpi slt, %select_n3A_120, %lt3A_126 : i32
      %ne3A_128 = arith.xori %lt3A_125, %lt3A_127 : i1
      %and3A_129 = arith.andi %ne3A_128, %ne3A_123 : i1
      %add3A_130 = arith.addi %rem3A_121, %select_n3A_120 : i32
      %select_n3A_131 = arith.select %and3A_129, %add3A_130, %rem3A_121 : i32
      %mul3A_132 = arith.constant 2560 : i32
      %mul3A_133 = arith.muli %select_n3A_131, %mul3A_132 : i32
      %jit3A_134 = arith.constant 8 : i32
      %eq3A_135 = arith.constant 0 : i32
      %eq3A_136 = arith.cmpi eq, %jit3A_134, %eq3A_135 : i32
      %jit3A_137 = arith.constant 1 : i32
      %select_n3A_138 = arith.select %eq3A_136, %jit3A_137, %jit3A_134 : i32
      %rem3A_139 = arith.remsi %mul3A_76, %select_n3A_138 : i32
      %ne3A_140 = arith.constant 0 : i32
      %ne3A_141 = arith.cmpi ne, %rem3A_139, %ne3A_140 : i32
      %lt3A_142 = arith.constant 0 : i32
      %lt3A_143 = arith.cmpi slt, %rem3A_139, %lt3A_142 : i32
      %lt3A_144 = arith.constant 0 : i32
      %lt3A_145 = arith.cmpi slt, %select_n3A_138, %lt3A_144 : i32
      %ne3A_146 = arith.xori %lt3A_143, %lt3A_145 : i1
      %and3A_147 = arith.andi %ne3A_146, %ne3A_141 : i1
      %add3A_148 = arith.addi %rem3A_139, %select_n3A_138 : i32
      %select_n3A_149 = arith.select %and3A_147, %add3A_148, %rem3A_139 : i32
      %mul3A_150 = arith.constant 160 : i32
      %mul3A_151 = arith.muli %select_n3A_149, %mul3A_150 : i32
      %add3A_152 = arith.addi %mul3A_133, %mul3A_151 : i32
      %dma_wait3A_153 = tpu.memref_slice %arg6[%add3A_152] : memref<5280xi32, #tpu.memory_space<vmem>> -> memref<160xi32, #tpu.memory_space<vmem>>
      %dma_wait3A_154 = arith.constant 0 : i32
      %dma_wait3A_155 = arith.constant 0 : i32
      %dma_wait3A_156 = tpu.memref_slice %arg3[%dma_wait3A_154, %dma_wait3A_155] : memref<10240x128xf32, #tpu.memory_space<hbm>> -> memref<10240x128xf32, #tpu.memory_space<hbm>>
      tpu.wait_indirect_dma semaphore(%arg10 : memref<!tpu.dma_semaphore, #tpu.memory_space<semaphore_mem>>) src(%dma_wait3A_156 : memref<10240x128xf32, #tpu.memory_space<hbm>>) dst(%arg7 : memref<160x128xf32, #tpu.memory_space<vmem>>)
      %add3A_157 = arith.constant 1 : i32
      %add3A_158 = arith.addi %mul3A_76, %add3A_157 : i32
      %jit3A_159 = arith.constant 8 : i32
      %div3A_160 = arith.divsi %add3A_158, %jit3A_159 : i32
      %sign3A_161 = arith.constant 0 : i32
      %sign3A_162 = arith.cmpi sgt, %add3A_158, %sign3A_161 : i32
      %sign3A_163 = arith.extui %sign3A_162 : i1 to i32
      %sign3A_164 = arith.constant 0 : i32
      %sign3A_165 = arith.cmpi slt, %add3A_158, %sign3A_164 : i32
      %sign3A_166 = arith.extui %sign3A_165 : i1 to i32
      %sign3A_167 = arith.subi %sign3A_163, %sign3A_166 : i32
      %sign3A_168 = arith.constant 0 : i32
      %sign3A_169 = arith.cmpi sgt, %jit3A_159, %sign3A_168 : i32
      %sign3A_170 = arith.extui %sign3A_169 : i1 to i32
      %sign3A_171 = arith.constant 0 : i32
      %sign3A_172 = arith.cmpi slt, %jit3A_159, %sign3A_171 : i32
      %sign3A_173 = arith.extui %sign3A_172 : i1 to i32
      %sign3A_174 = arith.subi %sign3A_170, %sign3A_173 : i32
      %ne3A_175 = arith.cmpi ne, %sign3A_167, %sign3A_174 : i32
      %rem3A_176 = arith.remsi %add3A_158, %jit3A_159 : i32
      %ne3A_177 = arith.constant 0 : i32
      %ne3A_178 = arith.cmpi ne, %rem3A_176, %ne3A_177 : i32
      %and3A_179 = arith.andi %ne3A_175, %ne3A_178 : i1
      %sub3A_180 = arith.constant 1 : i32
      %sub3A_181 = arith.subi %div3A_160, %sub3A_180 : i32
      %select_n3A_182 = arith.select %and3A_179, %sub3A_181, %div3A_160 : i32
      %jit3A_183 = arith.constant 2 : i32
      %eq3A_184 = arith.constant 0 : i32
      %eq3A_185 = arith.cmpi eq, %jit3A_183, %eq3A_184 : i32
      %jit3A_186 = arith.constant 1 : i32
      %select_n3A_187 = arith.select %eq3A_185, %jit3A_186, %jit3A_183 : i32
      %rem3A_188 = arith.remsi %select_n3A_182, %select_n3A_187 : i32
      %ne3A_189 = arith.constant 0 : i32
      %ne3A_190 = arith.cmpi ne, %rem3A_188, %ne3A_189 : i32
      %lt3A_191 = arith.constant 0 : i32
      %lt3A_192 = arith.cmpi slt, %rem3A_188, %lt3A_191 : i32
      %lt3A_193 = arith.constant 0 : i32
      %lt3A_194 = arith.cmpi slt, %select_n3A_187, %lt3A_193 : i32
      %ne3A_195 = arith.xori %lt3A_192, %lt3A_194 : i1
      %and3A_196 = arith.andi %ne3A_195, %ne3A_190 : i1
      %add3A_197 = arith.addi %rem3A_188, %select_n3A_187 : i32
      %select_n3A_198 = arith.select %and3A_196, %add3A_197, %rem3A_188 : i32
      %mul3A_199 = arith.constant 2560 : i32
      %mul3A_200 = arith.muli %select_n3A_198, %mul3A_199 : i32
      %jit3A_201 = arith.constant 8 : i32
      %eq3A_202 = arith.constant 0 : i32
      %eq3A_203 = arith.cmpi eq, %jit3A_201, %eq3A_202 : i32
      %jit3A_204 = arith.constant 1 : i32
      %select_n3A_205 = arith.select %eq3A_203, %jit3A_204, %jit3A_201 : i32
      %rem3A_206 = arith.remsi %add3A_158, %select_n3A_205 : i32
      %ne3A_207 = arith.constant 0 : i32
      %ne3A_208 = arith.cmpi ne, %rem3A_206, %ne3A_207 : i32
      %lt3A_209 = arith.constant 0 : i32
      %lt3A_210 = arith.cmpi slt, %rem3A_206, %lt3A_209 : i32
      %lt3A_211 = arith.constant 0 : i32
      %lt3A_212 = arith.cmpi slt, %select_n3A_205, %lt3A_211 : i32
      %ne3A_213 = arith.xori %lt3A_210, %lt3A_212 : i1
      %and3A_214 = arith.andi %ne3A_213, %ne3A_208 : i1
      %add3A_215 = arith.addi %rem3A_206, %select_n3A_205 : i32
      %select_n3A_216 = arith.select %and3A_214, %add3A_215, %rem3A_206 : i32
      %mul3A_217 = arith.constant 160 : i32
      %mul3A_218 = arith.muli %select_n3A_216, %mul3A_217 : i32
      %add3A_219 = arith.addi %mul3A_200, %mul3A_218 : i32
      %dma_start3A_220 = tpu.memref_slice %arg6[%add3A_219] : memref<5280xi32, #tpu.memory_space<vmem>> -> memref<160xi32, #tpu.memory_space<vmem>>
      %dma_start3A_221 = arith.constant 0 : i32
      %dma_start3A_222 = arith.constant 0 : i32
      %dma_start3A_223 = tpu.memref_slice %arg3[%dma_start3A_221, %dma_start3A_222] : memref<10240x128xf32, #tpu.memory_space<hbm>> -> memref<10240x128xf32, #tpu.memory_space<hbm>>
      tpu.enqueue_indirect_dma source(%dma_start3A_223 : memref<10240x128xf32, #tpu.memory_space<hbm>>) target(%arg8 : memref<160x128xf32, #tpu.memory_space<vmem>>) offsets(%dma_start3A_220 : memref<160xi32, #tpu.memory_space<vmem>>) semaphore(%arg11 : memref<!tpu.dma_semaphore, #tpu.memory_space<semaphore_mem>>)
      %jit3A_224 = arith.constant 8 : i32
      %div3A_225 = arith.divsi %mul3A_76, %jit3A_224 : i32
      %sign3A_226 = arith.constant 0 : i32
      %sign3A_227 = arith.cmpi sgt, %mul3A_76, %sign3A_226 : i32
      %sign3A_228 = arith.extui %sign3A_227 : i1 to i32
      %sign3A_229 = arith.constant 0 : i32
      %sign3A_230 = arith.cmpi slt, %mul3A_76, %sign3A_229 : i32
      %sign3A_231 = arith.extui %sign3A_230 : i1 to i32
      %sign3A_232 = arith.subi %sign3A_228, %sign3A_231 : i32
      %sign3A_233 = arith.constant 0 : i32
      %sign3A_234 = arith.cmpi sgt, %jit3A_224, %sign3A_233 : i32
      %sign3A_235 = arith.extui %sign3A_234 : i1 to i32
      %sign3A_236 = arith.constant 0 : i32
      %sign3A_237 = arith.cmpi slt, %jit3A_224, %sign3A_236 : i32
      %sign3A_238 = arith.extui %sign3A_237 : i1 to i32
      %sign3A_239 = arith.subi %sign3A_235, %sign3A_238 : i32
      %ne3A_240 = arith.cmpi ne, %sign3A_232, %sign3A_239 : i32
      %rem3A_241 = arith.remsi %mul3A_76, %jit3A_224 : i32
      %ne3A_242 = arith.constant 0 : i32
      %ne3A_243 = arith.cmpi ne, %rem3A_241, %ne3A_242 : i32
      %and3A_244 = arith.andi %ne3A_240, %ne3A_243 : i1
      %sub3A_245 = arith.constant 1 : i32
      %sub3A_246 = arith.subi %div3A_225, %sub3A_245 : i32
      %select_n3A_247 = arith.select %and3A_244, %sub3A_246, %div3A_225 : i32
      %jit3A_248 = arith.constant 2 : i32
      %eq3A_249 = arith.constant 0 : i32
      %eq3A_250 = arith.cmpi eq, %jit3A_248, %eq3A_249 : i32
      %jit3A_251 = arith.constant 1 : i32
      %select_n3A_252 = arith.select %eq3A_250, %jit3A_251, %jit3A_248 : i32
      %rem3A_253 = arith.remsi %select_n3A_247, %select_n3A_252 : i32
      %ne3A_254 = arith.constant 0 : i32
      %ne3A_255 = arith.cmpi ne, %rem3A_253, %ne3A_254 : i32
      %lt3A_256 = arith.constant 0 : i32
      %lt3A_257 = arith.cmpi slt, %rem3A_253, %lt3A_256 : i32
      %lt3A_258 = arith.constant 0 : i32
      %lt3A_259 = arith.cmpi slt, %select_n3A_252, %lt3A_258 : i32
      %ne3A_260 = arith.xori %lt3A_257, %lt3A_259 : i1
      %and3A_261 = arith.andi %ne3A_260, %ne3A_255 : i1
      %add3A_262 = arith.addi %rem3A_253, %select_n3A_252 : i32
      %select_n3A_263 = arith.select %and3A_261, %add3A_262, %rem3A_253 : i32
      %mul3A_264 = arith.constant 2560 : i32
      %mul3A_265 = arith.muli %select_n3A_263, %mul3A_264 : i32
      %add3A_266 = arith.constant 1280 : i32
      %add3A_267 = arith.addi %mul3A_265, %add3A_266 : i32
      %jit3A_268 = arith.constant 8 : i32
      %eq3A_269 = arith.constant 0 : i32
      %eq3A_270 = arith.cmpi eq, %jit3A_268, %eq3A_269 : i32
      %jit3A_271 = arith.constant 1 : i32
      %select_n3A_272 = arith.select %eq3A_270, %jit3A_271, %jit3A_268 : i32
      %rem3A_273 = arith.remsi %mul3A_76, %select_n3A_272 : i32
      %ne3A_274 = arith.constant 0 : i32
      %ne3A_275 = arith.cmpi ne, %rem3A_273, %ne3A_274 : i32
      %lt3A_276 = arith.constant 0 : i32
      %lt3A_277 = arith.cmpi slt, %rem3A_273, %lt3A_276 : i32
      %lt3A_278 = arith.constant 0 : i32
      %lt3A_279 = arith.cmpi slt, %select_n3A_272, %lt3A_278 : i32
      %ne3A_280 = arith.xori %lt3A_277, %lt3A_279 : i1
      %and3A_281 = arith.andi %ne3A_280, %ne3A_275 : i1
      %add3A_282 = arith.addi %rem3A_273, %select_n3A_272 : i32
      %select_n3A_283 = arith.select %and3A_281, %add3A_282, %rem3A_273 : i32
      %mul3A_284 = arith.constant 160 : i32
      %mul3A_285 = arith.muli %select_n3A_283, %mul3A_284 : i32
      %add3A_286 = arith.addi %add3A_267, %mul3A_285 : i32
      "tpu.region"() ({
        %run_scoped3A = tpu.sem_alloc : memref<!tpu.dma_semaphore, #tpu.memory_space<semaphore_mem>>
        %dma_start3A_489 = tpu.memref_slice %arg6[%add3A_286] : memref<5280xi32, #tpu.memory_space<vmem>> -> memref<160xi32, #tpu.memory_space<vmem>>
        %dma_start3A_490 = arith.constant 0 : i32
        %dma_start3A_491 = arith.constant 0 : i32
        %dma_start3A_492 = tpu.memref_slice %arg9[%dma_start3A_490, %dma_start3A_491] : memref<10240x128xf32, #tpu.memory_space<vmem_shared>> -> memref<10240x128xf32, #tpu.memory_space<vmem_shared>>
        tpu.enqueue_indirect_dma source(%arg7 : memref<160x128xf32, #tpu.memory_space<vmem>>) target(%dma_start3A_492 : memref<10240x128xf32, #tpu.memory_space<vmem_shared>>) offsets(%dma_start3A_489 : memref<160xi32, #tpu.memory_space<vmem>>) semaphore(%run_scoped3A : memref<!tpu.dma_semaphore, #tpu.memory_space<semaphore_mem>>) {add = true}
        %dma_wait3A_493 = tpu.memref_slice %arg6[%add3A_286] : memref<5280xi32, #tpu.memory_space<vmem>> -> memref<160xi32, #tpu.memory_space<vmem>>
        %dma_wait3A_494 = arith.constant 0 : i32
        %dma_wait3A_495 = arith.constant 0 : i32
        %dma_wait3A_496 = tpu.memref_slice %arg9[%dma_wait3A_494, %dma_wait3A_495] : memref<10240x128xf32, #tpu.memory_space<vmem_shared>> -> memref<10240x128xf32, #tpu.memory_space<vmem_shared>>
        tpu.wait_indirect_dma semaphore(%run_scoped3A : memref<!tpu.dma_semaphore, #tpu.memory_space<semaphore_mem>>) src(%arg7 : memref<160x128xf32, #tpu.memory_space<vmem>>) dst(%dma_wait3A_496 : memref<10240x128xf32, #tpu.memory_space<vmem_shared>>)
        tpu.yield
      }) : () -> ()
      %add3A_287 = arith.constant 1 : i32
      %add3A_288 = arith.addi %mul3A_76, %add3A_287 : i32
      %jit3A_289 = arith.constant 8 : i32
      %div3A_290 = arith.divsi %add3A_288, %jit3A_289 : i32
      %sign3A_291 = arith.constant 0 : i32
      %sign3A_292 = arith.cmpi sgt, %add3A_288, %sign3A_291 : i32
      %sign3A_293 = arith.extui %sign3A_292 : i1 to i32
      %sign3A_294 = arith.constant 0 : i32
      %sign3A_295 = arith.cmpi slt, %add3A_288, %sign3A_294 : i32
      %sign3A_296 = arith.extui %sign3A_295 : i1 to i32
      %sign3A_297 = arith.subi %sign3A_293, %sign3A_296 : i32
      %sign3A_298 = arith.constant 0 : i32
      %sign3A_299 = arith.cmpi sgt, %jit3A_289, %sign3A_298 : i32
      %sign3A_300 = arith.extui %sign3A_299 : i1 to i32
      %sign3A_301 = arith.constant 0 : i32
      %sign3A_302 = arith.cmpi slt, %jit3A_289, %sign3A_301 : i32
      %sign3A_303 = arith.extui %sign3A_302 : i1 to i32
      %sign3A_304 = arith.subi %sign3A_300, %sign3A_303 : i32
      %ne3A_305 = arith.cmpi ne, %sign3A_297, %sign3A_304 : i32
      %rem3A_306 = arith.remsi %add3A_288, %jit3A_289 : i32
      %ne3A_307 = arith.constant 0 : i32
      %ne3A_308 = arith.cmpi ne, %rem3A_306, %ne3A_307 : i32
      %and3A_309 = arith.andi %ne3A_305, %ne3A_308 : i1
      %sub3A_310 = arith.constant 1 : i32
      %sub3A_311 = arith.subi %div3A_290, %sub3A_310 : i32
      %select_n3A_312 = arith.select %and3A_309, %sub3A_311, %div3A_290 : i32
      %jit3A_313 = arith.constant 2 : i32
      %eq3A_314 = arith.constant 0 : i32
      %eq3A_315 = arith.cmpi eq, %jit3A_313, %eq3A_314 : i32
      %jit3A_316 = arith.constant 1 : i32
      %select_n3A_317 = arith.select %eq3A_315, %jit3A_316, %jit3A_313 : i32
      %rem3A_318 = arith.remsi %select_n3A_312, %select_n3A_317 : i32
      %ne3A_319 = arith.constant 0 : i32
      %ne3A_320 = arith.cmpi ne, %rem3A_318, %ne3A_319 : i32
      %lt3A_321 = arith.constant 0 : i32
      %lt3A_322 = arith.cmpi slt, %rem3A_318, %lt3A_321 : i32
      %lt3A_323 = arith.constant 0 : i32
      %lt3A_324 = arith.cmpi slt, %select_n3A_317, %lt3A_323 : i32
      %ne3A_325 = arith.xori %lt3A_322, %lt3A_324 : i1
      %and3A_326 = arith.andi %ne3A_325, %ne3A_320 : i1
      %add3A_327 = arith.addi %rem3A_318, %select_n3A_317 : i32
      %select_n3A_328 = arith.select %and3A_326, %add3A_327, %rem3A_318 : i32
      %mul3A_329 = arith.constant 2560 : i32
      %mul3A_330 = arith.muli %select_n3A_328, %mul3A_329 : i32
      %jit3A_331 = arith.constant 8 : i32
      %eq3A_332 = arith.constant 0 : i32
      %eq3A_333 = arith.cmpi eq, %jit3A_331, %eq3A_332 : i32
      %jit3A_334 = arith.constant 1 : i32
      %select_n3A_335 = arith.select %eq3A_333, %jit3A_334, %jit3A_331 : i32
      %rem3A_336 = arith.remsi %add3A_288, %select_n3A_335 : i32
      %ne3A_337 = arith.constant 0 : i32
      %ne3A_338 = arith.cmpi ne, %rem3A_336, %ne3A_337 : i32
      %lt3A_339 = arith.constant 0 : i32
      %lt3A_340 = arith.cmpi slt, %rem3A_336, %lt3A_339 : i32
      %lt3A_341 = arith.constant 0 : i32
      %lt3A_342 = arith.cmpi slt, %select_n3A_335, %lt3A_341 : i32
      %ne3A_343 = arith.xori %lt3A_340, %lt3A_342 : i1
      %and3A_344 = arith.andi %ne3A_343, %ne3A_338 : i1
      %add3A_345 = arith.addi %rem3A_336, %select_n3A_335 : i32
      %select_n3A_346 = arith.select %and3A_344, %add3A_345, %rem3A_336 : i32
      %mul3A_347 = arith.constant 160 : i32
      %mul3A_348 = arith.muli %select_n3A_346, %mul3A_347 : i32
      %add3A_349 = arith.addi %mul3A_330, %mul3A_348 : i32
      %dma_wait3A_350 = tpu.memref_slice %arg6[%add3A_349] : memref<5280xi32, #tpu.memory_space<vmem>> -> memref<160xi32, #tpu.memory_space<vmem>>
      %dma_wait3A_351 = arith.constant 0 : i32
      %dma_wait3A_352 = arith.constant 0 : i32
      %dma_wait3A_353 = tpu.memref_slice %arg3[%dma_wait3A_351, %dma_wait3A_352] : memref<10240x128xf32, #tpu.memory_space<hbm>> -> memref<10240x128xf32, #tpu.memory_space<hbm>>
      tpu.wait_indirect_dma semaphore(%arg11 : memref<!tpu.dma_semaphore, #tpu.memory_space<semaphore_mem>>) src(%dma_wait3A_353 : memref<10240x128xf32, #tpu.memory_space<hbm>>) dst(%arg8 : memref<160x128xf32, #tpu.memory_space<vmem>>)
      %convert_element_type3A_354 = arith.extui %eq3A_91 : i1 to i32
      %cond3A_355 = arith.constant 0 : i32
      %cond3A_356 = arith.cmpi ne, %convert_element_type3A_354, %cond3A_355 : i32
      scf.if %cond3A_356 {
        %add3A_489 = arith.constant 2 : i32
        %add3A_490 = arith.addi %mul3A_76, %add3A_489 : i32
        %jit3A_491 = arith.constant 8 : i32
        %div3A_492 = arith.divsi %add3A_490, %jit3A_491 : i32
        %sign3A_493 = arith.constant 0 : i32
        %sign3A_494 = arith.cmpi sgt, %add3A_490, %sign3A_493 : i32
        %sign3A_495 = arith.extui %sign3A_494 : i1 to i32
        %sign3A_496 = arith.constant 0 : i32
        %sign3A_497 = arith.cmpi slt, %add3A_490, %sign3A_496 : i32
        %sign3A_498 = arith.extui %sign3A_497 : i1 to i32
        %sign3A_499 = arith.subi %sign3A_495, %sign3A_498 : i32
        %sign3A_500 = arith.constant 0 : i32
        %sign3A_501 = arith.cmpi sgt, %jit3A_491, %sign3A_500 : i32
        %sign3A_502 = arith.extui %sign3A_501 : i1 to i32
        %sign3A_503 = arith.constant 0 : i32
        %sign3A_504 = arith.cmpi slt, %jit3A_491, %sign3A_503 : i32
        %sign3A_505 = arith.extui %sign3A_504 : i1 to i32
        %sign3A_506 = arith.subi %sign3A_502, %sign3A_505 : i32
        %ne3A_507 = arith.cmpi ne, %sign3A_499, %sign3A_506 : i32
        %rem3A_508 = arith.remsi %add3A_490, %jit3A_491 : i32
        %ne3A_509 = arith.constant 0 : i32
        %ne3A_510 = arith.cmpi ne, %rem3A_508, %ne3A_509 : i32
        %and3A_511 = arith.andi %ne3A_507, %ne3A_510 : i1
        %sub3A_512 = arith.constant 1 : i32
        %sub3A_513 = arith.subi %div3A_492, %sub3A_512 : i32
        %select_n3A_514 = arith.select %and3A_511, %sub3A_513, %div3A_492 : i32
        %mul3A_515 = arith.constant 2560 : i32
        %mul3A_516 = arith.muli %select_n3A_514, %mul3A_515 : i32
        %add3A_517 = arith.addi %mul3A_2, %mul3A_516 : i32
        %jit3A_518 = arith.constant 2 : i32
        %eq3A_519 = arith.constant 0 : i32
        %eq3A_520 = arith.cmpi eq, %jit3A_518, %eq3A_519 : i32
        %jit3A_521 = arith.constant 1 : i32
        %select_n3A_522 = arith.select %eq3A_520, %jit3A_521, %jit3A_518 : i32
        %rem3A_523 = arith.remsi %select_n3A_514, %select_n3A_522 : i32
        %ne3A_524 = arith.constant 0 : i32
        %ne3A_525 = arith.cmpi ne, %rem3A_523, %ne3A_524 : i32
        %lt3A_526 = arith.constant 0 : i32
        %lt3A_527 = arith.cmpi slt, %rem3A_523, %lt3A_526 : i32
        %lt3A_528 = arith.constant 0 : i32
        %lt3A_529 = arith.cmpi slt, %select_n3A_522, %lt3A_528 : i32
        %ne3A_530 = arith.xori %lt3A_527, %lt3A_529 : i1
        %and3A_531 = arith.andi %ne3A_530, %ne3A_525 : i1
        %add3A_532 = arith.addi %rem3A_523, %select_n3A_522 : i32
        %select_n3A_533 = arith.select %and3A_531, %add3A_532, %rem3A_523 : i32
        %mul3A_534 = arith.constant 2560 : i32
        %mul3A_535 = arith.muli %select_n3A_533, %mul3A_534 : i32
        %dma_wait3A_536 = tpu.memref_slice %arg6[%mul3A_535] : memref<5280xi32, #tpu.memory_space<vmem>> -> memref<2560xi32, #tpu.memory_space<vmem>>
        %dma_wait3A_537 = tpu.memref_slice %arg2[%add3A_517] : memref<660480xi32, #tpu.memory_space<hbm>> -> memref<2560xi32, #tpu.memory_space<hbm>>
        %dma_wait3A_538 = tpu.memref_slice %arg6[%mul3A_535] : memref<5280xi32, #tpu.memory_space<vmem>> -> memref<2560xi32, #tpu.memory_space<vmem>>
        %dma_wait3A_539 = tpu.memref_slice %arg2[%add3A_517] : memref<660480xi32, #tpu.memory_space<hbm>> -> memref<2560xi32, #tpu.memory_space<hbm>>
        tpu.wait_dma2 semaphore(%arg12 : memref<!tpu.dma_semaphore, #tpu.memory_space<semaphore_mem>>) src(%dma_wait3A_539 : memref<2560xi32, #tpu.memory_space<hbm>>) dst(%dma_wait3A_538 : memref<2560xi32, #tpu.memory_space<vmem>>)
      } else {
      }
      %add3A_357 = arith.constant 2 : i32
      %add3A_358 = arith.addi %mul3A_76, %add3A_357 : i32
      %jit3A_359 = arith.constant 8 : i32
      %div3A_360 = arith.divsi %add3A_358, %jit3A_359 : i32
      %sign3A_361 = arith.constant 0 : i32
      %sign3A_362 = arith.cmpi sgt, %add3A_358, %sign3A_361 : i32
      %sign3A_363 = arith.extui %sign3A_362 : i1 to i32
      %sign3A_364 = arith.constant 0 : i32
      %sign3A_365 = arith.cmpi slt, %add3A_358, %sign3A_364 : i32
      %sign3A_366 = arith.extui %sign3A_365 : i1 to i32
      %sign3A_367 = arith.subi %sign3A_363, %sign3A_366 : i32
      %sign3A_368 = arith.constant 0 : i32
      %sign3A_369 = arith.cmpi sgt, %jit3A_359, %sign3A_368 : i32
      %sign3A_370 = arith.extui %sign3A_369 : i1 to i32
      %sign3A_371 = arith.constant 0 : i32
      %sign3A_372 = arith.cmpi slt, %jit3A_359, %sign3A_371 : i32
      %sign3A_373 = arith.extui %sign3A_372 : i1 to i32
      %sign3A_374 = arith.subi %sign3A_370, %sign3A_373 : i32
      %ne3A_375 = arith.cmpi ne, %sign3A_367, %sign3A_374 : i32
      %rem3A_376 = arith.remsi %add3A_358, %jit3A_359 : i32
      %ne3A_377 = arith.constant 0 : i32
      %ne3A_378 = arith.cmpi ne, %rem3A_376, %ne3A_377 : i32
      %and3A_379 = arith.andi %ne3A_375, %ne3A_378 : i1
      %sub3A_380 = arith.constant 1 : i32
      %sub3A_381 = arith.subi %div3A_360, %sub3A_380 : i32
      %select_n3A_382 = arith.select %and3A_379, %sub3A_381, %div3A_360 : i32
      %jit3A_383 = arith.constant 2 : i32
      %eq3A_384 = arith.constant 0 : i32
      %eq3A_385 = arith.cmpi eq, %jit3A_383, %eq3A_384 : i32
      %jit3A_386 = arith.constant 1 : i32
      %select_n3A_387 = arith.select %eq3A_385, %jit3A_386, %jit3A_383 : i32
      %rem3A_388 = arith.remsi %select_n3A_382, %select_n3A_387 : i32
      %ne3A_389 = arith.constant 0 : i32
      %ne3A_390 = arith.cmpi ne, %rem3A_388, %ne3A_389 : i32
      %lt3A_391 = arith.constant 0 : i32
      %lt3A_392 = arith.cmpi slt, %rem3A_388, %lt3A_391 : i32
      %lt3A_393 = arith.constant 0 : i32
      %lt3A_394 = arith.cmpi slt, %select_n3A_387, %lt3A_393 : i32
      %ne3A_395 = arith.xori %lt3A_392, %lt3A_394 : i1
      %and3A_396 = arith.andi %ne3A_395, %ne3A_390 : i1
      %add3A_397 = arith.addi %rem3A_388, %select_n3A_387 : i32
      %select_n3A_398 = arith.select %and3A_396, %add3A_397, %rem3A_388 : i32
      %mul3A_399 = arith.constant 2560 : i32
      %mul3A_400 = arith.muli %select_n3A_398, %mul3A_399 : i32
      %jit3A_401 = arith.constant 8 : i32
      %eq3A_402 = arith.constant 0 : i32
      %eq3A_403 = arith.cmpi eq, %jit3A_401, %eq3A_402 : i32
      %jit3A_404 = arith.constant 1 : i32
      %select_n3A_405 = arith.select %eq3A_403, %jit3A_404, %jit3A_401 : i32
      %rem3A_406 = arith.remsi %add3A_358, %select_n3A_405 : i32
      %ne3A_407 = arith.constant 0 : i32
      %ne3A_408 = arith.cmpi ne, %rem3A_406, %ne3A_407 : i32
      %lt3A_409 = arith.constant 0 : i32
      %lt3A_410 = arith.cmpi slt, %rem3A_406, %lt3A_409 : i32
      %lt3A_411 = arith.constant 0 : i32
      %lt3A_412 = arith.cmpi slt, %select_n3A_405, %lt3A_411 : i32
      %ne3A_413 = arith.xori %lt3A_410, %lt3A_412 : i1
      %and3A_414 = arith.andi %ne3A_413, %ne3A_408 : i1
      %add3A_415 = arith.addi %rem3A_406, %select_n3A_405 : i32
      %select_n3A_416 = arith.select %and3A_414, %add3A_415, %rem3A_406 : i32
      %mul3A_417 = arith.constant 160 : i32
      %mul3A_418 = arith.muli %select_n3A_416, %mul3A_417 : i32
      %add3A_419 = arith.addi %mul3A_400, %mul3A_418 : i32
      %dma_start3A_420 = tpu.memref_slice %arg6[%add3A_419] : memref<5280xi32, #tpu.memory_space<vmem>> -> memref<160xi32, #tpu.memory_space<vmem>>
      %dma_start3A_421 = arith.constant 0 : i32
      %dma_start3A_422 = arith.constant 0 : i32
      %dma_start3A_423 = tpu.memref_slice %arg3[%dma_start3A_421, %dma_start3A_422] : memref<10240x128xf32, #tpu.memory_space<hbm>> -> memref<10240x128xf32, #tpu.memory_space<hbm>>
      tpu.enqueue_indirect_dma source(%dma_start3A_423 : memref<10240x128xf32, #tpu.memory_space<hbm>>) target(%arg7 : memref<160x128xf32, #tpu.memory_space<vmem>>) offsets(%dma_start3A_420 : memref<160xi32, #tpu.memory_space<vmem>>) semaphore(%arg10 : memref<!tpu.dma_semaphore, #tpu.memory_space<semaphore_mem>>)
      %add3A_424 = arith.constant 1 : i32
      %add3A_425 = arith.addi %mul3A_76, %add3A_424 : i32
      %jit3A_426 = arith.constant 8 : i32
      %div3A_427 = arith.divsi %add3A_425, %jit3A_426 : i32
      %sign3A_428 = arith.constant 0 : i32
      %sign3A_429 = arith.cmpi sgt, %add3A_425, %sign3A_428 : i32
      %sign3A_430 = arith.extui %sign3A_429 : i1 to i32
      %sign3A_431 = arith.constant 0 : i32
      %sign3A_432 = arith.cmpi slt, %add3A_425, %sign3A_431 : i32
      %sign3A_433 = arith.extui %sign3A_432 : i1 to i32
      %sign3A_434 = arith.subi %sign3A_430, %sign3A_433 : i32
      %sign3A_435 = arith.constant 0 : i32
      %sign3A_436 = arith.cmpi sgt, %jit3A_426, %sign3A_435 : i32
      %sign3A_437 = arith.extui %sign3A_436 : i1 to i32
      %sign3A_438 = arith.constant 0 : i32
      %sign3A_439 = arith.cmpi slt, %jit3A_426, %sign3A_438 : i32
      %sign3A_440 = arith.extui %sign3A_439 : i1 to i32
      %sign3A_441 = arith.subi %sign3A_437, %sign3A_440 : i32
      %ne3A_442 = arith.cmpi ne, %sign3A_434, %sign3A_441 : i32
      %rem3A_443 = arith.remsi %add3A_425, %jit3A_426 : i32
      %ne3A_444 = arith.constant 0 : i32
      %ne3A_445 = arith.cmpi ne, %rem3A_443, %ne3A_444 : i32
      %and3A_446 = arith.andi %ne3A_442, %ne3A_445 : i1
      %sub3A_447 = arith.constant 1 : i32
      %sub3A_448 = arith.subi %div3A_427, %sub3A_447 : i32
      %select_n3A_449 = arith.select %and3A_446, %sub3A_448, %div3A_427 : i32
      %jit3A_450 = arith.constant 2 : i32
      %eq3A_451 = arith.constant 0 : i32
      %eq3A_452 = arith.cmpi eq, %jit3A_450, %eq3A_451 : i32
      %jit3A_453 = arith.constant 1 : i32
      %select_n3A_454 = arith.select %eq3A_452, %jit3A_453, %jit3A_450 : i32
      %rem3A_455 = arith.remsi %select_n3A_449, %select_n3A_454 : i32
      %ne3A_456 = arith.constant 0 : i32
      %ne3A_457 = arith.cmpi ne, %rem3A_455, %ne3A_456 : i32
      %lt3A_458 = arith.constant 0 : i32
      %lt3A_459 = arith.cmpi slt, %rem3A_455, %lt3A_458 : i32
      %lt3A_460 = arith.constant 0 : i32
      %lt3A_461 = arith.cmpi slt, %select_n3A_454, %lt3A_460 : i32
      %ne3A_462 = arith.xori %lt3A_459, %lt3A_461 : i1
      %and3A_463 = arith.andi %ne3A_462, %ne3A_457 : i1
      %add3A_464 = arith.addi %rem3A_455, %select_n3A_454 : i32
      %select_n3A_465 = arith.select %and3A_463, %add3A_464, %rem3A_455 : i32
      %mul3A_466 = arith.constant 2560 : i32
      %mul3A_467 = arith.muli %select_n3A_465, %mul3A_466 : i32
      %add3A_468 = arith.constant 1280 : i32
      %add3A_469 = arith.addi %mul3A_467, %add3A_468 : i32
      %jit3A_470 = arith.constant 8 : i32
      %eq3A_471 = arith.constant 0 : i32
      %eq3A_472 = arith.cmpi eq, %jit3A_470, %eq3A_471 : i32
      %jit3A_473 = arith.constant 1 : i32
      %select_n3A_474 = arith.select %eq3A_472, %jit3A_473, %jit3A_470 : i32
      %rem3A_475 = arith.remsi %add3A_425, %select_n3A_474 : i32
      %ne3A_476 = arith.constant 0 : i32
      %ne3A_477 = arith.cmpi ne, %rem3A_475, %ne3A_476 : i32
      %lt3A_478 = arith.constant 0 : i32
      %lt3A_479 = arith.cmpi slt, %rem3A_475, %lt3A_478 : i32
      %lt3A_480 = arith.constant 0 : i32
      %lt3A_481 = arith.cmpi slt, %select_n3A_474, %lt3A_480 : i32
      %ne3A_482 = arith.xori %lt3A_479, %lt3A_481 : i1
      %and3A_483 = arith.andi %ne3A_482, %ne3A_477 : i1
      %add3A_484 = arith.addi %rem3A_475, %select_n3A_474 : i32
      %select_n3A_485 = arith.select %and3A_483, %add3A_484, %rem3A_475 : i32
      %mul3A_486 = arith.constant 160 : i32
      %mul3A_487 = arith.muli %select_n3A_485, %mul3A_486 : i32
      %add3A_488 = arith.addi %add3A_469, %mul3A_487 : i32
      "tpu.region"() ({
        %run_scoped3A = tpu.sem_alloc : memref<!tpu.dma_semaphore, #tpu.memory_space<semaphore_mem>>
        %dma_start3A_489 = tpu.memref_slice %arg6[%add3A_488] : memref<5280xi32, #tpu.memory_space<vmem>> -> memref<160xi32, #tpu.memory_space<vmem>>
        %dma_start3A_490 = arith.constant 0 : i32
        %dma_start3A_491 = arith.constant 0 : i32
        %dma_start3A_492 = tpu.memref_slice %arg9[%dma_start3A_490, %dma_start3A_491] : memref<10240x128xf32, #tpu.memory_space<vmem_shared>> -> memref<10240x128xf32, #tpu.memory_space<vmem_shared>>
        tpu.enqueue_indirect_dma source(%arg8 : memref<160x128xf32, #tpu.memory_space<vmem>>) target(%dma_start3A_492 : memref<10240x128xf32, #tpu.memory_space<vmem_shared>>) offsets(%dma_start3A_489 : memref<160xi32, #tpu.memory_space<vmem>>) semaphore(%run_scoped3A : memref<!tpu.dma_semaphore, #tpu.memory_space<semaphore_mem>>) {add = true}
        %dma_wait3A_493 = tpu.memref_slice %arg6[%add3A_488] : memref<5280xi32, #tpu.memory_space<vmem>> -> memref<160xi32, #tpu.memory_space<vmem>>
        %dma_wait3A_494 = arith.constant 0 : i32
        %dma_wait3A_495 = arith.constant 0 : i32
        %dma_wait3A_496 = tpu.memref_slice %arg9[%dma_wait3A_494, %dma_wait3A_495] : memref<10240x128xf32, #tpu.memory_space<vmem_shared>> -> memref<10240x128xf32, #tpu.memory_space<vmem_shared>>
        tpu.wait_indirect_dma semaphore(%run_scoped3A : memref<!tpu.dma_semaphore, #tpu.memory_space<semaphore_mem>>) src(%arg8 : memref<160x128xf32, #tpu.memory_space<vmem>>) dst(%dma_wait3A_496 : memref<10240x128xf32, #tpu.memory_space<vmem_shared>>)
        tpu.yield
      }) : () -> ()
    }
    %scan3A_32 = arith.constant 30 : i32
    %dma_wait3A_33 = arith.constant 3200 : i32
    %dma_wait3A_34 = tpu.memref_slice %arg6[%dma_wait3A_33] : memref<5280xi32, #tpu.memory_space<vmem>> -> memref<160xi32, #tpu.memory_space<vmem>>
    %dma_wait3A_35 = arith.constant 0 : i32
    %dma_wait3A_36 = arith.constant 0 : i32
    %dma_wait3A_37 = tpu.memref_slice %arg3[%dma_wait3A_35, %dma_wait3A_36] : memref<10240x128xf32, #tpu.memory_space<hbm>> -> memref<10240x128xf32, #tpu.memory_space<hbm>>
    tpu.wait_indirect_dma semaphore(%arg10 : memref<!tpu.dma_semaphore, #tpu.memory_space<semaphore_mem>>) src(%dma_wait3A_37 : memref<10240x128xf32, #tpu.memory_space<hbm>>) dst(%arg7 : memref<160x128xf32, #tpu.memory_space<vmem>>)
    %dma_start3A_38 = arith.constant 3360 : i32
    %dma_start3A_39 = tpu.memref_slice %arg6[%dma_start3A_38] : memref<5280xi32, #tpu.memory_space<vmem>> -> memref<160xi32, #tpu.memory_space<vmem>>
    %dma_start3A_40 = arith.constant 0 : i32
    %dma_start3A_41 = arith.constant 0 : i32
    %dma_start3A_42 = tpu.memref_slice %arg3[%dma_start3A_40, %dma_start3A_41] : memref<10240x128xf32, #tpu.memory_space<hbm>> -> memref<10240x128xf32, #tpu.memory_space<hbm>>
    tpu.enqueue_indirect_dma source(%dma_start3A_42 : memref<10240x128xf32, #tpu.memory_space<hbm>>) target(%arg8 : memref<160x128xf32, #tpu.memory_space<vmem>>) offsets(%dma_start3A_39 : memref<160xi32, #tpu.memory_space<vmem>>) semaphore(%arg11 : memref<!tpu.dma_semaphore, #tpu.memory_space<semaphore_mem>>)
    "tpu.region"() ({
      %run_scoped3A = tpu.sem_alloc : memref<!tpu.dma_semaphore, #tpu.memory_space<semaphore_mem>>
      %dma_start3A_74 = arith.constant 4480 : i32
      %dma_start3A_75 = tpu.memref_slice %arg6[%dma_start3A_74] : memref<5280xi32, #tpu.memory_space<vmem>> -> memref<160xi32, #tpu.memory_space<vmem>>
      %dma_start3A_76 = arith.constant 0 : i32
      %dma_start3A_77 = arith.constant 0 : i32
      %dma_start3A_78 = tpu.memref_slice %arg9[%dma_start3A_76, %dma_start3A_77] : memref<10240x128xf32, #tpu.memory_space<vmem_shared>> -> memref<10240x128xf32, #tpu.memory_space<vmem_shared>>
      tpu.enqueue_indirect_dma source(%arg7 : memref<160x128xf32, #tpu.memory_space<vmem>>) target(%dma_start3A_78 : memref<10240x128xf32, #tpu.memory_space<vmem_shared>>) offsets(%dma_start3A_75 : memref<160xi32, #tpu.memory_space<vmem>>) semaphore(%run_scoped3A : memref<!tpu.dma_semaphore, #tpu.memory_space<semaphore_mem>>) {add = true}
      %dma_wait3A_79 = arith.constant 4480 : i32
      %dma_wait3A_80 = tpu.memref_slice %arg6[%dma_wait3A_79] : memref<5280xi32, #tpu.memory_space<vmem>> -> memref<160xi32, #tpu.memory_space<vmem>>
      %dma_wait3A_81 = arith.constant 0 : i32
      %dma_wait3A_82 = arith.constant 0 : i32
      %dma_wait3A_83 = tpu.memref_slice %arg9[%dma_wait3A_81, %dma_wait3A_82] : memref<10240x128xf32, #tpu.memory_space<vmem_shared>> -> memref<10240x128xf32, #tpu.memory_space<vmem_shared>>
      tpu.wait_indirect_dma semaphore(%run_scoped3A : memref<!tpu.dma_semaphore, #tpu.memory_space<semaphore_mem>>) src(%arg7 : memref<160x128xf32, #tpu.memory_space<vmem>>) dst(%dma_wait3A_83 : memref<10240x128xf32, #tpu.memory_space<vmem_shared>>)
      tpu.yield
    }) : () -> ()
    %dma_wait3A_43 = arith.constant 3360 : i32
    %dma_wait3A_44 = tpu.memref_slice %arg6[%dma_wait3A_43] : memref<5280xi32, #tpu.memory_space<vmem>> -> memref<160xi32, #tpu.memory_space<vmem>>
    %dma_wait3A_45 = arith.constant 0 : i32
    %dma_wait3A_46 = arith.constant 0 : i32
    %dma_wait3A_47 = tpu.memref_slice %arg3[%dma_wait3A_45, %dma_wait3A_46] : memref<10240x128xf32, #tpu.memory_space<hbm>> -> memref<10240x128xf32, #tpu.memory_space<hbm>>
    tpu.wait_indirect_dma semaphore(%arg11 : memref<!tpu.dma_semaphore, #tpu.memory_space<semaphore_mem>>) src(%dma_wait3A_47 : memref<10240x128xf32, #tpu.memory_space<hbm>>) dst(%arg8 : memref<160x128xf32, #tpu.memory_space<vmem>>)
    %add3A_48 = arith.constant 20480 : i32
    %add3A_49 = arith.addi %mul3A_2, %add3A_48 : i32
    "tpu.region"() ({
      %run_scoped3A = tpu.sem_alloc : memref<!tpu.dma_semaphore, #tpu.memory_space<semaphore_mem>>
      %dma_start3A_74 = arith.constant 5120 : i32
      %dma_start3A_75 = tpu.memref_slice %arg6[%dma_start3A_74] : memref<5280xi32, #tpu.memory_space<vmem>> -> memref<160xi32, #tpu.memory_space<vmem>>
      %dma_start3A_76 = tpu.memref_slice %arg2[%add3A_49] : memref<660480xi32, #tpu.memory_space<hbm>> -> memref<160xi32, #tpu.memory_space<hbm>>
      %dma_start3A_77 = arith.constant 5120 : i32
      %dma_start3A_78 = tpu.memref_slice %arg6[%dma_start3A_77] : memref<5280xi32, #tpu.memory_space<vmem>> -> memref<160xi32, #tpu.memory_space<vmem>>
      %dma_start3A_79 = tpu.memref_slice %arg2[%add3A_49] : memref<660480xi32, #tpu.memory_space<hbm>> -> memref<160xi32, #tpu.memory_space<hbm>>
      tpu.enqueue_dma source(%dma_start3A_79 : memref<160xi32, #tpu.memory_space<hbm>>) target(%dma_start3A_78 : memref<160xi32, #tpu.memory_space<vmem>>) target_semaphore(%run_scoped3A : memref<!tpu.dma_semaphore, #tpu.memory_space<semaphore_mem>>)
      %dma_wait3A_80 = arith.constant 5120 : i32
      %dma_wait3A_81 = tpu.memref_slice %arg6[%dma_wait3A_80] : memref<5280xi32, #tpu.memory_space<vmem>> -> memref<160xi32, #tpu.memory_space<vmem>>
      %dma_wait3A_82 = tpu.memref_slice %arg2[%add3A_49] : memref<660480xi32, #tpu.memory_space<hbm>> -> memref<160xi32, #tpu.memory_space<hbm>>
      %dma_wait3A_83 = arith.constant 5120 : i32
      %dma_wait3A_84 = tpu.memref_slice %arg6[%dma_wait3A_83] : memref<5280xi32, #tpu.memory_space<vmem>> -> memref<160xi32, #tpu.memory_space<vmem>>
      %dma_wait3A_85 = tpu.memref_slice %arg2[%add3A_49] : memref<660480xi32, #tpu.memory_space<hbm>> -> memref<160xi32, #tpu.memory_space<hbm>>
      tpu.wait_dma2 semaphore(%run_scoped3A : memref<!tpu.dma_semaphore, #tpu.memory_space<semaphore_mem>>) src(%dma_wait3A_85 : memref<160xi32, #tpu.memory_space<hbm>>) dst(%dma_wait3A_84 : memref<160xi32, #tpu.memory_space<vmem>>)
      tpu.yield
    }) : () -> ()
    %dma_start3A_50 = arith.constant 0 : i32
    %dma_start3A_51 = arith.constant 0 : i32
    %dma_start3A_52 = tpu.memref_slice %arg7[%dma_start3A_50, %dma_start3A_51] : memref<160x128xf32, #tpu.memory_space<vmem>> -> memref<80x128xf32, #tpu.memory_space<vmem>>
    %dma_start3A_53 = arith.constant 5120 : i32
    %dma_start3A_54 = tpu.memref_slice %arg6[%dma_start3A_53] : memref<5280xi32, #tpu.memory_space<vmem>> -> memref<80xi32, #tpu.memory_space<vmem>>
    %dma_start3A_55 = arith.constant 0 : i32
    %dma_start3A_56 = arith.constant 0 : i32
    %dma_start3A_57 = tpu.memref_slice %arg3[%dma_start3A_55, %dma_start3A_56] : memref<10240x128xf32, #tpu.memory_space<hbm>> -> memref<10240x128xf32, #tpu.memory_space<hbm>>
    tpu.enqueue_indirect_dma source(%dma_start3A_57 : memref<10240x128xf32, #tpu.memory_space<hbm>>) target(%dma_start3A_52 : memref<80x128xf32, #tpu.memory_space<vmem>>) offsets(%dma_start3A_54 : memref<80xi32, #tpu.memory_space<vmem>>) semaphore(%arg10 : memref<!tpu.dma_semaphore, #tpu.memory_space<semaphore_mem>>)
    "tpu.region"() ({
      %run_scoped3A = tpu.sem_alloc : memref<!tpu.dma_semaphore, #tpu.memory_space<semaphore_mem>>
      %dma_start3A_74 = arith.constant 4640 : i32
      %dma_start3A_75 = tpu.memref_slice %arg6[%dma_start3A_74] : memref<5280xi32, #tpu.memory_space<vmem>> -> memref<160xi32, #tpu.memory_space<vmem>>
      %dma_start3A_76 = arith.constant 0 : i32
      %dma_start3A_77 = arith.constant 0 : i32
      %dma_start3A_78 = tpu.memref_slice %arg9[%dma_start3A_76, %dma_start3A_77] : memref<10240x128xf32, #tpu.memory_space<vmem_shared>> -> memref<10240x128xf32, #tpu.memory_space<vmem_shared>>
      tpu.enqueue_indirect_dma source(%arg8 : memref<160x128xf32, #tpu.memory_space<vmem>>) target(%dma_start3A_78 : memref<10240x128xf32, #tpu.memory_space<vmem_shared>>) offsets(%dma_start3A_75 : memref<160xi32, #tpu.memory_space<vmem>>) semaphore(%run_scoped3A : memref<!tpu.dma_semaphore, #tpu.memory_space<semaphore_mem>>) {add = true}
      %dma_wait3A_79 = arith.constant 4640 : i32
      %dma_wait3A_80 = tpu.memref_slice %arg6[%dma_wait3A_79] : memref<5280xi32, #tpu.memory_space<vmem>> -> memref<160xi32, #tpu.memory_space<vmem>>
      %dma_wait3A_81 = arith.constant 0 : i32
      %dma_wait3A_82 = arith.constant 0 : i32
      %dma_wait3A_83 = tpu.memref_slice %arg9[%dma_wait3A_81, %dma_wait3A_82] : memref<10240x128xf32, #tpu.memory_space<vmem_shared>> -> memref<10240x128xf32, #tpu.memory_space<vmem_shared>>
      tpu.wait_indirect_dma semaphore(%run_scoped3A : memref<!tpu.dma_semaphore, #tpu.memory_space<semaphore_mem>>) src(%arg8 : memref<160x128xf32, #tpu.memory_space<vmem>>) dst(%dma_wait3A_83 : memref<10240x128xf32, #tpu.memory_space<vmem_shared>>)
      tpu.yield
    }) : () -> ()
    %dma_wait3A_58 = arith.constant 0 : i32
    %dma_wait3A_59 = arith.constant 0 : i32
    %dma_wait3A_60 = tpu.memref_slice %arg7[%dma_wait3A_58, %dma_wait3A_59] : memref<160x128xf32, #tpu.memory_space<vmem>> -> memref<80x128xf32, #tpu.memory_space<vmem>>
    %dma_wait3A_61 = arith.constant 5120 : i32
    %dma_wait3A_62 = tpu.memref_slice %arg6[%dma_wait3A_61] : memref<5280xi32, #tpu.memory_space<vmem>> -> memref<80xi32, #tpu.memory_space<vmem>>
    %dma_wait3A_63 = arith.constant 0 : i32
    %dma_wait3A_64 = arith.constant 0 : i32
    %dma_wait3A_65 = tpu.memref_slice %arg3[%dma_wait3A_63, %dma_wait3A_64] : memref<10240x128xf32, #tpu.memory_space<hbm>> -> memref<10240x128xf32, #tpu.memory_space<hbm>>
    tpu.wait_indirect_dma semaphore(%arg10 : memref<!tpu.dma_semaphore, #tpu.memory_space<semaphore_mem>>) src(%dma_wait3A_65 : memref<10240x128xf32, #tpu.memory_space<hbm>>) dst(%dma_wait3A_60 : memref<80x128xf32, #tpu.memory_space<vmem>>)
    "tpu.region"() ({
      %run_scoped3A = tpu.sem_alloc : memref<!tpu.dma_semaphore, #tpu.memory_space<semaphore_mem>>
      %dma_start3A_74 = arith.constant 0 : i32
      %dma_start3A_75 = arith.constant 0 : i32
      %dma_start3A_76 = tpu.memref_slice %arg7[%dma_start3A_74, %dma_start3A_75] : memref<160x128xf32, #tpu.memory_space<vmem>> -> memref<80x128xf32, #tpu.memory_space<vmem>>
      %dma_start3A_77 = arith.constant 5200 : i32
      %dma_start3A_78 = tpu.memref_slice %arg6[%dma_start3A_77] : memref<5280xi32, #tpu.memory_space<vmem>> -> memref<80xi32, #tpu.memory_space<vmem>>
      %dma_start3A_79 = arith.constant 0 : i32
      %dma_start3A_80 = arith.constant 0 : i32
      %dma_start3A_81 = tpu.memref_slice %arg9[%dma_start3A_79, %dma_start3A_80] : memref<10240x128xf32, #tpu.memory_space<vmem_shared>> -> memref<10240x128xf32, #tpu.memory_space<vmem_shared>>
      tpu.enqueue_indirect_dma source(%dma_start3A_76 : memref<80x128xf32, #tpu.memory_space<vmem>>) target(%dma_start3A_81 : memref<10240x128xf32, #tpu.memory_space<vmem_shared>>) offsets(%dma_start3A_78 : memref<80xi32, #tpu.memory_space<vmem>>) semaphore(%run_scoped3A : memref<!tpu.dma_semaphore, #tpu.memory_space<semaphore_mem>>) {add = true}
      %dma_wait3A_82 = arith.constant 0 : i32
      %dma_wait3A_83 = arith.constant 0 : i32
      %dma_wait3A_84 = tpu.memref_slice %arg7[%dma_wait3A_82, %dma_wait3A_83] : memref<160x128xf32, #tpu.memory_space<vmem>> -> memref<80x128xf32, #tpu.memory_space<vmem>>
      %dma_wait3A_85 = arith.constant 5200 : i32
      %dma_wait3A_86 = tpu.memref_slice %arg6[%dma_wait3A_85] : memref<5280xi32, #tpu.memory_space<vmem>> -> memref<80xi32, #tpu.memory_space<vmem>>
      %dma_wait3A_87 = arith.constant 0 : i32
      %dma_wait3A_88 = arith.constant 0 : i32
      %dma_wait3A_89 = tpu.memref_slice %arg9[%dma_wait3A_87, %dma_wait3A_88] : memref<10240x128xf32, #tpu.memory_space<vmem_shared>> -> memref<10240x128xf32, #tpu.memory_space<vmem_shared>>
      tpu.wait_indirect_dma semaphore(%run_scoped3A : memref<!tpu.dma_semaphore, #tpu.memory_space<semaphore_mem>>) src(%dma_wait3A_84 : memref<80x128xf32, #tpu.memory_space<vmem>>) dst(%dma_wait3A_89 : memref<10240x128xf32, #tpu.memory_space<vmem_shared>>)
      tpu.yield
    }) : () -> ()
    %barrier3A_66 = arith.constant 0 : index
    tpu.barrier barrier_id(%barrier3A_66)
    %mul3A_67 = arith.constant 640 : i32
    %mul3A_68 = arith.muli %arg1, %mul3A_67 : i32
    %mul3A_69 = arith.constant 10240 : i32
    %mul3A_70 = arith.muli %arg0, %mul3A_69 : i32
    %mul3A_71 = arith.constant 640 : i32
    %mul3A_72 = arith.muli %arg1, %mul3A_71 : i32
    %add3A_73 = arith.addi %mul3A_70, %mul3A_72 : i32
    "tpu.region"() ({
      %run_scoped3A = tpu.sem_alloc : memref<!tpu.dma_semaphore, #tpu.memory_space<semaphore_mem>>
      %dma_start3A_74 = arith.constant 0 : i32
      %dma_start3A_75 = tpu.memref_slice %arg5[%add3A_73, %dma_start3A_74] : memref<20480x128xf32, #tpu.memory_space<hbm>> -> memref<640x128xf32, #tpu.memory_space<hbm>>
      %dma_start3A_76 = arith.constant 0 : i32
      %dma_start3A_77 = tpu.memref_slice %arg9[%mul3A_68, %dma_start3A_76] : memref<10240x128xf32, #tpu.memory_space<vmem_shared>> -> memref<640x128xf32, #tpu.memory_space<vmem_shared>>
      tpu.enqueue_dma source(%dma_start3A_77 : memref<640x128xf32, #tpu.memory_space<vmem_shared>>) target(%dma_start3A_75 : memref<640x128xf32, #tpu.memory_space<hbm>>) target_semaphore(%run_scoped3A : memref<!tpu.dma_semaphore, #tpu.memory_space<semaphore_mem>>)
      %dma_wait3A_78 = arith.constant 0 : i32
      %dma_wait3A_79 = tpu.memref_slice %arg5[%add3A_73, %dma_wait3A_78] : memref<20480x128xf32, #tpu.memory_space<hbm>> -> memref<640x128xf32, #tpu.memory_space<hbm>>
      %dma_wait3A_80 = arith.constant 0 : i32
      %dma_wait3A_81 = tpu.memref_slice %arg9[%mul3A_68, %dma_wait3A_80] : memref<10240x128xf32, #tpu.memory_space<vmem_shared>> -> memref<640x128xf32, #tpu.memory_space<vmem_shared>>
      tpu.wait_dma2 semaphore(%run_scoped3A : memref<!tpu.dma_semaphore, #tpu.memory_space<semaphore_mem>>) src(%dma_wait3A_81 : memref<640x128xf32, #tpu.memory_space<vmem_shared>>) dst(%dma_wait3A_79 : memref<640x128xf32, #tpu.memory_space<hbm>>)
      tpu.yield
    }) : () -> ()
    return
  }
}

module attributes {stable_mosaic.version = 14 : i64} {
  func.func @_prep_body(%arg0: i32, %arg1: memref<512x128xf32, #tpu.memory_space<vmem>>, %arg2: memref<512x1xf32, #tpu.memory_space<vmem>>, %arg3: memref<512x1xf32, #tpu.memory_space<vmem>>, %arg4: memref<512x128xf32, #tpu.memory_space<vmem>>, %arg5: memref<512x1xf32, #tpu.memory_space<vmem>>, %arg6: memref<512x1xf32, #tpu.memory_space<vmem>>) attributes {dimension_semantics = [#tpu.dimension_semantics<arbitrary>], iteration_bounds = array<i64: 20>, scalar_prefetch = 0 : i64, scratch_operands = 0 : i64, tpu.core_type = #tpu.core_type<tc>, window_params = [{transform_indices = @transform_0, window_bounds = array<i64: 512, 128>}, {transform_indices = @transform_1, window_bounds = array<i64: 512, 1>}, {transform_indices = @transform_2, window_bounds = array<i64: 512, 1>}, {transform_indices = @transform_3, window_bounds = array<i64: 512, 128>}, {transform_indices = @transform_4, window_bounds = array<i64: 512, 1>}, {transform_indices = @transform_5, window_bounds = array<i64: 512, 1>}]} {
    %get3A = arith.constant 0 : index
    %get3A_0 = arith.constant 0 : index
    %get3A_1 = vector.load %arg2[%get3A, %get3A_0] : memref<512x1xf32, #tpu.memory_space<vmem>>, vector<512x1xf32>
    %get3A_2 = arith.constant 0 : index
    %get3A_3 = arith.constant 0 : index
    %get3A_4 = vector.load %arg3[%get3A_2, %get3A_3] : memref<512x1xf32, #tpu.memory_space<vmem>>, vector<512x1xf32>
    %add3A = arith.addf %get3A_1, %get3A_4 : vector<512x1xf32>
    %add3A_5 = arith.constant 1.000000e+00 : f32
    %add3A_6 = vector.broadcast %add3A_5 : f32 to vector<512x1xf32>
    %add3A_7 = arith.addf %add3A, %add3A_6 : vector<512x1xf32>
    %gt3A = arith.constant 0.000000e+00 : f32
    %gt3A_8 = vector.broadcast %gt3A : f32 to vector<512x1xf32>
    %gt3A_9 = arith.cmpf ogt, %add3A_7, %gt3A_8 : vector<512x1xf32>
    %max3A = arith.constant 9.99999996E-13 : f32
    %max3A_10 = vector.broadcast %max3A : f32 to vector<512x1xf32>
    %max3A_11 = arith.maximumf %add3A_7, %max3A_10 : vector<512x1xf32>
    %rsqrt3A = math.rsqrt %max3A_11 : vector<512x1xf32>
    %jit3A = arith.constant 0.000000e+00 : f32
    %broadcast_in_dim3A = vector.broadcast %jit3A : f32 to vector<512x1xf32>
    %select_n3A = arith.select %gt3A_9, %rsqrt3A, %broadcast_in_dim3A : vector<512x1xi1>, vector<512x1xf32>
    %swap3A = arith.constant 0 : index
    %swap3A_12 = arith.constant 0 : index
    %swap3A_13 = vector.load %arg5[%swap3A, %swap3A_12] : memref<512x1xf32, #tpu.memory_space<vmem>>, vector<512x1xf32>
    tpu.vector_store %arg5[%swap3A, %swap3A_12], %select_n3A {strides = array<i32>} : memref<512x1xf32, #tpu.memory_space<vmem>>, vector<512x1xf32>,
    %mul3A = arith.mulf %select_n3A, %select_n3A : vector<512x1xf32>
    %swap3A_14 = arith.constant 0 : index
    %swap3A_15 = arith.constant 0 : index
    %swap3A_16 = vector.load %arg6[%swap3A_14, %swap3A_15] : memref<512x1xf32, #tpu.memory_space<vmem>>, vector<512x1xf32>
    tpu.vector_store %arg6[%swap3A_14, %swap3A_15], %mul3A {strides = array<i32>} : memref<512x1xf32, #tpu.memory_space<vmem>>, vector<512x1xf32>,
    %mul3A_17 = arith.constant 512 : i32
    %mul3A_18 = arith.muli %arg0, %mul3A_17 : i32
    %iota3A = tpu.iota {dimensions = array<i32: 0>} : vector<512x1xi32>
    %add3A_19 = vector.broadcast %mul3A_18 : i32 to vector<512x1xi32>
    %add3A_20 = arith.addi %add3A_19, %iota3A : vector<512x1xi32>
    %lt3A = arith.constant 10000 : i32
    %lt3A_21 = vector.broadcast %lt3A : i32 to vector<512x1xi32>
    %lt3A_22 = arith.cmpi slt, %add3A_20, %lt3A_21 : vector<512x1xi32>
    %get3A_23 = arith.constant 0 : index
    %get3A_24 = arith.constant 0 : index
    %get3A_25 = vector.load %arg1[%get3A_23, %get3A_24] : memref<512x128xf32, #tpu.memory_space<vmem>>, vector<512x128xf32>
    %mul3A_26 = vector.broadcast %select_n3A : vector<512x1xf32> to vector<512x128xf32>
    %mul3A_27 = arith.mulf %get3A_25, %mul3A_26 : vector<512x128xf32>
    %jit3A_28 = arith.constant 0.000000e+00 : f32
    %broadcast_in_dim3A_29 = vector.shape_cast %lt3A_22 : vector<512x1xi1> to vector<512x1xi1>
    %broadcast_in_dim3A_30 = vector.broadcast %broadcast_in_dim3A_29 : vector<512x1xi1> to vector<512x128xi1>
    %broadcast_in_dim3A_31 = vector.broadcast %jit3A_28 : f32 to vector<512x128xf32>
    %select_n3A_32 = arith.select %broadcast_in_dim3A_30, %mul3A_27, %broadcast_in_dim3A_31 : vector<512x128xi1>, vector<512x128xf32>
    %swap3A_33 = arith.constant 0 : index
    %swap3A_34 = arith.constant 0 : index
    %swap3A_35 = vector.load %arg4[%swap3A_33, %swap3A_34] : memref<512x128xf32, #tpu.memory_space<vmem>>, vector<512x128xf32>
    tpu.vector_store %arg4[%swap3A_33, %swap3A_34], %select_n3A_32 {strides = array<i32>} : memref<512x128xf32, #tpu.memory_space<vmem>>, vector<512x128xf32>,
    return
  }
  func.func @transform_0(%arg0: i32) -> (i32, i32) {
    %add3A = arith.constant 0 : i32
    %add3A_0 = arith.addi %arg0, %add3A : i32
    %c0_i32 = arith.constant 0 : i32
    %c0_i32_1 = arith.constant 0 : i32
    return %add3A_0, %c0_i32 : i32, i32
  }
  func.func @transform_1(%arg0: i32) -> (i32, i32) {
    %add3A = arith.constant 0 : i32
    %add3A_0 = arith.addi %arg0, %add3A : i32
    %c0_i32 = arith.constant 0 : i32
    %c0_i32_1 = arith.constant 0 : i32
    return %add3A_0, %c0_i32 : i32, i32
  }
  func.func @transform_2(%arg0: i32) -> (i32, i32) {
    %add3A = arith.constant 20 : i32
    %add3A_0 = arith.addi %arg0, %add3A : i32
    %c0_i32 = arith.constant 0 : i32
    %c0_i32_1 = arith.constant 0 : i32
    return %add3A_0, %c0_i32 : i32, i32
  }
  func.func @transform_3(%arg0: i32) -> (i32, i32) {
    %add3A = arith.constant 0 : i32
    %add3A_0 = arith.addi %arg0, %add3A : i32
    %c0_i32 = arith.constant 0 : i32
    %c0_i32_1 = arith.constant 0 : i32
    return %add3A_0, %c0_i32 : i32, i32
  }
  func.func @transform_4(%arg0: i32) -> (i32, i32) {
    %add3A = arith.constant 0 : i32
    %add3A_0 = arith.addi %arg0, %add3A : i32
    %c0_i32 = arith.constant 0 : i32
    %c0_i32_1 = arith.constant 0 : i32
    return %add3A_0, %c0_i32 : i32, i32
  }
  func.func @transform_5(%arg0: i32) -> (i32, i32) {
    %add3A = arith.constant 0 : i32
    %add3A_0 = arith.addi %arg0, %add3A : i32
    %c0_i32 = arith.constant 0 : i32
    %c0_i32_1 = arith.constant 0 : i32
    return %add3A_0, %c0_i32 : i32, i32
  }
}

module attributes {stable_mosaic.version = 14 : i64} {
  func.func @_mmba_body(%arg0: i32, %arg1: memref<512x128xf32, #tpu.memory_space<vmem>>, %arg2: memref<512x128xf32, #tpu.memory_space<vmem>>, %arg3: memref<512x1xf32, #tpu.memory_space<vmem>>, %arg4: memref<128x128xf32, #tpu.memory_space<vmem>>, %arg5: memref<8x128xf32, #tpu.memory_space<vmem>>, %arg6: memref<8x128xf32, #tpu.memory_space<vmem>>, %arg7: memref<512x128xf32, #tpu.memory_space<vmem>>, %arg8: memref<10240x128xf32, #tpu.memory_space<vmem>>, %arg9: memref<8x128xf32, #tpu.memory_space<vmem>>, %arg10: memref<8x128xf32, #tpu.memory_space<vmem>>) attributes {dimension_semantics = [#tpu.dimension_semantics<arbitrary>], iteration_bounds = array<i64: 40>, scalar_prefetch = 0 : i64, scratch_operands = 3 : i64, tpu.core_type = #tpu.core_type<tc>, window_params = [{transform_indices = @transform_0, window_bounds = array<i64: 512, 128>}, {transform_indices = @transform_1, window_bounds = array<i64: 512, 128>}, {transform_indices = @transform_2, window_bounds = array<i64: 512, 1>}, {pipeline_mode = #tpu.pipeline_mode<synchronous>, transform_indices = @transform_3, window_bounds = array<i64: 128, 128>}, {pipeline_mode = #tpu.pipeline_mode<synchronous>, transform_indices = @transform_4, window_bounds = array<i64: 8, 128>}, {pipeline_mode = #tpu.pipeline_mode<synchronous>, transform_indices = @transform_5, window_bounds = array<i64: 8, 128>}, {transform_indices = @transform_6, window_bounds = array<i64: 512, 128>}]} {
    %eq3A = arith.constant 0 : i32
    %eq3A_0 = arith.cmpi eq, %arg0, %eq3A : i32
    %convert_element_type3A = arith.extui %eq3A_0 : i1 to i32
    %cond3A = arith.constant 0 : i32
    %cond3A_1 = arith.cmpi ne, %convert_element_type3A, %cond3A : i32
    scf.if %cond3A_1 {
      %broadcast_in_dim3A = arith.constant 0.000000e+00 : f32
      %broadcast_in_dim3A_10 = vector.broadcast %broadcast_in_dim3A : f32 to vector<8x128xf32>
      %swap3A = arith.constant 0 : index
      %swap3A_11 = arith.constant 0 : index
      %swap3A_12 = vector.load %arg9[%swap3A, %swap3A_11] : memref<8x128xf32, #tpu.memory_space<vmem>>, vector<8x128xf32>
      tpu.vector_store %arg9[%swap3A, %swap3A_11], %broadcast_in_dim3A_10 {strides = array<i32>} : memref<8x128xf32, #tpu.memory_space<vmem>>, vector<8x128xf32>,
      %broadcast_in_dim3A_13 = arith.constant 0.000000e+00 : f32
      %broadcast_in_dim3A_14 = vector.broadcast %broadcast_in_dim3A_13 : f32 to vector<8x128xf32>
      %swap3A_15 = arith.constant 0 : index
      %swap3A_16 = arith.constant 0 : index
      %swap3A_17 = vector.load %arg10[%swap3A_15, %swap3A_16] : memref<8x128xf32, #tpu.memory_space<vmem>>, vector<8x128xf32>
      tpu.vector_store %arg10[%swap3A_15, %swap3A_16], %broadcast_in_dim3A_14 {strides = array<i32>} : memref<8x128xf32, #tpu.memory_space<vmem>>, vector<8x128xf32>,
    } else {
    }
    %lt3A = arith.constant 20 : i32
    %lt3A_2 = arith.cmpi slt, %arg0, %lt3A : i32
    %convert_element_type3A_3 = arith.extui %lt3A_2 : i1 to i32
    %cond3A_4 = arith.constant 0 : i32
    %cond3A_5 = arith.cmpi ne, %convert_element_type3A_3, %cond3A_4 : i32
    scf.if %cond3A_5 {
      %get3A = arith.constant 0 : index
      %get3A_10 = arith.constant 0 : index
      %get3A_11 = vector.load %arg1[%get3A, %get3A_10] : memref<512x128xf32, #tpu.memory_space<vmem>>, vector<512x128xf32>
      %get3A_12 = arith.constant 0 : index
      %get3A_13 = arith.constant 0 : index
      %get3A_14 = vector.load %arg2[%get3A_12, %get3A_13] : memref<512x128xf32, #tpu.memory_space<vmem>>, vector<512x128xf32>
      %add3A = arith.addf %get3A_11, %get3A_14 : vector<512x128xf32>
      %get3A_15 = arith.constant 0 : index
      %get3A_16 = arith.constant 0 : index
      %get3A_17 = vector.load %arg3[%get3A_15, %get3A_16] : memref<512x1xf32, #tpu.memory_space<vmem>>, vector<512x1xf32>
      %mul3A = vector.broadcast %get3A_17 : vector<512x1xf32> to vector<512x128xf32>
      %mul3A_18 = arith.mulf %add3A, %mul3A : vector<512x128xf32>
      %get3A_19 = arith.constant 0 : index
      %get3A_20 = arith.constant 0 : index
      %get3A_21 = vector.load %arg4[%get3A_19, %get3A_20] : memref<128x128xf32, #tpu.memory_space<vmem>>, vector<128x128xf32>
      %dot_general3A = arith.constant dense<0.000000e+00> : vector<512x128xf32>
      %dot_general3A_22 = tpu.matmul %mul3A_18, %get3A_21, %dot_general3A {dimension_numbers = #tpu.dot_dimension_numbers<[1], [1], [0], [0], [0, 0, 1, 0], [], []>, transpose_lhs_hint = false} : vector<512x128xf32>, vector<128x128xf32>, vector<512x128xf32> -> vector<512x128xf32>
      %mul3A_23 = arith.constant 512 : i32
      %mul3A_24 = arith.muli %arg0, %mul3A_23 : i32
      %swap3A = arith.index_cast %mul3A_24 : i32 to index
      %swap3A_25 = arith.constant 0 : index
      %swap3A_26 = vector.load %arg8[%swap3A, %swap3A_25] : memref<10240x128xf32, #tpu.memory_space<vmem>>, vector<512x128xf32>
      tpu.vector_store %arg8[%swap3A, %swap3A_25], %dot_general3A_22 {strides = array<i32>} : memref<10240x128xf32, #tpu.memory_space<vmem>>, vector<512x128xf32>,
      %get3A_27 = arith.constant 0 : index
      %get3A_28 = arith.constant 0 : index
      %get3A_29 = vector.load %arg9[%get3A_27, %get3A_28] : memref<8x128xf32, #tpu.memory_space<vmem>>, vector<8x128xf32>
      %reshape3A = vector.shape_cast %dot_general3A_22 : vector<512x128xf32> to vector<64x8x128xf32>
      %reduce_sum3A = arith.constant dense<0.000000e+00> : vector<8x128xf32>
      %reduce_sum3A_30 = vector.multi_reduction <add>, %reshape3A, %reduce_sum3A [0] : vector<64x8x128xf32> to vector<8x128xf32>
      %add3A_31 = arith.addf %get3A_29, %reduce_sum3A_30 : vector<8x128xf32>
      %swap3A_32 = arith.constant 0 : index
      %swap3A_33 = arith.constant 0 : index
      %swap3A_34 = vector.load %arg9[%swap3A_32, %swap3A_33] : memref<8x128xf32, #tpu.memory_space<vmem>>, vector<8x128xf32>
      tpu.vector_store %arg9[%swap3A_32, %swap3A_33], %add3A_31 {strides = array<i32>} : memref<8x128xf32, #tpu.memory_space<vmem>>, vector<8x128xf32>,
      %get3A_35 = arith.constant 0 : index
      %get3A_36 = arith.constant 0 : index
      %get3A_37 = vector.load %arg10[%get3A_35, %get3A_36] : memref<8x128xf32, #tpu.memory_space<vmem>>, vector<8x128xf32>
      %mul3A_38 = arith.mulf %dot_general3A_22, %dot_general3A_22 : vector<512x128xf32>
      %reshape3A_39 = vector.shape_cast %mul3A_38 : vector<512x128xf32> to vector<64x8x128xf32>
      %reduce_sum3A_40 = arith.constant dense<0.000000e+00> : vector<8x128xf32>
      %reduce_sum3A_41 = vector.multi_reduction <add>, %reshape3A_39, %reduce_sum3A_40 [0] : vector<64x8x128xf32> to vector<8x128xf32>
      %add3A_42 = arith.addf %get3A_37, %reduce_sum3A_41 : vector<8x128xf32>
      %swap3A_43 = arith.constant 0 : index
      %swap3A_44 = arith.constant 0 : index
      %swap3A_45 = vector.load %arg10[%swap3A_43, %swap3A_44] : memref<8x128xf32, #tpu.memory_space<vmem>>, vector<8x128xf32>
      tpu.vector_store %arg10[%swap3A_43, %swap3A_44], %add3A_42 {strides = array<i32>} : memref<8x128xf32, #tpu.memory_space<vmem>>, vector<8x128xf32>,
    } else {
    }
    %ge3A = arith.constant 20 : i32
    %ge3A_6 = arith.cmpi sge, %arg0, %ge3A : i32
    %convert_element_type3A_7 = arith.extui %ge3A_6 : i1 to i32
    %cond3A_8 = arith.constant 0 : i32
    %cond3A_9 = arith.cmpi ne, %convert_element_type3A_7, %cond3A_8 : i32
    scf.if %cond3A_9 {
      %sub3A = arith.constant 20 : i32
      %sub3A_10 = arith.subi %arg0, %sub3A : i32
      %get3A = arith.constant 0 : index
      %get3A_11 = arith.constant 0 : index
      %get3A_12 = vector.load %arg9[%get3A, %get3A_11] : memref<8x128xf32, #tpu.memory_space<vmem>>, vector<8x128xf32>
      %reduce_sum3A = arith.constant dense<0.000000e+00> : vector<128xf32>
      %reduce_sum3A_13 = vector.multi_reduction <add>, %get3A_12, %reduce_sum3A [0] : vector<8x128xf32> to vector<128xf32>
      %broadcast_in_dim3A = vector.shape_cast %reduce_sum3A_13 : vector<128xf32> to vector<1x128xf32>
      %mul3A = arith.constant 9.99999974E-5 : f32
      %mul3A_14 = vector.broadcast %mul3A : f32 to vector<1x128xf32>
      %mul3A_15 = arith.mulf %broadcast_in_dim3A, %mul3A_14 : vector<1x128xf32>
      %get3A_16 = arith.constant 0 : index
      %get3A_17 = arith.constant 0 : index
      %get3A_18 = vector.load %arg10[%get3A_16, %get3A_17] : memref<8x128xf32, #tpu.memory_space<vmem>>, vector<8x128xf32>
      %reduce_sum3A_19 = arith.constant dense<0.000000e+00> : vector<128xf32>
      %reduce_sum3A_20 = vector.multi_reduction <add>, %get3A_18, %reduce_sum3A_19 [0] : vector<8x128xf32> to vector<128xf32>
      %broadcast_in_dim3A_21 = vector.shape_cast %reduce_sum3A_20 : vector<128xf32> to vector<1x128xf32>
      %mul3A_22 = arith.constant 9.99999974E-5 : f32
      %mul3A_23 = vector.broadcast %mul3A_22 : f32 to vector<1x128xf32>
      %mul3A_24 = arith.mulf %broadcast_in_dim3A_21, %mul3A_23 : vector<1x128xf32>
      %mul3A_25 = arith.mulf %mul3A_15, %mul3A_15 : vector<1x128xf32>
      %sub3A_26 = arith.subf %mul3A_24, %mul3A_25 : vector<1x128xf32>
      %add3A = arith.constant 9.99999974E-6 : f32
      %add3A_27 = vector.broadcast %add3A : f32 to vector<1x128xf32>
      %add3A_28 = arith.addf %sub3A_26, %add3A_27 : vector<1x128xf32>
      %rsqrt3A = math.rsqrt %add3A_28 : vector<1x128xf32>
      %mul3A_29 = arith.constant 512 : i32
      %mul3A_30 = arith.muli %sub3A_10, %mul3A_29 : i32
      %get3A_31 = arith.index_cast %mul3A_30 : i32 to index
      %get3A_32 = arith.constant 0 : index
      %get3A_33 = vector.load %arg8[%get3A_31, %get3A_32] : memref<10240x128xf32, #tpu.memory_space<vmem>>, vector<512x128xf32>
      %sub3A_34 = vector.broadcast %mul3A_15 : vector<1x128xf32> to vector<512x128xf32>
      %sub3A_35 = arith.subf %get3A_33, %sub3A_34 : vector<512x128xf32>
      %get3A_36 = arith.constant 0 : index
      %get3A_37 = arith.constant 0 : index
      %get3A_38 = vector.load %arg5[%get3A_36, %get3A_37] : memref<8x128xf32, #tpu.memory_space<vmem>>, vector<1x128xf32>
      %mul3A_39 = arith.mulf %rsqrt3A, %get3A_38 : vector<1x128xf32>
      %mul3A_40 = vector.broadcast %mul3A_39 : vector<1x128xf32> to vector<512x128xf32>
      %mul3A_41 = arith.mulf %sub3A_35, %mul3A_40 : vector<512x128xf32>
      %get3A_42 = arith.constant 0 : index
      %get3A_43 = arith.constant 0 : index
      %get3A_44 = vector.load %arg6[%get3A_42, %get3A_43] : memref<8x128xf32, #tpu.memory_space<vmem>>, vector<1x128xf32>
      %add3A_45 = vector.broadcast %get3A_44 : vector<1x128xf32> to vector<512x128xf32>
      %add3A_46 = arith.addf %mul3A_41, %add3A_45 : vector<512x128xf32>
      %mul3A_47 = arith.constant 5.000000e-01 : f32
      %mul3A_48 = vector.broadcast %mul3A_47 : f32 to vector<512x128xf32>
      %mul3A_49 = arith.mulf %add3A_46, %mul3A_48 : vector<512x128xf32>
      %ge3A_50 = arith.constant 1.000000e+00 : f32
      %ge3A_51 = vector.broadcast %ge3A_50 : f32 to vector<512x128xf32>
      %ge3A_52 = arith.cmpf oge, %mul3A_49, %ge3A_51 : vector<512x128xf32>
      %jit3A = arith.constant 1.000000e+00 : f32
      %jit3A_53 = arith.constant 0.000000e+00 : f32
      %broadcast_in_dim3A_54 = vector.broadcast %jit3A : f32 to vector<512x128xf32>
      %broadcast_in_dim3A_55 = vector.broadcast %jit3A_53 : f32 to vector<512x128xf32>
      %select_n3A = arith.select %ge3A_52, %broadcast_in_dim3A_54, %broadcast_in_dim3A_55 : vector<512x128xi1>, vector<512x128xf32>
      %swap3A = arith.constant 0 : index
      %swap3A_56 = arith.constant 0 : index
      %swap3A_57 = vector.load %arg7[%swap3A, %swap3A_56] : memref<512x128xf32, #tpu.memory_space<vmem>>, vector<512x128xf32>
      tpu.vector_store %arg7[%swap3A, %swap3A_56], %select_n3A {strides = array<i32>} : memref<512x128xf32, #tpu.memory_space<vmem>>, vector<512x128xf32>,
    } else {
    }
    return
  }
  func.func @transform_0(%arg0: i32) -> (i32, i32) {
    %min3A = arith.constant 19 : i32
    %min3A_0 = arith.minsi %arg0, %min3A : i32
    %add3A = arith.constant 0 : i32
    %add3A_1 = arith.addi %min3A_0, %add3A : i32
    %c0_i32 = arith.constant 0 : i32
    %c0_i32_2 = arith.constant 0 : i32
    return %add3A_1, %c0_i32 : i32, i32
  }
  func.func @transform_1(%arg0: i32) -> (i32, i32) {
    %min3A = arith.constant 19 : i32
    %min3A_0 = arith.minsi %arg0, %min3A : i32
    %add3A = arith.constant 20 : i32
    %add3A_1 = arith.addi %min3A_0, %add3A : i32
    %c0_i32 = arith.constant 0 : i32
    %c0_i32_2 = arith.constant 0 : i32
    return %add3A_1, %c0_i32 : i32, i32
  }
  func.func @transform_2(%arg0: i32) -> (i32, i32) {
    %min3A = arith.constant 19 : i32
    %min3A_0 = arith.minsi %arg0, %min3A : i32
    %c0_i32 = arith.constant 0 : i32
    %c0_i32_1 = arith.constant 0 : i32
    return %min3A_0, %c0_i32 : i32, i32
  }
  func.func @transform_3(%arg0: i32) -> (i32, i32) {
    %c0_i32 = arith.constant 0 : i32
    %c0_i32_0 = arith.constant 0 : i32
    %c0_i32_1 = arith.constant 0 : i32
    return %c0_i32, %c0_i32_0 : i32, i32
  }
  func.func @transform_4(%arg0: i32) -> (i32, i32) {
    %c0_i32 = arith.constant 0 : i32
    %c0_i32_0 = arith.constant 0 : i32
    %c0_i32_1 = arith.constant 0 : i32
    return %c0_i32, %c0_i32_0 : i32, i32
  }
  func.func @transform_5(%arg0: i32) -> (i32, i32) {
    %c0_i32 = arith.constant 0 : i32
    %c0_i32_0 = arith.constant 0 : i32
    %c0_i32_1 = arith.constant 0 : i32
    return %c0_i32, %c0_i32_0 : i32, i32
  }
  func.func @transform_6(%arg0: i32) -> (i32, i32) {
    %sub3A = arith.constant 20 : i32
    %sub3A_0 = arith.subi %arg0, %sub3A : i32
    %max3A = arith.constant 0 : i32
    %max3A_1 = arith.maxsi %sub3A_0, %max3A : i32
    %c0_i32 = arith.constant 0 : i32
    %c0_i32_2 = arith.constant 0 : i32
    return %max3A_1, %c0_i32 : i32, i32
  }
}

module attributes {stable_mosaic.version = 14 : i64} {
  func.func @_rescale_body(%arg0: i32, %arg1: memref<512x128xf32, #tpu.memory_space<vmem>>, %arg2: memref<512x128xf32, #tpu.memory_space<vmem>>, %arg3: memref<512x1xf32, #tpu.memory_space<vmem>>, %arg4: memref<512x128xf32, #tpu.memory_space<vmem>>) attributes {dimension_semantics = [#tpu.dimension_semantics<arbitrary>], iteration_bounds = array<i64: 20>, scalar_prefetch = 0 : i64, scratch_operands = 0 : i64, tpu.core_type = #tpu.core_type<tc>, window_params = [{transform_indices = @transform_0, window_bounds = array<i64: 512, 128>}, {transform_indices = @transform_1, window_bounds = array<i64: 512, 128>}, {transform_indices = @transform_2, window_bounds = array<i64: 512, 1>}, {transform_indices = @transform_3, window_bounds = array<i64: 512, 128>}]} {
    %get3A = arith.constant 0 : index
    %get3A_0 = arith.constant 0 : index
    %get3A_1 = vector.load %arg1[%get3A, %get3A_0] : memref<512x128xf32, #tpu.memory_space<vmem>>, vector<512x128xf32>
    %get3A_2 = arith.constant 0 : index
    %get3A_3 = arith.constant 0 : index
    %get3A_4 = vector.load %arg2[%get3A_2, %get3A_3] : memref<512x128xf32, #tpu.memory_space<vmem>>, vector<512x128xf32>
    %add3A = arith.addf %get3A_1, %get3A_4 : vector<512x128xf32>
    %get3A_5 = arith.constant 0 : index
    %get3A_6 = arith.constant 0 : index
    %get3A_7 = vector.load %arg3[%get3A_5, %get3A_6] : memref<512x1xf32, #tpu.memory_space<vmem>>, vector<512x1xf32>
    %mul3A = vector.broadcast %get3A_7 : vector<512x1xf32> to vector<512x128xf32>
    %mul3A_8 = arith.mulf %add3A, %mul3A : vector<512x128xf32>
    %swap3A = arith.constant 0 : index
    %swap3A_9 = arith.constant 0 : index
    %swap3A_10 = vector.load %arg4[%swap3A, %swap3A_9] : memref<512x128xf32, #tpu.memory_space<vmem>>, vector<512x128xf32>
    tpu.vector_store %arg4[%swap3A, %swap3A_9], %mul3A_8 {strides = array<i32>} : memref<512x128xf32, #tpu.memory_space<vmem>>, vector<512x128xf32>,
    return
  }
  func.func @transform_0(%arg0: i32) -> (i32, i32) {
    %add3A = arith.constant 0 : i32
    %add3A_0 = arith.addi %arg0, %add3A : i32
    %c0_i32 = arith.constant 0 : i32
    %c0_i32_1 = arith.constant 0 : i32
    return %add3A_0, %c0_i32 : i32, i32
  }
  func.func @transform_1(%arg0: i32) -> (i32, i32) {
    %add3A = arith.constant 20 : i32
    %add3A_0 = arith.addi %arg0, %add3A : i32
    %c0_i32 = arith.constant 0 : i32
    %c0_i32_1 = arith.constant 0 : i32
    return %add3A_0, %c0_i32 : i32, i32
  }
  func.func @transform_2(%arg0: i32) -> (i32, i32) {
    %add3A = arith.constant 0 : i32
    %add3A_0 = arith.addi %arg0, %add3A : i32
    %c0_i32 = arith.constant 0 : i32
    %c0_i32_1 = arith.constant 0 : i32
    return %add3A_0, %c0_i32 : i32, i32
  }
  func.func @transform_3(%arg0: i32) -> (i32, i32) {
    %add3A = arith.constant 0 : i32
    %add3A_0 = arith.addi %arg0, %add3A : i32
    %c0_i32 = arith.constant 0 : i32
    %c0_i32_1 = arith.constant 0 : i32
    return %add3A_0, %c0_i32 : i32, i32
  }
}

</mosaic_0001>

<sc_bundles>
// kernel: kernel.11.cloned.1.call-start
scs
__scs_entry_jumppad:
0x0: {  	(pc) =	sbr.rel $0x88, $3  }
0x1: {  	(tag) =	ssettag $0x0;
	lr =	simm.s32 $0x1  }
0x2: {  	[smem:$0x3F9C] =	sst lr;
	_ =	strace $0xD0000000  }
0x3: {  	_ = 	snop  }
0x4: {  	_ = 	snop  }
0x5: {  	_ = 	snop  }
0x6: {  	_ = 	snop  }
0x7: {  	_ = 	snop  }
__scs_overlays_trampoline_lowered:
0x8: {  	[smem:$0x3FAB] =	sst s0  }
0x9: {  	[smem:$0x3FAC] =	sst s1  }
0xa: {  	[smem:$0x3FAD] =	sst s2  }
0xb: {  	[smem:$0x3FAE] =	sst s3  }
0xc: {  	[smem:$0x3FAF] =	sst s4  }
0xd: {  	[smem:$0x3FB0] =	sst s5  }
0xe: {  	[smem:$0x3FB1] =	sst s6  }
0xf: {  	[smem:$0x3FB2] =	sst s7  }
0x10: {  	[smem:$0x3FB3] =	sst s8  }
0x11: {  	[smem:$0x3FB4] =	sst s9;
	s0 =	simm.s32 @!p0 $0x0  }
0x12: {  	s1 =	sld [smem:$0x3F9A];
	s0 =	simm.s32 @p0 $0x1  }
0x13: {  	[smem:$0x3FB5] =	sst s0;
	s0 =	simm.s32 @!p1 $0x0  }
0x14: {  	s2 =	sld [smem:$0x3F99];
	s0 =	simm.s32 @p1 $0x1  }
0x15: {  	[smem:$0x3FB6] =	sst s0;
	s0 =	simm.s32 @!p2 $0x0  }
0x16: {  	s3 =	sld [smem:$0x3FDB];
	s0 =	simm.s32 @p2 $0x1  }
0x17: {  	s4 =	simm.s32 $0x1BF5;
	[smem:$0x3FB8] =	sst s0  }
0x18: {  	s0 =	sld [smem:$0x3F9B];
	_ =	swait.ge [sflag:s4], $0x0  }
0x19: {  	s7 =	sld [smem:$0x3F9C]  }
0x1a: {  	s8 =	sadd.s32 $0xFFFFE003, lr  }
0x1b: {  	s9 =	sadd.s32 $0xFFFFFEF7, lr;
	s5 =	simm.s32 $0xFFFFFFFF;
	p2 =	slt.u32 s8, $0xFFFFF086  }
0x1c: {  	p1 =	slt.u32 s9, $0xF7A;
	s5 =	simm.s32 @!p2 $0x0  }
0x1d: {  	s5 =	simm.s32 @p1 $0x1;
	p0 =	seq.s32 s7, s2  }
0x1e: {  	s7 =	smul.u32 @!p0 $0xF7A, s2;
	p2 =	seq.s32 @!p0 s5, $0x0  }
0x1f: {  	s9 =	smul.u32 $0xF7A, s1;
	s8 =	simm.s32 @!p0 $0x1BF5;
	p2 =	por !p2, p0  }
0x20: {  	[sflag:s8] =	ssyncset.s32 @!p0 $0xFFFFF086;
	s6 =	sadd.s32 @!p0 s3, s7;
	s7 =	simm.s32 @!p0 $0x108  }
0x21: {  	s3 =	sadd.s32 s3, s9;
	s6 =	sadd.s32 @!p0 $0x88, s6;
	s7 =	simm.s32 @p2 $0x1082  }
0x22: {  	[simem:s7], [sflag:s8] =	dma.local @!p0 [hbm:s6], $0xF7A  }
0x23: {  	s9 =	sor.u32 $0xD0000000, s2;
	s6 =	simm.s32 $0x108;
	_ =	swait.ge @!p0 [sflag:s8], $0x0  }
0x24: {  	s3 =	sadd.s32 $0x88, s3;
	s6 =	simm.s32 @!p1 $0x1082;
	[sflag:s4] =	ssyncset.s32 $0xFFFFF086  }
0x25: {  	[simem:s6], [sflag:s4] =	dma.local [hbm:s3], $0xF7A  }
0x26: {  	[smem:$0x3F9C] =	sst s1;
	(tag) =	ssettag s2;
	_ =	strace s9  }
0x27: {  	s1 =	sld [smem:$0x3FAC]  }
0x28: {  	s2 =	sld [smem:$0x3FAD]  }
0x29: {  	s4 =	sld [smem:$0x3FAF]  }
0x2a: {  	p0 =	seq.s32 s5, $0x0;
	s5 =	sld [smem:$0x3FB0]  }
0x2b: {  	s6 =	sld [smem:$0x3FB1]  }
0x2c: {  	s7 =	sld [smem:$0x3FB2]  }
0x2d: {  	s3 =	simm.s32 $0x108;
	s8 =	sld [smem:$0x3FB3]  }
0x2e: {  	s3 =	simm.s32 @!p0 $0x1082;
	s9 =	sld [smem:$0x3FB4]  }
0x2f: {  	lr =	sadd.s32 s0, s3;
	s0 =	sld [smem:$0x3FAB]  }
0x30: {  	s3 =	sld [smem:$0x3FAE]  }
0x31: {  	[smem:$0x3FB7] =	sst s10  }
0x32: {  	s10 =	sld [smem:$0x3FB5];
	_ =	sdelay $0x3  }
0x33: {  	p0 =	seq.s32 s10, $0x1;
	s10 =	sld [smem:$0x3FB7];
	_ =	sdelay $0x3  }
0x34: {  	[smem:$0x3FB7] =	sst s10  }
0x35: {  	s10 =	sld [smem:$0x3FB6];
	_ =	sdelay $0x3  }
0x36: {  	p1 =	seq.s32 s10, $0x1;
	s10 =	sld [smem:$0x3FB7];
	_ =	sdelay $0x3  }
0x37: {  	[smem:$0x3FB7] =	sst s10  }
0x38: {  	s10 =	sld [smem:$0x3FB8]  }
0x39: {  	_ = 	snop;
	(pc) =	sbr.ind lr, $3  }
0x3a: {  	_ = 	snop  }
0x3b: {  	_ = 	snop  }
0x3c: {  	p2 =	seq.s32 s10, $0x1;
	s10 =	sld [smem:$0x3FB7]  }
0x3d: {  	_ =	shalt  }
0x3e: {  	_ =	shalt  }
0x3f: {  	_ =	shalt  }
0x40: {  	_ =	shalt  }
0x41: {  	_ =	shalt  }
0x42: {  	_ =	shalt  }
0x43: {  	_ =	shalt  }
0x44: {  	_ =	shalt  }
0x45: {  	_ =	shalt  }
0x46: {  	_ =	shalt  }
0x47: {  	_ =	shalt  }
0x48: {  	_ =	shalt  }
0x49: {  	_ =	shalt  }
0x4a: {  	_ =	shalt  }
0x4b: {  	_ =	shalt  }
0x4c: {  	_ =	shalt  }
0x4d: {  	_ =	shalt  }
0x4e: {  	_ =	shalt  }
0x4f: {  	_ =	shalt  }
0x50: {  	_ =	shalt  }
0x51: {  	_ =	shalt  }
0x52: {  	_ =	shalt  }
0x53: {  	_ =	shalt  }
0x54: {  	_ =	shalt  }
0x55: {  	_ =	shalt  }
0x56: {  	_ =	shalt  }
0x57: {  	_ =	shalt  }
0x58: {  	_ =	shalt  }
0x59: {  	_ =	shalt  }
0x5a: {  	_ =	shalt  }
0x5b: {  	_ =	shalt  }
0x5c: {  	_ =	shalt  }
0x5d: {  	_ =	shalt  }
0x5e: {  	_ =	shalt  }
0x5f: {  	_ =	shalt  }
0x60: {  	_ =	shalt  }
0x61: {  	_ =	shalt  }
0x62: {  	_ =	shalt  }
0x63: {  	_ =	shalt  }
0x64: {  	_ =	shalt  }
0x65: {  	_ =	shalt  }
0x66: {  	_ =	shalt  }
0x67: {  	_ =	shalt  }
0x68: {  	_ =	shalt  }
0x69: {  	_ =	shalt  }
0x6a: {  	_ =	shalt  }
0x6b: {  	_ =	shalt  }
0x6c: {  	_ =	shalt  }
0x6d: {  	_ =	shalt  }
0x6e: {  	_ =	shalt  }
0x6f: {  	_ =	shalt  }
0x70: {  	_ =	shalt  }
0x71: {  	_ =	shalt  }
0x72: {  	_ =	shalt  }
0x73: {  	_ =	shalt  }
0x74: {  	_ =	shalt  }
0x75: {  	_ =	shalt  }
0x76: {  	_ =	shalt  }
0x77: {  	_ =	shalt  }
0x78: {  	_ =	shalt  }
0x79: {  	_ =	shalt  }
0x7a: {  	_ =	shalt  }
0x7b: {  	_ =	shalt  }
0x7c: {  	_ =	shalt  }
0x7d: {  	_ =	shalt  }
0x7e: {  	_ =	shalt  }
0x7f: {  	_ =	shalt  }
0x80: {  	_ =	shalt  }
0x81: {  	_ =	shalt  }
0x82: {  	_ =	shalt  }
0x83: {  	_ =	shalt  }
0x84: {  	_ =	shalt  }
0x85: {  	_ =	shalt  }
0x86: {  	_ =	shalt  }
0x87: {  	_ =	shalt  }
.Lfunc_end0:
.L_simem_size_0:
called_computation.1_lowered:
.L_overlay_start_0:
0x88: {  	s2 =	sld [smem:$0x3FD9]  }
0x89: {  	s3 =	sld [smem:$0x3FFE];
	_ =	sdelay $0x1  }
0x8a: {  	s1 =	srdreg.scid  }
0x8b: {  	s0 =	sand.u32 $0x1, s1  }
0x8c: {  	s17 =	sshll.u32 s0, $0xA;
	s2 =	sadd.s32 s3, s2  }
0x8d: {  	s2 =	sadd.s32 s2, s17  }
0x8e: {  	[smem:$0x3FC3] =	sst s2  }
0x8f: {  	_ = 	snop  }
0x90: {  	s2 =	sld [smem:$0x3FD0];
	(tm) =	ssettm $0x1  }
0x91: {  	s18 =	sld [smem:$0x3FFB];
	_ =	sdelay $0x3  }
0x92: {  	_ =	strace s18  }
0x93: {  	s3 =	sld [smem:$0x3FFC];
	_ =	sdelay $0x3  }
0x94: {  	_ =	strace s3  }
0x95: {  	s3 =	sld [smem:$0x3FFD];
	_ =	sdelay $0x3  }
0x96: {  	_ =	strace s3  }
0x97: {  	_ =	strace $0x8FFFFFFF  }
0x98: {  	s19 =	sld [smem:$0x3FDB];
	_ =	sdelay $0x1  }
0x99: {  	s4 =	simm.s32 $_scs_section_size  }
0x9a: {  	s5 =	simm.s32 $_size__tile_overlayer_lowered;
	s6 =	simm.s32 $_tile_overlayer_lowered  }
0x9b: {  	s22 =	simm.s32 $0x1BFF;
	s21 =	sshll.u32 s6, $0x1;
	s3 =	sadd.s32 s4, s19  }
0x9c: {  	s7 =	simm.s32 $0x0;
	s20 =	sshll.u32 s5, $0x1;
	s5 =	sadd.s32 s21, s3  }
0x9d: {  	[timem:s7], [sflag:s22] =	dma.local [hbm:s5], s20  }
0x9e: {  	_ =	swait.ge [sflag:s22], s20  }
0x9f: {  	s4 =	ssub.s32 $0x0, s20;
	[sflag:s22] =	ssyncset.done $0x0  }
0xa0: {  	[sflag:s22] =	ssyncadd.s32 s4;
	_ =	sdelay $0x1  }
0xa1: {  	s23 =	simm.s32 $0x1B8B  }
0xa2: {  	_ =	swait.ge [sflag:s23], $0x1  }
0xa3: {  	[sflag:s23] =	ssyncset.done $0x0  }
0xa4: {  	s25 =	simm.s32 $0x1B8E;
	s24 =	sld [smem:$0x3FFE];
	[sflag:s23] =	ssyncadd.s32 $0xFFFFFFFF  }
0xa5: {  	s26 =	simm.s32 $execute0_lowered;
	[smem:$0x3FD2] =	sst s25  }
0xa6: {  	s5 =	sshll.u32 s26, $0x1;
	_ =	strace $0x80000049;
	[dreg:$0x1] =	wrdreg $0xFFFFFFFF  }
0xa7: {  	s28 =	simm.s32 $_size_execute0_lowered;
	s3 =	sadd.s32 s3, s5;
	[dreg:$0x0] =	wrdreg $0x0  }
0xa8: {  	s5 =	sshll.u32 s28, $0x1;
	[dreg:$0x2] =	wrdreg s3  }
0xa9: {  	[dreg:$0x3] =	wrdreg s5  }
0xaa: {  	[dreg:$0x4] =	wrdreg $0xC0  }
0xab: {  	_ =	task [dreg:s7], $0x5FFFF  }
0xac: {  	[dreg:$0x1] =	wrdreg $0xFFFFFFFF  }
0xad: {  	[dreg:$0x0] =	wrdreg $0x60  }
0xae: {  	[dreg:$0x2] =	wrdreg s2  }
0xaf: {  	[dreg:$0x3] =	wrdreg s24  }
0xb0: {  	[dreg:$0x4] =	wrdreg $0xB5000  }
0xb1: {  	[dreg:$0x5] =	wrdreg $0x9  }
0xb2: {  	_ =	task.clear_ibuf [dreg:s7], $0x6FFFF;
	_ =	strace $0x90000049  }
0xb3: {  	s29 =	simm.s32 $0x9;
	_ =	strace $0x8000004B  }
0xb4: {  	_ =	swait.ge [sflag:s29], $0x1  }
0xb5: {  	[sflag:s29] =	ssyncadd.s32 $0xFFFFFFFF  }
0xb6: {  	_ =	strace $0x9000004B  }
0xb7: {  	_ =	sfence  }
0xb8: {  	s30 =	sld [smem:$0x0];
	_ =	sdelay $0x2  }
0xb9: {  	s31 =	sshll.u32 s1, $0xD;
	s1 =	sshrl.u32 s1, $0x2  }
0xba: {  	s3 =	sand.u32 $0x4000, s31;
	s1 =	sadd.s32 s1, s30  }
0xbb: {  	s0 =	sor.u32 s3, s0;
	s1 =	sshll.u32 s1, $0x11  }
0xbc: {  	s0 =	sor.u32 s1, s0  }
0xbd: {  	s0 =	sadd.s32 $0x8F2B, s0  }
0xbe: {  	[sflag:s0] =	ssyncadd.remote.s32 $0x1  }
0xbf: {  	_ =	sfence.sel $0xFFFF  }
0xc0: {  	[dreg:$0x0] =	wrdreg $0xFFFFFFFF;
	(pc) =	sbr.abs _section_cstart, $3  }
0xc1: {  	[dreg:$0x1] =	wrdreg $0xFFFFFFFF  }
0xc2: {  	_ =	task.clear_ibuf [dreg:s7], $0x2FFFF;
	_ =	strace $0x9FFFFFFF  }
0xc3: {  	(tm) =	ssettm $0x7FFFFFFF  }
tec
execute0_lowered:
.L_overlay_start_1:
0x0: {  	(tag) =	ssettag $0x1  }
0x1: {  	s1 =	rddreg [dreg:$0x0]  }
0x2: {  	s0 =	rddreg [dreg:$0x1]  }
0x3: {  	s3 =	rddreg [dreg:$0x2]  }
0x4: {  	s2 =	srdreg.scid;
	s13 =	stileid.u32;
	s4 =	simm.s32 $0x0  }
0x5: {  	s14 =	simm.s32 $0x4;
	s15 =	simm.s32 $0x3;
	s16 =	simm.s32 $0xA0  }
0x6: {  	s17 =	simm.s32 $0x1500;
	s18 =	simm.s32 $0x1;
	s19 =	simm.s32 $0x6500  }
0x7: {  	s31 =	simm.s32 $0x500;
	s20 =	simm.s32 $0x2;
	s28 =	simm.s32 $0x0  }
0x8: {  	s2 =	sand.u32 $0x1, s2;
	s8 =	smul.u32 $0x2800, s13;
	[smem:$0x7FF] =	sst s4  }
0x9: {  	s10 =	smul.u32 $0x50000, s13;
	s11 =	sadd.s32 $0x2A400, s0;
	s30 =	sshll.u32 s13, $0x6  }
0xa: {  	s5 =	sshll.u32 s2, $0x4;
	s7 =	smul.u32 $0x28000, s2;
	_ =	strace $0x8000004A  }
0xb: {  	s9 =	ssub.s32 $0x2, s2;
	p0 =	seq.s32 s2, $0x0;
	[dreg:$0x4] =	wrdreg s31  }
0xc: {  	s6 =	sor.u32 s13, s5;
	s5 =	sadd.s32 $0x2400, s0;
	s22 =	sshrl.u32 s9, $0x1  }
0xd: {  	s23 =	sshrl.u32 s10, $0x2;
	s6 =	smul.u32 $0x50A0, s6;
	s7 =	sadd.s32 s8, s7  }
0xe: {  	s12 =	ssub.s32 s9, s22;
	s25 =	sadd.s32 s23, s3;
	s11 =	smov.u32 @p0 s5  }
0xf: {  	s23 =	simm.s32 $0x1400;
	s0 =	sadd.s32 s7, s0;
	s26 =	smax.u32 s12, $0x1  }
0x10: {  	s29 =	sadd.s32 s11, s8;
	s24 =	sshrl.u32 s6, $0x3;
	[dreg:$0x7] =	wrdreg s26  }
0x11: {  	s0 =	sadd.s32 $0x52400, s0;
	[dreg:$0x8] =	wrdreg s29;
	s7 =	sadd.s32 s1, s24  }
0x12: {  	s12 =	sor.u32 $0x1C04, s30;
	[dreg:$0x6] =	wrdreg s0;
	s9 =	sadd.s32 $0xA00, s7  }
0x13: {  	s13 =	sshrl.u32 s25, $0x3;
	s24 =	simm.s32 $0x50;
	[dreg:$0x5] =	wrdreg s9  }
.LBB2_1:
0x14: {  	s0 =	rddreg [dreg:$0x8];
	s30 =	simm.s32 $0x2;
	s29 =	simm.s32 $0x1  }
0x15: {  	[spmem:s13], [sflag:s12] =	dma.local [hbm:s0], $0x2800  }
0x16: {  	s22 =	sand.u32 $0x6, s4;
	s26 =	sand.u32 $0x4, s4;
	s11 =	sand.u32 $0x6, s30  }
0x17: {  	s9 =	smul.u32 $0xA0, s22;
	_ =	swait.ge [sflag:s14], $0x2800;
	p0 =	sne.s32 s11, $0x0  }
0x18: {  	s10 =	smul.u32 $0x280, s22;
	[sflag:s14] =	ssyncset.done $0x0;
	s2 =	simm.s32 @!p0 $0x0  }
0x19: {  	[sflag:s14] =	ssyncadd.s32 $0xFFFFD800;
	s8 =	smul.u32 @!p0 $0xA00, s2;
	s2 =	sand.u32 @!p0 $0x1, s2  }
0x1a: {  	[tilespmem:s4], [sflag:$0x3] =	stream.linear.gather [hbm4b:s7+s4], $0xA00, $0x38;
	[tilespmem:$0x1F500] =	vst v63  }
0x1b: {  	s21 =	simm.s32 @!p0 $0x0;
	p1 =	seq.s32 @!p0 s2, $0x1;
	_ =	swait.ge [sflag:s15], $0xA00  }
0x1c: {  	s8 =	sadd.s32 @!p0 s6, s8;
	p1 =	por !p1, p0;
	[sflag:s15] =	ssyncset.done $0x0  }
0x1d: {  	s2 =	sshrl.u32 @!p0 s8, $0x3;
	s8 =	simm.s32 @!p0 $0xA00;
	[sflag:s15] =	ssyncadd.s32 $0xFFFFF600  }
0x1e: {  	[tilespmem:s17], [sflag:$0x1] =	stream.indirect.gather [hbm4b:s5+s16], $0x80, s4, s16, $0xb8;
	[tilespmem:$0x1F500] =	vst v63  }
0x1f: {  	s2 =	sadd.s32 @!p0 s1, s2;
	s8 =	simm.s32 @p1 $0x0;
	[bflag:$0x0] =	sbarrier.arrive $0xFFFF  }
0x20: {  	[tilespmem:s8], [sflag:$0x3] =	stream.linear.gather @!p0 [hbm4b:s2+s21], $0xA00, $0x38;
	[tilespmem:$0x1F500] =	vst v63  }
0x21: {  	s0 =	simm.s32 $0x2;
	p1 =	seq.s32 s26, $0x0;
	s8 =	simm.s32 $0x0  }
0x22: {  	s26 =	sshrl.u32 s10, $0x2;
	_ =	swait.ge [sflag:s18], $0x5000;
	s2 =	sand.u32 $0xA00, s8  }
0x23: {  	s8 =	sadd.s32 $0xA0, s9;
	s25 =	rddreg [dreg:$0x4];
	[sflag:s18] =	ssyncset.done $0x0  }
0x24: {  	s22 =	sadd.s32 s8, s2;
	[sflag:s18] =	ssyncadd.s32 $0xFFFFB000;
	s25 =	simm.s32 @!p1 $0xF00  }
0x25: {  	[tilespmem:s19], [sflag:$0x2] =	stream.indirect.gather [hbm4b:s5+s16], $0x80, s22, s16, $0xb8;
	[tilespmem:$0x1F500] =	vst v63  }
0x26: {  	s11 =	smul.u32 $0x280, s11;
	s9 =	simm.s32 $0x0;
	s8 =	sadd.s32 s26, s25  }
0x27: {  	[spmem:s3] =	stream.indirect.scatter.add.f32 [tilespmem:s17], [sflag:$0x4], $0x80, s8, s16, $0xb8;
	[tilespmem:$0x1F500] =	vst v63  }
0x28: {  	s21 =	simm.s32 $0x4;
	s10 =	sand.u32 $0xA00, s9;
	_ =	swait.ge [sflag:s14], $0x5000  }
0x29: {  	s2 =	sshrl.u32 s11, $0x2;
	s11 =	sand.u32 $0x6, s21;
	[sflag:s14] =	ssyncset.done $0x0  }
0x2a: {  	p1 =	por p0, p0;
	p0 =	sne.s32 s11, $0x0;
	[sflag:s14] =	ssyncadd.s32 $0xFFFFB000  }
0x2b: {  	s31 =	smul.u32 $0x280, s11;
	s25 =	sadd.s32 s2, s10;
	_ =	swait.ge [sflag:s20], $0x5000  }
0x2c: {  	s26 =	simm.s32 @!p1 $0x3;
	s2 =	simm.s32 @!p0 $0x0;
	[sflag:s20] =	ssyncset.done $0x0  }
0x2d: {  	s9 =	sand.u32 @!p0 $0x1, s2;
	s8 =	smul.u32 @!p0 $0xA00, s2;
	[sflag:s20] =	ssyncadd.s32 $0xFFFFB000  }
0x2e: {  	p3 =	seq.s32 @!p0 s9, $0x1;
	s2 =	simm.s32 $0x0;
	_ =	swait.ge @!p1 [sflag:s26], $0xA00  }
.LBB2_2:
0x2f: {  	[sflag:s26] =	ssyncset.done @!p1 $0x0  }
0x30: {  	s9 =	sadd.s32 $0x500, s22;
	s10 =	smov.u32 s0;
	s0 =	sadd.s32 $0x1, s0  }
0x31: {  	s22 =	simm.s32 @!p0 $0xA00;
	s2 =	sand.u32 $0xA00, s2;
	s8 =	sadd.s32 @!p0 s6, s8  }
0x32: {  	[sflag:s26] =	ssyncadd.s32 @!p1 $0xFFFFF600;
	p1 =	por !p3, p0;
	p2 =	sne.s32 s0, $0x1E  }
0x33: {  	[tilespmem:s17], [sflag:$0x1] =	stream.indirect.gather [hbm4b:s5+s16], $0x80, s25, s16, $0xb8;
	[tilespmem:$0x1F500] =	vst v63  }
0x34: {  	s26 =	sshll.u32 s29, $0x1D;
	s8 =	sshrl.u32 @!p0 s8, $0x3;
	s25 =	sand.u32 $0x6, s30  }
0x35: {  	[spmem:s3] =	stream.indirect.scatter.add.f32 [tilespmem:s19], [sflag:$0x4], $0x80, s9, s16, $0xb8;
	[tilespmem:$0x1F500] =	vst v63  }
0x36: {  	s22 =	simm.s32 @p1 $0x0;
	s11 =	smul.u32 $0x280, s25;
	_ =	swait.ge [sflag:s14], $0x5000  }
0x37: {  	s30 =	smov.u32 s21;
	s8 =	sadd.s32 @!p0 s1, s8;
	[sflag:s14] =	ssyncset.done $0x0  }
0x38: {  	s9 =	simm.s32 @!p0 $0x0;
	s11 =	sshrl.u32 s11, $0x2;
	[sflag:s14] =	ssyncadd.s32 $0xFFFFB000  }
0x39: {  	[tilespmem:s22], [sflag:$0x3] =	stream.linear.gather @!p0 [hbm4b:s8+s9], $0xA00, $0x38;
	[tilespmem:$0x1F500] =	vst v63  }
0x3a: {  	s9 =	sshra.s32 s26, $0x1F;
	s22 =	smul.u32 $0xA0, s25;
	s26 =	sand.u32 $0x4, s29  }
0x3b: {  	_ =	swait.ge [sflag:s18], $0x5000;
	s8 =	sand.u32 $0xA00, s9;
	p3 =	seq.s32 s26, $0x0  }
0x3c: {  	s25 =	rddreg [dreg:$0x4];
	[sflag:s18] =	ssyncset.done $0x0;
	s9 =	sadd.s32 $0xA0, s22  }
0x3d: {  	[sflag:s18] =	ssyncadd.s32 $0xFFFFB000;
	s22 =	sadd.s32 s9, s8;
	s25 =	simm.s32 @!p3 $0xF00  }
0x3e: {  	[tilespmem:s19], [sflag:$0x2] =	stream.indirect.gather [hbm4b:s5+s16], $0x80, s22, s16, $0xb8;
	[tilespmem:$0x1F500] =	vst v63  }
0x3f: {  	p1 =	por p0, p0;
	s21 =	sadd.s32 $0x2, s21;
	s26 =	sadd.s32 s11, s25  }
0x40: {  	[spmem:s3] =	stream.indirect.scatter.add.f32 [tilespmem:s17], [sflag:$0x4], $0x80, s26, s16, $0xb8;
	[tilespmem:$0x1F500] =	vst v63  }
0x41: {  	s29 =	smov.u32 s10;
	s10 =	sand.u32 $0x6, s21;
	_ =	swait.ge [sflag:s14], $0x5000  }
0x42: {  	s9 =	sshrl.u32 s31, $0x2;
	s31 =	smul.u32 $0x280, s10;
	[sflag:s14] =	ssyncset.done $0x0  }
.Ltmp0:
0x43: {  	p0 =	sne.s32 s10, $0x0;
	[sflag:s14] =	ssyncadd.s32 $0xFFFFB000;
	(pc) =	sbr.rel @p2 .LBB2_2-.Ltmp0, $4  }
0x44: {  	s25 =	sadd.s32 s9, s2;
	s2 =	sshrl.u32 @!p0 s21, $0x3;
	_ =	swait.ge [sflag:s20], $0x5000  }
0x45: {  	s11 =	sshll.u32 s21, $0x1C;
	s10 =	sand.u32 @!p0 $0x1, s2;
	[sflag:s20] =	ssyncset.done $0x0  }
0x46: {  	s8 =	smul.u32 @!p0 $0xA00, s2;
	s26 =	simm.s32 @!p1 $0x3;
	[sflag:s20] =	ssyncadd.s32 $0xFFFFB000  }
0x47: {  	s2 =	sshra.s32 s11, $0x1F;
	p3 =	seq.s32 @!p0 s10, $0x1;
	_ =	swait.ge @!p1 [sflag:s26], $0xA00  }
0x48: {  	[sflag:s26] =	ssyncset.done @!p1 $0x0;
	s0 =	sadd.s32 @!p0 s6, s8  }
0x49: {  	s22 =	sadd.s32 $0x500, s22;
	s8 =	simm.s32 @!p0 $0xA00;
	[sflag:s26] =	ssyncadd.s32 @!p1 $0xFFFFF600  }
0x4a: {  	[tilespmem:s17], [sflag:$0x1] =	stream.indirect.gather [hbm4b:s5+s16], $0x80, s25, s16, $0xb8;
	[tilespmem:$0x1F500] =	vst v63  }
0x4b: {  	s9 =	simm.s32 @!p0 $0x0;
	s10 =	sand.u32 $0x4, s29;
	s0 =	sshrl.u32 @!p0 s0, $0x3  }
0x4c: {  	[spmem:s3] =	stream.indirect.scatter.add.f32 [tilespmem:s19], [sflag:$0x4], $0x80, s22, s16, $0xb8;
	[tilespmem:$0x1F500] =	vst v63  }
0x4d: {  	p1 =	por !p3, p0;
	s26 =	sshll.u32 s29, $0x1D;
	_ =	swait.ge [sflag:s14], $0x5000  }
0x4e: {  	s0 =	sadd.s32 @!p0 s1, s0;
	s25 =	sand.u32 $0x6, s30;
	[sflag:s14] =	ssyncset.done $0x0  }
0x4f: {  	s8 =	simm.s32 @p1 $0x0;
	s30 =	smul.u32 $0xA0, s25;
	[sflag:s14] =	ssyncadd.s32 $0xFFFFB000  }
0x50: {  	[tilespmem:s8], [sflag:$0x3] =	stream.linear.gather @!p0 [hbm4b:s0+s9], $0xA00, $0x38;
	[tilespmem:$0x1F500] =	vst v63  }
0x51: {  	p1 =	seq.s32 s10, $0x0;
	s8 =	sshra.s32 s26, $0x1F;
	s9 =	sadd.s32 $0xA0, s30  }
0x52: {  	s0 =	smul.u32 $0x280, s25;
	s8 =	sand.u32 $0xA00, s8;
	_ =	swait.ge [sflag:s18], $0x5000  }
0x53: {  	s8 =	sadd.s32 s9, s8;
	s9 =	rddreg [dreg:$0x4];
	[sflag:s18] =	ssyncset.done $0x0  }
0x54: {  	s0 =	sshrl.u32 s0, $0x2;
	[sflag:s18] =	ssyncadd.s32 $0xFFFFB000;
	s9 =	simm.s32 @!p1 $0xF00  }
0x55: {  	[tilespmem:s19], [sflag:$0x2] =	stream.indirect.gather [hbm4b:s5+s16], $0x80, s8, s16, $0xb8;
	[tilespmem:$0x1F500] =	vst v63  }
0x56: {  	s0 =	sadd.s32 s0, s9  }
0x57: {  	[spmem:s3] =	stream.indirect.scatter.add.f32 [tilespmem:s17], [sflag:$0x4], $0x80, s0, s16, $0xb8;
	[tilespmem:$0x1F500] =	vst v63  }
0x58: {  	_ =	swait.ge [sflag:s14], $0x5000  }
0x59: {  	[sflag:s14] =	ssyncset.done $0x0  }
0x5a: {  	[sflag:s14] =	ssyncadd.s32 $0xFFFFB000  }
0x5b: {  	_ =	swait.ge [sflag:s20], $0x5000  }
0x5c: {  	p0 =	por p0, p0;
	[sflag:s20] =	ssyncset.done $0x0  }
0x5d: {  	s0 =	simm.s32 @!p0 $0x3;
	[sflag:s20] =	ssyncadd.s32 $0xFFFFB000  }
0x5e: {  	_ =	swait.ge @!p0 [sflag:s0], $0xA00  }
0x5f: {  	s2 =	sand.u32 $0xA00, s2;
	s10 =	sshrl.u32 s31, $0x2;
	[sflag:s0] =	ssyncset.done @!p0 $0x0  }
0x60: {  	s2 =	sadd.s32 s10, s2;
	[sflag:s0] =	ssyncadd.s32 @!p0 $0xFFFFF600  }
0x61: {  	[tilespmem:s17], [sflag:$0x1] =	stream.indirect.gather [hbm4b:s5+s16], $0x80, s2, s16, $0xb8;
	[tilespmem:$0x1F500] =	vst v63  }
0x62: {  	s11 =	sadd.s32 $0x500, s8  }
0x63: {  	[spmem:s3] =	stream.indirect.scatter.add.f32 [tilespmem:s19], [sflag:$0x4], $0x80, s11, s16, $0xb8;
	[tilespmem:$0x1F500] =	vst v63  }
0x64: {  	_ =	swait.ge [sflag:s14], $0x5000  }
0x65: {  	[sflag:s14] =	ssyncset.done $0x0  }
0x66: {  	[sflag:s14] =	ssyncadd.s32 $0xFFFFB000  }
0x67: {  	_ =	swait.ge [sflag:s18], $0x5000  }
0x68: {  	[sflag:s18] =	ssyncset.done $0x0  }
0x69: {  	s21 =	simm.s32 $0xD20;
	[sflag:s18] =	ssyncadd.s32 $0xFFFFB000  }
0x6a: {  	[tilespmem:s19], [sflag:$0x2] =	stream.indirect.gather [hbm4b:s5+s16], $0x80, s21, s16, $0xb8;
	[tilespmem:$0x1F500] =	vst v63  }
0x6b: {  	s22 =	simm.s32 $0x1180  }
0x6c: {  	[spmem:s3] =	stream.indirect.scatter.add.f32 [tilespmem:s17], [sflag:$0x4], $0x80, s22, s16, $0xb8;
	[tilespmem:$0x1F500] =	vst v63  }
0x6d: {  	_ =	swait.ge [sflag:s14], $0x5000  }
0x6e: {  	[sflag:s14] =	ssyncset.done $0x0  }
0x6f: {  	[sflag:s14] =	ssyncadd.s32 $0xFFFFB000  }
0x70: {  	_ =	swait.ge [sflag:s20], $0x5000  }
0x71: {  	[sflag:s20] =	ssyncset.done $0x0  }
0x72: {  	s25 =	rddreg [dreg:$0x5];
	[sflag:s20] =	ssyncadd.s32 $0xFFFFB000  }
0x73: {  	[tilespmem:s23], [sflag:$0x4] =	stream.linear.gather [hbm4b:s25+s4], $0xA0, $0x38;
	[tilespmem:$0x1F500] =	vst v63  }
0x74: {  	_ =	swait.ge [sflag:s14], $0xA0  }
0x75: {  	[sflag:s14] =	ssyncset.done $0x0  }
0x76: {  	[sflag:s14] =	ssyncadd.s32 $0xFFFFFF60  }
0x77: {  	[tilespmem:s17], [sflag:$0x1] =	stream.indirect.gather [hbm4b:s5+s24], $0x80, s23, s24, $0xb8;
	[tilespmem:$0x1F500] =	vst v63  }
0x78: {  	s26 =	simm.s32 $0x1220  }
0x79: {  	[spmem:s3] =	stream.indirect.scatter.add.f32 [tilespmem:s19], [sflag:$0x4], $0x80, s26, s16, $0xb8;
	[tilespmem:$0x1F500] =	vst v63  }
0x7a: {  	_ =	swait.ge [sflag:s14], $0x5000  }
0x7b: {  	[sflag:s14] =	ssyncset.done $0x0  }
0x7c: {  	[sflag:s14] =	ssyncadd.s32 $0xFFFFB000  }
0x7d: {  	_ =	swait.ge [sflag:s18], $0x2800  }
0x7e: {  	[sflag:s18] =	ssyncset.done $0x0  }
0x7f: {  	s29 =	simm.s32 $0x1450;
	[sflag:s18] =	ssyncadd.s32 $0xFFFFD800  }
0x80: {  	[spmem:s3] =	stream.indirect.scatter.add.f32 [tilespmem:s17], [sflag:$0x4], $0x80, s29, s24, $0xb8;
	[tilespmem:$0x1F500] =	vst v63  }
0x81: {  	_ =	swait.ge [sflag:s14], $0x2800  }
0x82: {  	[sflag:s14] =	ssyncset.done $0x0  }
0x83: {  	[sflag:s14] =	ssyncadd.s32 $0xFFFFD800  }
0x84: {  	[bflag:$0x0] =	sbarrier.arrive $0xFFFF  }
0x85: {  	s30 =	rddreg [dreg:$0x6]  }
0x86: {  	[hbm:s30], [sflag:s12] =	dma.local [spmem:s13], $0x2800  }
0x87: {  	_ =	swait.ge [sflag:s14], $0x2800  }
0x88: {  	s28 =	sadd.s32 $0x1, s28;
	s31 =	rddreg [dreg:$0x7]  }
0x89: {  	p0 =	sne.s32 s28, s31  }
.Ltmp1:
0x8a: {  	_ = 	snop;
	(pc) =	sbr.rel @p0 .LBB2_1-.Ltmp1, $3  }
0x8b: {  	_ =	sdelay $0x1  }
0x8c: {  	[sflag:s14] =	ssyncset.done $0x0  }
0x8d: {  	[sflag:s14] =	ssyncadd.s32 $0xFFFFD800  }
0x8e: {  	_ =	sfence.sel $0x180000  }
0x8f: {  	[bflag:$0x0] =	sbarrier.arrive $0xFFFF  }
0x90: {  	_ =	strace $0x9000004A  }
0x91: {  	s0 =	stileid.u32;
	[bflag:$0x2] =	sbarrier.arrive $0xFFFF  }
0x92: {  	p0 =	sne.s32 s0, $0x0;
	s0 =	rddreg [dreg:$0x3]  }
0x93: {  	s0 =	sadd.s32 @!p0 $0x100000, s0  }
0x94: {  	[sflag:s0] =	ssyncadd.tile.s32 @!p0 $0x1;
	_ =	shalt  }
.Lfunc_end2:
_tile_overlayer_lowered:
.L_overlay_start_2:
0x95: {  	(tag) =	ssettag $0x2  }
0x96: {  	s0 =	rddreg [dreg:$0x0];
	s2 =	stileid.u32  }
0x97: {  	s1 =	rddreg [dreg:$0x1];
	p0 =	sne.s32 s2, $0x0  }
0x98: {  	s3 =	rddreg [dreg:$0x2];
	[bflag:$0x3] =	sbarrier.arrive $0xFFFF;
	s2 =	simm.s32 @!p0 $0x1C04  }
0x99: {  	[timem:s3], [sflag:s2] =	dma.local @!p0 [hbm:s0], s1  }
0x9a: {  	s0 =	simm.s32 @!p0 $0x4  }
0x9b: {  	_ =	swait.ge @!p0 [sflag:s0], s1  }
0x9c: {  	s1 =	ssub.s32 @!p0 $0x0, s1;
	[sflag:s0] =	ssyncset.done @!p0 $0x0  }
0x9d: {  	[sflag:s0] =	ssyncadd.s32 @!p0 s1  }
0x9e: {  	[bflag:$0x3] =	sbarrier.arrive $0xFFFF  }
0x9f: {  	_ =	shalt  }

// kernel: kernel.14.cloned.1.call-start
scs
__scs_entry_jumppad:
0x0: {  	(pc) =	sbr.rel $0x88, $3  }
0x1: {  	(tag) =	ssettag $0x0;
	lr =	simm.s32 $0x1  }
0x2: {  	[smem:$0x3F9C] =	sst lr;
	_ =	strace $0xD0000000  }
0x3: {  	_ = 	snop  }
0x4: {  	_ = 	snop  }
0x5: {  	_ = 	snop  }
0x6: {  	_ = 	snop  }
0x7: {  	_ = 	snop  }
__scs_overlays_trampoline_lowered:
0x8: {  	[smem:$0x3FAB] =	sst s0  }
0x9: {  	[smem:$0x3FAC] =	sst s1  }
0xa: {  	[smem:$0x3FAD] =	sst s2  }
0xb: {  	[smem:$0x3FAE] =	sst s3  }
0xc: {  	[smem:$0x3FAF] =	sst s4  }
0xd: {  	[smem:$0x3FB0] =	sst s5  }
0xe: {  	[smem:$0x3FB1] =	sst s6  }
0xf: {  	[smem:$0x3FB2] =	sst s7  }
0x10: {  	[smem:$0x3FB3] =	sst s8  }
0x11: {  	[smem:$0x3FB4] =	sst s9;
	s0 =	simm.s32 @!p0 $0x0  }
0x12: {  	s1 =	sld [smem:$0x3F9A];
	s0 =	simm.s32 @p0 $0x1  }
0x13: {  	[smem:$0x3FB5] =	sst s0;
	s0 =	simm.s32 @!p1 $0x0  }
0x14: {  	s2 =	sld [smem:$0x3F99];
	s0 =	simm.s32 @p1 $0x1  }
0x15: {  	[smem:$0x3FB6] =	sst s0;
	s0 =	simm.s32 @!p2 $0x0  }
0x16: {  	s3 =	sld [smem:$0x3FDB];
	s0 =	simm.s32 @p2 $0x1  }
0x17: {  	s4 =	simm.s32 $0x1BF5;
	[smem:$0x3FB8] =	sst s0  }
0x18: {  	s0 =	sld [smem:$0x3F9B];
	_ =	swait.ge [sflag:s4], $0x0  }
0x19: {  	s7 =	sld [smem:$0x3F9C]  }
0x1a: {  	s8 =	sadd.s32 $0xFFFFE003, lr  }
0x1b: {  	s9 =	sadd.s32 $0xFFFFFEF7, lr;
	s5 =	simm.s32 $0xFFFFFFFF;
	p2 =	slt.u32 s8, $0xFFFFF086  }
0x1c: {  	p1 =	slt.u32 s9, $0xF7A;
	s5 =	simm.s32 @!p2 $0x0  }
0x1d: {  	s5 =	simm.s32 @p1 $0x1;
	p0 =	seq.s32 s7, s2  }
0x1e: {  	s7 =	smul.u32 @!p0 $0xF7A, s2;
	p2 =	seq.s32 @!p0 s5, $0x0  }
0x1f: {  	s9 =	smul.u32 $0xF7A, s1;
	s8 =	simm.s32 @!p0 $0x1BF5;
	p2 =	por !p2, p0  }
0x20: {  	[sflag:s8] =	ssyncset.s32 @!p0 $0xFFFFF086;
	s6 =	sadd.s32 @!p0 s3, s7;
	s7 =	simm.s32 @!p0 $0x108  }
0x21: {  	s3 =	sadd.s32 s3, s9;
	s6 =	sadd.s32 @!p0 $0x88, s6;
	s7 =	simm.s32 @p2 $0x1082  }
0x22: {  	[simem:s7], [sflag:s8] =	dma.local @!p0 [hbm:s6], $0xF7A  }
0x23: {  	s9 =	sor.u32 $0xD0000000, s2;
	s6 =	simm.s32 $0x108;
	_ =	swait.ge @!p0 [sflag:s8], $0x0  }
0x24: {  	s3 =	sadd.s32 $0x88, s3;
	s6 =	simm.s32 @!p1 $0x1082;
	[sflag:s4] =	ssyncset.s32 $0xFFFFF086  }
0x25: {  	[simem:s6], [sflag:s4] =	dma.local [hbm:s3], $0xF7A  }
0x26: {  	[smem:$0x3F9C] =	sst s1;
	(tag) =	ssettag s2;
	_ =	strace s9  }
0x27: {  	s1 =	sld [smem:$0x3FAC]  }
0x28: {  	s2 =	sld [smem:$0x3FAD]  }
0x29: {  	s4 =	sld [smem:$0x3FAF]  }
0x2a: {  	p0 =	seq.s32 s5, $0x0;
	s5 =	sld [smem:$0x3FB0]  }
0x2b: {  	s6 =	sld [smem:$0x3FB1]  }
0x2c: {  	s7 =	sld [smem:$0x3FB2]  }
0x2d: {  	s3 =	simm.s32 $0x108;
	s8 =	sld [smem:$0x3FB3]  }
0x2e: {  	s3 =	simm.s32 @!p0 $0x1082;
	s9 =	sld [smem:$0x3FB4]  }
0x2f: {  	lr =	sadd.s32 s0, s3;
	s0 =	sld [smem:$0x3FAB]  }
0x30: {  	s3 =	sld [smem:$0x3FAE]  }
0x31: {  	[smem:$0x3FB7] =	sst s10  }
0x32: {  	s10 =	sld [smem:$0x3FB5];
	_ =	sdelay $0x3  }
0x33: {  	p0 =	seq.s32 s10, $0x1;
	s10 =	sld [smem:$0x3FB7];
	_ =	sdelay $0x3  }
0x34: {  	[smem:$0x3FB7] =	sst s10  }
0x35: {  	s10 =	sld [smem:$0x3FB6];
	_ =	sdelay $0x3  }
0x36: {  	p1 =	seq.s32 s10, $0x1;
	s10 =	sld [smem:$0x3FB7];
	_ =	sdelay $0x3  }
0x37: {  	[smem:$0x3FB7] =	sst s10  }
0x38: {  	s10 =	sld [smem:$0x3FB8]  }
0x39: {  	_ = 	snop;
	(pc) =	sbr.ind lr, $3  }
0x3a: {  	_ = 	snop  }
0x3b: {  	_ = 	snop  }
0x3c: {  	p2 =	seq.s32 s10, $0x1;
	s10 =	sld [smem:$0x3FB7]  }
0x3d: {  	_ =	shalt  }
0x3e: {  	_ =	shalt  }
0x3f: {  	_ =	shalt  }
0x40: {  	_ =	shalt  }
0x41: {  	_ =	shalt  }
0x42: {  	_ =	shalt  }
0x43: {  	_ =	shalt  }
0x44: {  	_ =	shalt  }
0x45: {  	_ =	shalt  }
0x46: {  	_ =	shalt  }
0x47: {  	_ =	shalt  }
0x48: {  	_ =	shalt  }
0x49: {  	_ =	shalt  }
0x4a: {  	_ =	shalt  }
0x4b: {  	_ =	shalt  }
0x4c: {  	_ =	shalt  }
0x4d: {  	_ =	shalt  }
0x4e: {  	_ =	shalt  }
0x4f: {  	_ =	shalt  }
0x50: {  	_ =	shalt  }
0x51: {  	_ =	shalt  }
0x52: {  	_ =	shalt  }
0x53: {  	_ =	shalt  }
0x54: {  	_ =	shalt  }
0x55: {  	_ =	shalt  }
0x56: {  	_ =	shalt  }
0x57: {  	_ =	shalt  }
0x58: {  	_ =	shalt  }
0x59: {  	_ =	shalt  }
0x5a: {  	_ =	shalt  }
0x5b: {  	_ =	shalt  }
0x5c: {  	_ =	shalt  }
0x5d: {  	_ =	shalt  }
0x5e: {  	_ =	shalt  }
0x5f: {  	_ =	shalt  }
0x60: {  	_ =	shalt  }
0x61: {  	_ =	shalt  }
0x62: {  	_ =	shalt  }
0x63: {  	_ =	shalt  }
0x64: {  	_ =	shalt  }
0x65: {  	_ =	shalt  }
0x66: {  	_ =	shalt  }
0x67: {  	_ =	shalt  }
0x68: {  	_ =	shalt  }
0x69: {  	_ =	shalt  }
0x6a: {  	_ =	shalt  }
0x6b: {  	_ =	shalt  }
0x6c: {  	_ =	shalt  }
0x6d: {  	_ =	shalt  }
0x6e: {  	_ =	shalt  }
0x6f: {  	_ =	shalt  }
0x70: {  	_ =	shalt  }
0x71: {  	_ =	shalt  }
0x72: {  	_ =	shalt  }
0x73: {  	_ =	shalt  }
0x74: {  	_ =	shalt  }
0x75: {  	_ =	shalt  }
0x76: {  	_ =	shalt  }
0x77: {  	_ =	shalt  }
0x78: {  	_ =	shalt  }
0x79: {  	_ =	shalt  }
0x7a: {  	_ =	shalt  }
0x7b: {  	_ =	shalt  }
0x7c: {  	_ =	shalt  }
0x7d: {  	_ =	shalt  }
0x7e: {  	_ =	shalt  }
0x7f: {  	_ =	shalt  }
0x80: {  	_ =	shalt  }
0x81: {  	_ =	shalt  }
0x82: {  	_ =	shalt  }
0x83: {  	_ =	shalt  }
0x84: {  	_ =	shalt  }
0x85: {  	_ =	shalt  }
0x86: {  	_ =	shalt  }
0x87: {  	_ =	shalt  }
.Lfunc_end0:
.L_simem_size_0:
called_computation.2_lowered:
.L_overlay_start_0:
0x88: {  	s2 =	sld [smem:$0x3FD9]  }
0x89: {  	s3 =	sld [smem:$0x3FFE];
	_ =	sdelay $0x1  }
0x8a: {  	s1 =	srdreg.scid  }
0x8b: {  	s0 =	sand.u32 $0x1, s1  }
0x8c: {  	s17 =	sshll.u32 s0, $0xA;
	s2 =	sadd.s32 s3, s2  }
0x8d: {  	s2 =	sadd.s32 s2, s17  }
0x8e: {  	[smem:$0x3FC3] =	sst s2  }
0x8f: {  	_ = 	snop  }
0x90: {  	s2 =	sld [smem:$0x3FD0];
	(tm) =	ssettm $0x1  }
0x91: {  	s18 =	sld [smem:$0x3FFB];
	_ =	sdelay $0x3  }
0x92: {  	_ =	strace s18  }
0x93: {  	s3 =	sld [smem:$0x3FFC];
	_ =	sdelay $0x3  }
0x94: {  	_ =	strace s3  }
0x95: {  	s3 =	sld [smem:$0x3FFD];
	_ =	sdelay $0x3  }
0x96: {  	_ =	strace s3  }
0x97: {  	_ =	strace $0x8FFFFFFF  }
0x98: {  	s19 =	sld [smem:$0x3FDB];
	_ =	sdelay $0x1  }
0x99: {  	s4 =	simm.s32 $_scs_section_size  }
0x9a: {  	s5 =	simm.s32 $_size__tile_overlayer_lowered;
	s6 =	simm.s32 $_tile_overlayer_lowered  }
0x9b: {  	s22 =	simm.s32 $0x1BFF;
	s21 =	sshll.u32 s6, $0x1;
	s3 =	sadd.s32 s4, s19  }
0x9c: {  	s7 =	simm.s32 $0x0;
	s20 =	sshll.u32 s5, $0x1;
	s5 =	sadd.s32 s21, s3  }
0x9d: {  	[timem:s7], [sflag:s22] =	dma.local [hbm:s5], s20  }
0x9e: {  	_ =	swait.ge [sflag:s22], s20  }
0x9f: {  	s4 =	ssub.s32 $0x0, s20;
	[sflag:s22] =	ssyncset.done $0x0  }
0xa0: {  	[sflag:s22] =	ssyncadd.s32 s4;
	_ =	sdelay $0x1  }
0xa1: {  	s23 =	simm.s32 $0x1B8B  }
0xa2: {  	_ =	swait.ge [sflag:s23], $0x1  }
0xa3: {  	[sflag:s23] =	ssyncset.done $0x0  }
0xa4: {  	s25 =	simm.s32 $0x1B8E;
	s24 =	sld [smem:$0x3FFE];
	[sflag:s23] =	ssyncadd.s32 $0xFFFFFFFF  }
0xa5: {  	s26 =	simm.s32 $execute0_lowered;
	[smem:$0x3FD2] =	sst s25  }
0xa6: {  	s5 =	sshll.u32 s26, $0x1;
	_ =	strace $0x8000004C;
	[dreg:$0x1] =	wrdreg $0xFFFFFFFF  }
0xa7: {  	s28 =	simm.s32 $_size_execute0_lowered;
	s3 =	sadd.s32 s3, s5;
	[dreg:$0x0] =	wrdreg $0x0  }
0xa8: {  	s5 =	sshll.u32 s28, $0x1;
	[dreg:$0x2] =	wrdreg s3  }
0xa9: {  	[dreg:$0x3] =	wrdreg s5  }
0xaa: {  	[dreg:$0x4] =	wrdreg $0xC0  }
0xab: {  	_ =	task [dreg:s7], $0x5FFFF  }
0xac: {  	[dreg:$0x1] =	wrdreg $0xFFFFFFFF  }
0xad: {  	[dreg:$0x0] =	wrdreg $0x60  }
0xae: {  	[dreg:$0x2] =	wrdreg s2  }
0xaf: {  	[dreg:$0x3] =	wrdreg s24  }
0xb0: {  	[dreg:$0x4] =	wrdreg $0xB5000  }
0xb1: {  	[dreg:$0x5] =	wrdreg $0x9  }
0xb2: {  	_ =	task.clear_ibuf [dreg:s7], $0x6FFFF;
	_ =	strace $0x9000004C  }
0xb3: {  	s29 =	simm.s32 $0x9;
	_ =	strace $0x8000004E  }
0xb4: {  	_ =	swait.ge [sflag:s29], $0x1  }
0xb5: {  	[sflag:s29] =	ssyncadd.s32 $0xFFFFFFFF  }
0xb6: {  	_ =	strace $0x9000004E  }
0xb7: {  	_ =	sfence  }
0xb8: {  	s30 =	sld [smem:$0x0];
	_ =	sdelay $0x2  }
0xb9: {  	s31 =	sshll.u32 s1, $0xD;
	s1 =	sshrl.u32 s1, $0x2  }
0xba: {  	s3 =	sand.u32 $0x4000, s31;
	s1 =	sadd.s32 s1, s30  }
0xbb: {  	s0 =	sor.u32 s3, s0;
	s1 =	sshll.u32 s1, $0x11  }
0xbc: {  	s0 =	sor.u32 s1, s0  }
0xbd: {  	s0 =	sadd.s32 $0x8F2B, s0  }
0xbe: {  	[sflag:s0] =	ssyncadd.remote.s32 $0x1  }
0xbf: {  	_ =	sfence.sel $0xFFFF  }
0xc0: {  	[dreg:$0x0] =	wrdreg $0xFFFFFFFF;
	(pc) =	sbr.abs _section_cstart, $3  }
0xc1: {  	[dreg:$0x1] =	wrdreg $0xFFFFFFFF  }
0xc2: {  	_ =	task.clear_ibuf [dreg:s7], $0x2FFFF;
	_ =	strace $0x9FFFFFFF  }
0xc3: {  	(tm) =	ssettm $0x7FFFFFFF  }
tec
execute0_lowered:
.L_overlay_start_1:
0x0: {  	(tag) =	ssettag $0x1  }
0x1: {  	s1 =	rddreg [dreg:$0x0]  }
0x2: {  	s0 =	rddreg [dreg:$0x1]  }
0x3: {  	s3 =	rddreg [dreg:$0x2]  }
0x4: {  	s2 =	srdreg.scid;
	s13 =	stileid.u32;
	s4 =	simm.s32 $0x0  }
0x5: {  	s14 =	simm.s32 $0x4;
	s15 =	simm.s32 $0x3;
	s16 =	simm.s32 $0xA0  }
0x6: {  	s17 =	simm.s32 $0x1500;
	s18 =	simm.s32 $0x1;
	s19 =	simm.s32 $0x6500  }
0x7: {  	s31 =	simm.s32 $0x500;
	s20 =	simm.s32 $0x2;
	s28 =	simm.s32 $0x0  }
0x8: {  	s2 =	sand.u32 $0x1, s2;
	s8 =	smul.u32 $0x2800, s13;
	[smem:$0x7FF] =	sst s4  }
0x9: {  	s10 =	smul.u32 $0x50000, s13;
	s11 =	sadd.s32 $0x2A400, s0;
	s30 =	sshll.u32 s13, $0x6  }
0xa: {  	s5 =	sshll.u32 s2, $0x4;
	s7 =	smul.u32 $0x28000, s2;
	_ =	strace $0x8000004D  }
0xb: {  	s9 =	ssub.s32 $0x2, s2;
	p0 =	seq.s32 s2, $0x0;
	[dreg:$0x4] =	wrdreg s31  }
0xc: {  	s6 =	sor.u32 s13, s5;
	s5 =	sadd.s32 $0x2400, s0;
	s22 =	sshrl.u32 s9, $0x1  }
0xd: {  	s23 =	sshrl.u32 s10, $0x2;
	s6 =	smul.u32 $0x50A0, s6;
	s7 =	sadd.s32 s8, s7  }
0xe: {  	s12 =	ssub.s32 s9, s22;
	s25 =	sadd.s32 s23, s3;
	s11 =	smov.u32 @p0 s5  }
0xf: {  	s23 =	simm.s32 $0x1400;
	s0 =	sadd.s32 s7, s0;
	s26 =	smax.u32 s12, $0x1  }
0x10: {  	s29 =	sadd.s32 s11, s8;
	s24 =	sshrl.u32 s6, $0x3;
	[dreg:$0x7] =	wrdreg s26  }
0x11: {  	s0 =	sadd.s32 $0x52400, s0;
	[dreg:$0x8] =	wrdreg s29;
	s7 =	sadd.s32 s1, s24  }
0x12: {  	s12 =	sor.u32 $0x1C04, s30;
	[dreg:$0x6] =	wrdreg s0;
	s9 =	sadd.s32 $0xA00, s7  }
0x13: {  	s13 =	sshrl.u32 s25, $0x3;
	s24 =	simm.s32 $0x50;
	[dreg:$0x5] =	wrdreg s9  }
.LBB2_1:
0x14: {  	s0 =	rddreg [dreg:$0x8];
	s30 =	simm.s32 $0x2;
	s29 =	simm.s32 $0x1  }
0x15: {  	[spmem:s13], [sflag:s12] =	dma.local [hbm:s0], $0x2800  }
0x16: {  	s22 =	sand.u32 $0x6, s4;
	s26 =	sand.u32 $0x4, s4;
	s11 =	sand.u32 $0x6, s30  }
0x17: {  	s9 =	smul.u32 $0xA0, s22;
	_ =	swait.ge [sflag:s14], $0x2800;
	p0 =	sne.s32 s11, $0x0  }
0x18: {  	s10 =	smul.u32 $0x280, s22;
	[sflag:s14] =	ssyncset.done $0x0;
	s2 =	simm.s32 @!p0 $0x0  }
0x19: {  	[sflag:s14] =	ssyncadd.s32 $0xFFFFD800;
	s8 =	smul.u32 @!p0 $0xA00, s2;
	s2 =	sand.u32 @!p0 $0x1, s2  }
0x1a: {  	[tilespmem:s4], [sflag:$0x3] =	stream.linear.gather [hbm4b:s7+s4], $0xA00, $0x38;
	[tilespmem:$0x1F500] =	vst v63  }
0x1b: {  	s21 =	simm.s32 @!p0 $0x0;
	p1 =	seq.s32 @!p0 s2, $0x1;
	_ =	swait.ge [sflag:s15], $0xA00  }
0x1c: {  	s8 =	sadd.s32 @!p0 s6, s8;
	p1 =	por !p1, p0;
	[sflag:s15] =	ssyncset.done $0x0  }
0x1d: {  	s2 =	sshrl.u32 @!p0 s8, $0x3;
	s8 =	simm.s32 @!p0 $0xA00;
	[sflag:s15] =	ssyncadd.s32 $0xFFFFF600  }
0x1e: {  	[tilespmem:s17], [sflag:$0x1] =	stream.indirect.gather [hbm4b:s5+s16], $0x80, s4, s16, $0xb8;
	[tilespmem:$0x1F500] =	vst v63  }
0x1f: {  	s2 =	sadd.s32 @!p0 s1, s2;
	s8 =	simm.s32 @p1 $0x0;
	[bflag:$0x0] =	sbarrier.arrive $0xFFFF  }
0x20: {  	[tilespmem:s8], [sflag:$0x3] =	stream.linear.gather @!p0 [hbm4b:s2+s21], $0xA00, $0x38;
	[tilespmem:$0x1F500] =	vst v63  }
0x21: {  	s0 =	simm.s32 $0x2;
	p1 =	seq.s32 s26, $0x0;
	s8 =	simm.s32 $0x0  }
0x22: {  	s26 =	sshrl.u32 s10, $0x2;
	_ =	swait.ge [sflag:s18], $0x5000;
	s2 =	sand.u32 $0xA00, s8  }
0x23: {  	s8 =	sadd.s32 $0xA0, s9;
	s25 =	rddreg [dreg:$0x4];
	[sflag:s18] =	ssyncset.done $0x0  }
0x24: {  	s22 =	sadd.s32 s8, s2;
	[sflag:s18] =	ssyncadd.s32 $0xFFFFB000;
	s25 =	simm.s32 @!p1 $0xF00  }
0x25: {  	[tilespmem:s19], [sflag:$0x2] =	stream.indirect.gather [hbm4b:s5+s16], $0x80, s22, s16, $0xb8;
	[tilespmem:$0x1F500] =	vst v63  }
0x26: {  	s11 =	smul.u32 $0x280, s11;
	s9 =	simm.s32 $0x0;
	s8 =	sadd.s32 s26, s25  }
0x27: {  	[spmem:s3] =	stream.indirect.scatter.add.f32 [tilespmem:s17], [sflag:$0x4], $0x80, s8, s16, $0xb8;
	[tilespmem:$0x1F500] =	vst v63  }
0x28: {  	s21 =	simm.s32 $0x4;
	s10 =	sand.u32 $0xA00, s9;
	_ =	swait.ge [sflag:s14], $0x5000  }
0x29: {  	s2 =	sshrl.u32 s11, $0x2;
	s11 =	sand.u32 $0x6, s21;
	[sflag:s14] =	ssyncset.done $0x0  }
0x2a: {  	p1 =	por p0, p0;
	p0 =	sne.s32 s11, $0x0;
	[sflag:s14] =	ssyncadd.s32 $0xFFFFB000  }
0x2b: {  	s31 =	smul.u32 $0x280, s11;
	s25 =	sadd.s32 s2, s10;
	_ =	swait.ge [sflag:s20], $0x5000  }
0x2c: {  	s26 =	simm.s32 @!p1 $0x3;
	s2 =	simm.s32 @!p0 $0x0;
	[sflag:s20] =	ssyncset.done $0x0  }
0x2d: {  	s9 =	sand.u32 @!p0 $0x1, s2;
	s8 =	smul.u32 @!p0 $0xA00, s2;
	[sflag:s20] =	ssyncadd.s32 $0xFFFFB000  }
0x2e: {  	p3 =	seq.s32 @!p0 s9, $0x1;
	s2 =	simm.s32 $0x0;
	_ =	swait.ge @!p1 [sflag:s26], $0xA00  }
.LBB2_2:
0x2f: {  	[sflag:s26] =	ssyncset.done @!p1 $0x0  }
0x30: {  	s9 =	sadd.s32 $0x500, s22;
	s10 =	smov.u32 s0;
	s0 =	sadd.s32 $0x1, s0  }
0x31: {  	s22 =	simm.s32 @!p0 $0xA00;
	s2 =	sand.u32 $0xA00, s2;
	s8 =	sadd.s32 @!p0 s6, s8  }
0x32: {  	[sflag:s26] =	ssyncadd.s32 @!p1 $0xFFFFF600;
	p1 =	por !p3, p0;
	p2 =	sne.s32 s0, $0x1E  }
0x33: {  	[tilespmem:s17], [sflag:$0x1] =	stream.indirect.gather [hbm4b:s5+s16], $0x80, s25, s16, $0xb8;
	[tilespmem:$0x1F500] =	vst v63  }
0x34: {  	s26 =	sshll.u32 s29, $0x1D;
	s8 =	sshrl.u32 @!p0 s8, $0x3;
	s25 =	sand.u32 $0x6, s30  }
0x35: {  	[spmem:s3] =	stream.indirect.scatter.add.f32 [tilespmem:s19], [sflag:$0x4], $0x80, s9, s16, $0xb8;
	[tilespmem:$0x1F500] =	vst v63  }
0x36: {  	s22 =	simm.s32 @p1 $0x0;
	s11 =	smul.u32 $0x280, s25;
	_ =	swait.ge [sflag:s14], $0x5000  }
0x37: {  	s30 =	smov.u32 s21;
	s8 =	sadd.s32 @!p0 s1, s8;
	[sflag:s14] =	ssyncset.done $0x0  }
0x38: {  	s9 =	simm.s32 @!p0 $0x0;
	s11 =	sshrl.u32 s11, $0x2;
	[sflag:s14] =	ssyncadd.s32 $0xFFFFB000  }
0x39: {  	[tilespmem:s22], [sflag:$0x3] =	stream.linear.gather @!p0 [hbm4b:s8+s9], $0xA00, $0x38;
	[tilespmem:$0x1F500] =	vst v63  }
0x3a: {  	s9 =	sshra.s32 s26, $0x1F;
	s22 =	smul.u32 $0xA0, s25;
	s26 =	sand.u32 $0x4, s29  }
0x3b: {  	_ =	swait.ge [sflag:s18], $0x5000;
	s8 =	sand.u32 $0xA00, s9;
	p3 =	seq.s32 s26, $0x0  }
0x3c: {  	s25 =	rddreg [dreg:$0x4];
	[sflag:s18] =	ssyncset.done $0x0;
	s9 =	sadd.s32 $0xA0, s22  }
0x3d: {  	[sflag:s18] =	ssyncadd.s32 $0xFFFFB000;
	s22 =	sadd.s32 s9, s8;
	s25 =	simm.s32 @!p3 $0xF00  }
0x3e: {  	[tilespmem:s19], [sflag:$0x2] =	stream.indirect.gather [hbm4b:s5+s16], $0x80, s22, s16, $0xb8;
	[tilespmem:$0x1F500] =	vst v63  }
0x3f: {  	p1 =	por p0, p0;
	s21 =	sadd.s32 $0x2, s21;
	s26 =	sadd.s32 s11, s25  }
0x40: {  	[spmem:s3] =	stream.indirect.scatter.add.f32 [tilespmem:s17], [sflag:$0x4], $0x80, s26, s16, $0xb8;
	[tilespmem:$0x1F500] =	vst v63  }
0x41: {  	s29 =	smov.u32 s10;
	s10 =	sand.u32 $0x6, s21;
	_ =	swait.ge [sflag:s14], $0x5000  }
0x42: {  	s9 =	sshrl.u32 s31, $0x2;
	s31 =	smul.u32 $0x280, s10;
	[sflag:s14] =	ssyncset.done $0x0  }
.Ltmp0:
0x43: {  	p0 =	sne.s32 s10, $0x0;
	[sflag:s14] =	ssyncadd.s32 $0xFFFFB000;
	(pc) =	sbr.rel @p2 .LBB2_2-.Ltmp0, $4  }
0x44: {  	s25 =	sadd.s32 s9, s2;
	s2 =	sshrl.u32 @!p0 s21, $0x3;
	_ =	swait.ge [sflag:s20], $0x5000  }
0x45: {  	s11 =	sshll.u32 s21, $0x1C;
	s10 =	sand.u32 @!p0 $0x1, s2;
	[sflag:s20] =	ssyncset.done $0x0  }
0x46: {  	s8 =	smul.u32 @!p0 $0xA00, s2;
	s26 =	simm.s32 @!p1 $0x3;
	[sflag:s20] =	ssyncadd.s32 $0xFFFFB000  }
0x47: {  	s2 =	sshra.s32 s11, $0x1F;
	p3 =	seq.s32 @!p0 s10, $0x1;
	_ =	swait.ge @!p1 [sflag:s26], $0xA00  }
0x48: {  	[sflag:s26] =	ssyncset.done @!p1 $0x0;
	s0 =	sadd.s32 @!p0 s6, s8  }
0x49: {  	s22 =	sadd.s32 $0x500, s22;
	s8 =	simm.s32 @!p0 $0xA00;
	[sflag:s26] =	ssyncadd.s32 @!p1 $0xFFFFF600  }
0x4a: {  	[tilespmem:s17], [sflag:$0x1] =	stream.indirect.gather [hbm4b:s5+s16], $0x80, s25, s16, $0xb8;
	[tilespmem:$0x1F500] =	vst v63  }
0x4b: {  	s9 =	simm.s32 @!p0 $0x0;
	s10 =	sand.u32 $0x4, s29;
	s0 =	sshrl.u32 @!p0 s0, $0x3  }
0x4c: {  	[spmem:s3] =	stream.indirect.scatter.add.f32 [tilespmem:s19], [sflag:$0x4], $0x80, s22, s16, $0xb8;
	[tilespmem:$0x1F500] =	vst v63  }
0x4d: {  	p1 =	por !p3, p0;
	s26 =	sshll.u32 s29, $0x1D;
	_ =	swait.ge [sflag:s14], $0x5000  }
0x4e: {  	s0 =	sadd.s32 @!p0 s1, s0;
	s25 =	sand.u32 $0x6, s30;
	[sflag:s14] =	ssyncset.done $0x0  }
0x4f: {  	s8 =	simm.s32 @p1 $0x0;
	s30 =	smul.u32 $0xA0, s25;
	[sflag:s14] =	ssyncadd.s32 $0xFFFFB000  }
0x50: {  	[tilespmem:s8], [sflag:$0x3] =	stream.linear.gather @!p0 [hbm4b:s0+s9], $0xA00, $0x38;
	[tilespmem:$0x1F500] =	vst v63  }
0x51: {  	p1 =	seq.s32 s10, $0x0;
	s8 =	sshra.s32 s26, $0x1F;
	s9 =	sadd.s32 $0xA0, s30  }
0x52: {  	s0 =	smul.u32 $0x280, s25;
	s8 =	sand.u32 $0xA00, s8;
	_ =	swait.ge [sflag:s18], $0x5000  }
0x53: {  	s8 =	sadd.s32 s9, s8;
	s9 =	rddreg [dreg:$0x4];
	[sflag:s18] =	ssyncset.done $0x0  }
0x54: {  	s0 =	sshrl.u32 s0, $0x2;
	[sflag:s18] =	ssyncadd.s32 $0xFFFFB000;
	s9 =	simm.s32 @!p1 $0xF00  }
0x55: {  	[tilespmem:s19], [sflag:$0x2] =	stream.indirect.gather [hbm4b:s5+s16], $0x80, s8, s16, $0xb8;
	[tilespmem:$0x1F500] =	vst v63  }
0x56: {  	s0 =	sadd.s32 s0, s9  }
0x57: {  	[spmem:s3] =	stream.indirect.scatter.add.f32 [tilespmem:s17], [sflag:$0x4], $0x80, s0, s16, $0xb8;
	[tilespmem:$0x1F500] =	vst v63  }
0x58: {  	_ =	swait.ge [sflag:s14], $0x5000  }
0x59: {  	[sflag:s14] =	ssyncset.done $0x0  }
0x5a: {  	[sflag:s14] =	ssyncadd.s32 $0xFFFFB000  }
0x5b: {  	_ =	swait.ge [sflag:s20], $0x5000  }
0x5c: {  	p0 =	por p0, p0;
	[sflag:s20] =	ssyncset.done $0x0  }
0x5d: {  	s0 =	simm.s32 @!p0 $0x3;
	[sflag:s20] =	ssyncadd.s32 $0xFFFFB000  }
0x5e: {  	_ =	swait.ge @!p0 [sflag:s0], $0xA00  }
0x5f: {  	s2 =	sand.u32 $0xA00, s2;
	s10 =	sshrl.u32 s31, $0x2;
	[sflag:s0] =	ssyncset.done @!p0 $0x0  }
0x60: {  	s2 =	sadd.s32 s10, s2;
	[sflag:s0] =	ssyncadd.s32 @!p0 $0xFFFFF600  }
0x61: {  	[tilespmem:s17], [sflag:$0x1] =	stream.indirect.gather [hbm4b:s5+s16], $0x80, s2, s16, $0xb8;
	[tilespmem:$0x1F500] =	vst v63  }
0x62: {  	s11 =	sadd.s32 $0x500, s8  }
0x63: {  	[spmem:s3] =	stream.indirect.scatter.add.f32 [tilespmem:s19], [sflag:$0x4], $0x80, s11, s16, $0xb8;
	[tilespmem:$0x1F500] =	vst v63  }
0x64: {  	_ =	swait.ge [sflag:s14], $0x5000  }
0x65: {  	[sflag:s14] =	ssyncset.done $0x0  }
0x66: {  	[sflag:s14] =	ssyncadd.s32 $0xFFFFB000  }
0x67: {  	_ =	swait.ge [sflag:s18], $0x5000  }
0x68: {  	[sflag:s18] =	ssyncset.done $0x0  }
0x69: {  	s21 =	simm.s32 $0xD20;
	[sflag:s18] =	ssyncadd.s32 $0xFFFFB000  }
0x6a: {  	[tilespmem:s19], [sflag:$0x2] =	stream.indirect.gather [hbm4b:s5+s16], $0x80, s21, s16, $0xb8;
	[tilespmem:$0x1F500] =	vst v63  }
0x6b: {  	s22 =	simm.s32 $0x1180  }
0x6c: {  	[spmem:s3] =	stream.indirect.scatter.add.f32 [tilespmem:s17], [sflag:$0x4], $0x80, s22, s16, $0xb8;
	[tilespmem:$0x1F500] =	vst v63  }
0x6d: {  	_ =	swait.ge [sflag:s14], $0x5000  }
0x6e: {  	[sflag:s14] =	ssyncset.done $0x0  }
0x6f: {  	[sflag:s14] =	ssyncadd.s32 $0xFFFFB000  }
0x70: {  	_ =	swait.ge [sflag:s20], $0x5000  }
0x71: {  	[sflag:s20] =	ssyncset.done $0x0  }
0x72: {  	s25 =	rddreg [dreg:$0x5];
	[sflag:s20] =	ssyncadd.s32 $0xFFFFB000  }
0x73: {  	[tilespmem:s23], [sflag:$0x4] =	stream.linear.gather [hbm4b:s25+s4], $0xA0, $0x38;
	[tilespmem:$0x1F500] =	vst v63  }
0x74: {  	_ =	swait.ge [sflag:s14], $0xA0  }
0x75: {  	[sflag:s14] =	ssyncset.done $0x0  }
0x76: {  	[sflag:s14] =	ssyncadd.s32 $0xFFFFFF60  }
0x77: {  	[tilespmem:s17], [sflag:$0x1] =	stream.indirect.gather [hbm4b:s5+s24], $0x80, s23, s24, $0xb8;
	[tilespmem:$0x1F500] =	vst v63  }
0x78: {  	s26 =	simm.s32 $0x1220  }
0x79: {  	[spmem:s3] =	stream.indirect.scatter.add.f32 [tilespmem:s19], [sflag:$0x4], $0x80, s26, s16, $0xb8;
	[tilespmem:$0x1F500] =	vst v63  }
0x7a: {  	_ =	swait.ge [sflag:s14], $0x5000  }
0x7b: {  	[sflag:s14] =	ssyncset.done $0x0  }
0x7c: {  	[sflag:s14] =	ssyncadd.s32 $0xFFFFB000  }
0x7d: {  	_ =	swait.ge [sflag:s18], $0x2800  }
0x7e: {  	[sflag:s18] =	ssyncset.done $0x0  }
0x7f: {  	s29 =	simm.s32 $0x1450;
	[sflag:s18] =	ssyncadd.s32 $0xFFFFD800  }
0x80: {  	[spmem:s3] =	stream.indirect.scatter.add.f32 [tilespmem:s17], [sflag:$0x4], $0x80, s29, s24, $0xb8;
	[tilespmem:$0x1F500] =	vst v63  }
0x81: {  	_ =	swait.ge [sflag:s14], $0x2800  }
0x82: {  	[sflag:s14] =	ssyncset.done $0x0  }
0x83: {  	[sflag:s14] =	ssyncadd.s32 $0xFFFFD800  }
0x84: {  	[bflag:$0x0] =	sbarrier.arrive $0xFFFF  }
0x85: {  	s30 =	rddreg [dreg:$0x6]  }
0x86: {  	[hbm:s30], [sflag:s12] =	dma.local [spmem:s13], $0x2800  }
0x87: {  	_ =	swait.ge [sflag:s14], $0x2800  }
0x88: {  	s28 =	sadd.s32 $0x1, s28;
	s31 =	rddreg [dreg:$0x7]  }
0x89: {  	p0 =	sne.s32 s28, s31  }
.Ltmp1:
0x8a: {  	_ = 	snop;
	(pc) =	sbr.rel @p0 .LBB2_1-.Ltmp1, $3  }
0x8b: {  	_ =	sdelay $0x1  }
0x8c: {  	[sflag:s14] =	ssyncset.done $0x0  }
0x8d: {  	[sflag:s14] =	ssyncadd.s32 $0xFFFFD800  }
0x8e: {  	_ =	sfence.sel $0x180000  }
0x8f: {  	[bflag:$0x0] =	sbarrier.arrive $0xFFFF  }
0x90: {  	_ =	strace $0x9000004D  }
0x91: {  	s0 =	stileid.u32;
	[bflag:$0x2] =	sbarrier.arrive $0xFFFF  }
0x92: {  	p0 =	sne.s32 s0, $0x0;
	s0 =	rddreg [dreg:$0x3]  }
0x93: {  	s0 =	sadd.s32 @!p0 $0x100000, s0  }
0x94: {  	[sflag:s0] =	ssyncadd.tile.s32 @!p0 $0x1;
	_ =	shalt  }
.Lfunc_end2:
_tile_overlayer_lowered:
.L_overlay_start_2:
0x95: {  	(tag) =	ssettag $0x2  }
0x96: {  	s0 =	rddreg [dreg:$0x0];
	s2 =	stileid.u32  }
0x97: {  	s1 =	rddreg [dreg:$0x1];
	p0 =	sne.s32 s2, $0x0  }
0x98: {  	s3 =	rddreg [dreg:$0x2];
	[bflag:$0x3] =	sbarrier.arrive $0xFFFF;
	s2 =	simm.s32 @!p0 $0x1C04  }
0x99: {  	[timem:s3], [sflag:s2] =	dma.local @!p0 [hbm:s0], s1  }
0x9a: {  	s0 =	simm.s32 @!p0 $0x4  }
0x9b: {  	_ =	swait.ge @!p0 [sflag:s0], s1  }
0x9c: {  	s1 =	ssub.s32 @!p0 $0x0, s1;
	[sflag:s0] =	ssyncset.done @!p0 $0x0  }
0x9d: {  	[sflag:s0] =	ssyncadd.s32 @!p0 s1  }
0x9e: {  	[bflag:$0x3] =	sbarrier.arrive $0xFFFF  }
0x9f: {  	_ =	shalt  }

// kernel: kernel.8.cloned.1.call-start
scs
__scs_entry_jumppad:
0x0: {  	(pc) =	sbr.rel $0x88, $3  }
0x1: {  	(tag) =	ssettag $0x0;
	lr =	simm.s32 $0x1  }
0x2: {  	[smem:$0x3F9C] =	sst lr;
	_ =	strace $0xD0000000  }
0x3: {  	_ = 	snop  }
0x4: {  	_ = 	snop  }
0x5: {  	_ = 	snop  }
0x6: {  	_ = 	snop  }
0x7: {  	_ = 	snop  }
__scs_overlays_trampoline_lowered:
0x8: {  	[smem:$0x3FAB] =	sst s0  }
0x9: {  	[smem:$0x3FAC] =	sst s1  }
0xa: {  	[smem:$0x3FAD] =	sst s2  }
0xb: {  	[smem:$0x3FAE] =	sst s3  }
0xc: {  	[smem:$0x3FAF] =	sst s4  }
0xd: {  	[smem:$0x3FB0] =	sst s5  }
0xe: {  	[smem:$0x3FB1] =	sst s6  }
0xf: {  	[smem:$0x3FB2] =	sst s7  }
0x10: {  	[smem:$0x3FB3] =	sst s8  }
0x11: {  	[smem:$0x3FB4] =	sst s9;
	s0 =	simm.s32 @!p0 $0x0  }
0x12: {  	s1 =	sld [smem:$0x3F9A];
	s0 =	simm.s32 @p0 $0x1  }
0x13: {  	[smem:$0x3FB5] =	sst s0;
	s0 =	simm.s32 @!p1 $0x0  }
0x14: {  	s2 =	sld [smem:$0x3F99];
	s0 =	simm.s32 @p1 $0x1  }
0x15: {  	[smem:$0x3FB6] =	sst s0;
	s0 =	simm.s32 @!p2 $0x0  }
0x16: {  	s3 =	sld [smem:$0x3FDB];
	s0 =	simm.s32 @p2 $0x1  }
0x17: {  	s4 =	simm.s32 $0x1BF5;
	[smem:$0x3FB8] =	sst s0  }
0x18: {  	s0 =	sld [smem:$0x3F9B];
	_ =	swait.ge [sflag:s4], $0x0  }
0x19: {  	s7 =	sld [smem:$0x3F9C]  }
0x1a: {  	s8 =	sadd.s32 $0xFFFFE003, lr  }
0x1b: {  	s9 =	sadd.s32 $0xFFFFFEF7, lr;
	s5 =	simm.s32 $0xFFFFFFFF;
	p2 =	slt.u32 s8, $0xFFFFF086  }
0x1c: {  	p1 =	slt.u32 s9, $0xF7A;
	s5 =	simm.s32 @!p2 $0x0  }
0x1d: {  	s5 =	simm.s32 @p1 $0x1;
	p0 =	seq.s32 s7, s2  }
0x1e: {  	s7 =	smul.u32 @!p0 $0xF7A, s2;
	p2 =	seq.s32 @!p0 s5, $0x0  }
0x1f: {  	s9 =	smul.u32 $0xF7A, s1;
	s8 =	simm.s32 @!p0 $0x1BF5;
	p2 =	por !p2, p0  }
0x20: {  	[sflag:s8] =	ssyncset.s32 @!p0 $0xFFFFF086;
	s6 =	sadd.s32 @!p0 s3, s7;
	s7 =	simm.s32 @!p0 $0x108  }
0x21: {  	s3 =	sadd.s32 s3, s9;
	s6 =	sadd.s32 @!p0 $0x88, s6;
	s7 =	simm.s32 @p2 $0x1082  }
0x22: {  	[simem:s7], [sflag:s8] =	dma.local @!p0 [hbm:s6], $0xF7A  }
0x23: {  	s9 =	sor.u32 $0xD0000000, s2;
	s6 =	simm.s32 $0x108;
	_ =	swait.ge @!p0 [sflag:s8], $0x0  }
0x24: {  	s3 =	sadd.s32 $0x88, s3;
	s6 =	simm.s32 @!p1 $0x1082;
	[sflag:s4] =	ssyncset.s32 $0xFFFFF086  }
0x25: {  	[simem:s6], [sflag:s4] =	dma.local [hbm:s3], $0xF7A  }
0x26: {  	[smem:$0x3F9C] =	sst s1;
	(tag) =	ssettag s2;
	_ =	strace s9  }
0x27: {  	s1 =	sld [smem:$0x3FAC]  }
0x28: {  	s2 =	sld [smem:$0x3FAD]  }
0x29: {  	s4 =	sld [smem:$0x3FAF]  }
0x2a: {  	p0 =	seq.s32 s5, $0x0;
	s5 =	sld [smem:$0x3FB0]  }
0x2b: {  	s6 =	sld [smem:$0x3FB1]  }
0x2c: {  	s7 =	sld [smem:$0x3FB2]  }
0x2d: {  	s3 =	simm.s32 $0x108;
	s8 =	sld [smem:$0x3FB3]  }
0x2e: {  	s3 =	simm.s32 @!p0 $0x1082;
	s9 =	sld [smem:$0x3FB4]  }
0x2f: {  	lr =	sadd.s32 s0, s3;
	s0 =	sld [smem:$0x3FAB]  }
0x30: {  	s3 =	sld [smem:$0x3FAE]  }
0x31: {  	[smem:$0x3FB7] =	sst s10  }
0x32: {  	s10 =	sld [smem:$0x3FB5];
	_ =	sdelay $0x3  }
0x33: {  	p0 =	seq.s32 s10, $0x1;
	s10 =	sld [smem:$0x3FB7];
	_ =	sdelay $0x3  }
0x34: {  	[smem:$0x3FB7] =	sst s10  }
0x35: {  	s10 =	sld [smem:$0x3FB6];
	_ =	sdelay $0x3  }
0x36: {  	p1 =	seq.s32 s10, $0x1;
	s10 =	sld [smem:$0x3FB7];
	_ =	sdelay $0x3  }
0x37: {  	[smem:$0x3FB7] =	sst s10  }
0x38: {  	s10 =	sld [smem:$0x3FB8]  }
0x39: {  	_ = 	snop;
	(pc) =	sbr.ind lr, $3  }
0x3a: {  	_ = 	snop  }
0x3b: {  	_ = 	snop  }
0x3c: {  	p2 =	seq.s32 s10, $0x1;
	s10 =	sld [smem:$0x3FB7]  }
0x3d: {  	_ =	shalt  }
0x3e: {  	_ =	shalt  }
0x3f: {  	_ =	shalt  }
0x40: {  	_ =	shalt  }
0x41: {  	_ =	shalt  }
0x42: {  	_ =	shalt  }
0x43: {  	_ =	shalt  }
0x44: {  	_ =	shalt  }
0x45: {  	_ =	shalt  }
0x46: {  	_ =	shalt  }
0x47: {  	_ =	shalt  }
0x48: {  	_ =	shalt  }
0x49: {  	_ =	shalt  }
0x4a: {  	_ =	shalt  }
0x4b: {  	_ =	shalt  }
0x4c: {  	_ =	shalt  }
0x4d: {  	_ =	shalt  }
0x4e: {  	_ =	shalt  }
0x4f: {  	_ =	shalt  }
0x50: {  	_ =	shalt  }
0x51: {  	_ =	shalt  }
0x52: {  	_ =	shalt  }
0x53: {  	_ =	shalt  }
0x54: {  	_ =	shalt  }
0x55: {  	_ =	shalt  }
0x56: {  	_ =	shalt  }
0x57: {  	_ =	shalt  }
0x58: {  	_ =	shalt  }
0x59: {  	_ =	shalt  }
0x5a: {  	_ =	shalt  }
0x5b: {  	_ =	shalt  }
0x5c: {  	_ =	shalt  }
0x5d: {  	_ =	shalt  }
0x5e: {  	_ =	shalt  }
0x5f: {  	_ =	shalt  }
0x60: {  	_ =	shalt  }
0x61: {  	_ =	shalt  }
0x62: {  	_ =	shalt  }
0x63: {  	_ =	shalt  }
0x64: {  	_ =	shalt  }
0x65: {  	_ =	shalt  }
0x66: {  	_ =	shalt  }
0x67: {  	_ =	shalt  }
0x68: {  	_ =	shalt  }
0x69: {  	_ =	shalt  }
0x6a: {  	_ =	shalt  }
0x6b: {  	_ =	shalt  }
0x6c: {  	_ =	shalt  }
0x6d: {  	_ =	shalt  }
0x6e: {  	_ =	shalt  }
0x6f: {  	_ =	shalt  }
0x70: {  	_ =	shalt  }
0x71: {  	_ =	shalt  }
0x72: {  	_ =	shalt  }
0x73: {  	_ =	shalt  }
0x74: {  	_ =	shalt  }
0x75: {  	_ =	shalt  }
0x76: {  	_ =	shalt  }
0x77: {  	_ =	shalt  }
0x78: {  	_ =	shalt  }
0x79: {  	_ =	shalt  }
0x7a: {  	_ =	shalt  }
0x7b: {  	_ =	shalt  }
0x7c: {  	_ =	shalt  }
0x7d: {  	_ =	shalt  }
0x7e: {  	_ =	shalt  }
0x7f: {  	_ =	shalt  }
0x80: {  	_ =	shalt  }
0x81: {  	_ =	shalt  }
0x82: {  	_ =	shalt  }
0x83: {  	_ =	shalt  }
0x84: {  	_ =	shalt  }
0x85: {  	_ =	shalt  }
0x86: {  	_ =	shalt  }
0x87: {  	_ =	shalt  }
.Lfunc_end0:
.L_simem_size_0:
called_computation_lowered:
.L_overlay_start_0:
0x88: {  	s2 =	sld [smem:$0x3FD9]  }
0x89: {  	s3 =	sld [smem:$0x3FFE];
	_ =	sdelay $0x1  }
0x8a: {  	s1 =	srdreg.scid  }
0x8b: {  	s0 =	sand.u32 $0x1, s1  }
0x8c: {  	s16 =	sshll.u32 s0, $0xA;
	s2 =	sadd.s32 s3, s2  }
0x8d: {  	s2 =	sadd.s32 s2, s16  }
0x8e: {  	[smem:$0x3FC3] =	sst s2  }
0x8f: {  	_ = 	snop  }
0x90: {  	(tm) =	ssettm $0x1  }
0x91: {  	s17 =	sld [smem:$0x3FFB];
	_ =	sdelay $0x3  }
0x92: {  	_ =	strace s17  }
0x93: {  	s2 =	sld [smem:$0x3FFC];
	_ =	sdelay $0x3  }
0x94: {  	_ =	strace s2  }
0x95: {  	s2 =	sld [smem:$0x3FFD];
	_ =	sdelay $0x3  }
0x96: {  	_ =	strace s2  }
0x97: {  	_ =	strace $0x8FFFFFFF  }
0x98: {  	s18 =	sld [smem:$0x3FDB];
	_ =	sdelay $0x1  }
0x99: {  	s19 =	simm.s32 $_scs_section_size  }
0x9a: {  	s4 =	simm.s32 $_size__tile_overlayer_lowered;
	s5 =	simm.s32 $_tile_overlayer_lowered  }
0x9b: {  	s22 =	simm.s32 $0x1BFF;
	s21 =	sshll.u32 s5, $0x1;
	s2 =	sadd.s32 s19, s18  }
0x9c: {  	s6 =	simm.s32 $0x0;
	s20 =	sshll.u32 s4, $0x1;
	s4 =	sadd.s32 s21, s2  }
0x9d: {  	[timem:s6], [sflag:s22] =	dma.local [hbm:s4], s20  }
0x9e: {  	_ =	swait.ge [sflag:s22], s20  }
0x9f: {  	s3 =	ssub.s32 $0x0, s20;
	[sflag:s22] =	ssyncset.done $0x0  }
0xa0: {  	[sflag:s22] =	ssyncadd.s32 s3;
	_ =	sdelay $0x1  }
0xa1: {  	s23 =	simm.s32 $0x1B8B  }
0xa2: {  	_ =	swait.ge [sflag:s23], $0x1  }
0xa3: {  	[sflag:s23] =	ssyncset.done $0x0  }
0xa4: {  	s25 =	simm.s32 $0x1B8E;
	s24 =	sld [smem:$0x3FFE];
	[sflag:s23] =	ssyncadd.s32 $0xFFFFFFFF  }
0xa5: {  	s26 =	simm.s32 $execute0_lowered;
	[smem:$0x3FD2] =	sst s25  }
0xa6: {  	s4 =	sshll.u32 s26, $0x1;
	_ =	strace $0x80000046;
	[dreg:$0x1] =	wrdreg $0xFFFFFFFF  }
0xa7: {  	s28 =	simm.s32 $_size_execute0_lowered;
	s2 =	sadd.s32 s2, s4;
	[dreg:$0x0] =	wrdreg $0x0  }
0xa8: {  	s4 =	sshll.u32 s28, $0x1;
	[dreg:$0x2] =	wrdreg s2  }
0xa9: {  	[dreg:$0x3] =	wrdreg s4  }
0xaa: {  	[dreg:$0x4] =	wrdreg $0xC0  }
0xab: {  	_ =	task [dreg:s6], $0x5FFFF  }
0xac: {  	[dreg:$0x1] =	wrdreg $0xFFFFFFFF  }
0xad: {  	[dreg:$0x0] =	wrdreg $0x60  }
0xae: {  	[dreg:$0x2] =	wrdreg s24  }
0xaf: {  	[dreg:$0x3] =	wrdreg $0x2B800  }
0xb0: {  	[dreg:$0x4] =	wrdreg $0x9  }
0xb1: {  	_ =	task.clear_ibuf [dreg:s6], $0x5FFFF;
	_ =	strace $0x90000046  }
0xb2: {  	s29 =	simm.s32 $0x9;
	_ =	strace $0x80000048  }
0xb3: {  	_ =	swait.ge [sflag:s29], $0x1  }
0xb4: {  	[sflag:s29] =	ssyncadd.s32 $0xFFFFFFFF  }
0xb5: {  	_ =	strace $0x90000048  }
0xb6: {  	_ =	sfence  }
0xb7: {  	s30 =	sld [smem:$0x0];
	_ =	sdelay $0x2  }
0xb8: {  	s31 =	sshll.u32 s1, $0xD;
	s1 =	sshrl.u32 s1, $0x2  }
0xb9: {  	s3 =	sand.u32 $0x4000, s31;
	s1 =	sadd.s32 s1, s30  }
0xba: {  	s0 =	sor.u32 s3, s0;
	s1 =	sshll.u32 s1, $0x11  }
0xbb: {  	s0 =	sor.u32 s1, s0  }
0xbc: {  	s0 =	sadd.s32 $0x8F2B, s0  }
0xbd: {  	[sflag:s0] =	ssyncadd.remote.s32 $0x1  }
0xbe: {  	_ =	sfence.sel $0xFFFF  }
0xbf: {  	[dreg:$0x0] =	wrdreg $0xFFFFFFFF;
	(pc) =	sbr.abs _section_cstart, $3  }
0xc0: {  	[dreg:$0x1] =	wrdreg $0xFFFFFFFF  }
0xc1: {  	_ =	task.clear_ibuf [dreg:s6], $0x2FFFF;
	_ =	strace $0x9FFFFFFF  }
0xc2: {  	(tm) =	ssettm $0x7FFFFFFF  }
0xc3: {  	_ =	shalt  }
tec
execute0_lowered:
.L_overlay_start_1:
0x0: {  	(tag) =	ssettag $0x1  }
0x1: {  	s20 =	rddreg [dreg:$0x0]  }
0x2: {  	s2 =	rddreg [dreg:$0x1]  }
0x3: {  	s0 =	stileid.u32;
	s1 =	rddreg [dreg:$0x2]  }
0x4: {  	s3 =	simm.s32 $0x0;
	s4 =	srdreg.scid;
	s21 =	smul.u32 $0x280, s0  }
0x5: {  	[smem:$0x7FF] =	sst s3;
	s22 =	sand.u32 $0x1, s4  }
0x6: {  	s5 =	sshll.u32 s0, $0x6;
	_ =	strace $0x80000047;
	s29 =	sshrl.u32 s21, $0x3  }
0x7: {  	s5 =	sor.u32 $0x1C01, s5;
	s6 =	sadd.s32 s21, s2;
	s4 =	sadd.s32 s29, s20  }
0x8: {  	s7 =	sshrl.u32 s6, $0x3;
	s6 =	simm.s32 $0x1;
	s4 =	sadd.s32 $0xC200, s4  }
0x9: {  	[spmem:s7], [sflag:s5] =	dma.local [hbm:s4], $0x50  }
0xa: {  	s8 =	sshll.u32 s22, $0x4;
	_ =	swait.ge [sflag:s6], $0x50  }
0xb: {  	s9 =	simm.s32 $0x2780;
	s8 =	sor.u32 s0, s8;
	[sflag:s6] =	ssyncset.done $0x0  }
0xc: {  	s10 =	smul.u32 $0x4E2, s8;
	s8 =	sadd.s32 $0xC800, s20;
	[sflag:s6] =	ssyncadd.s32 $0xFFFFFFB0  }
0xd: {  	[tilespmem:s9], [sflag:$0x1] =	stream.linear.gather [hbm4b:s8+s3], $0x400, $0x38;
	[tilespmem:$0x2E00] =	vst v63  }
0xe: {  	_ =	swait.ge [sflag:s6], $0x400  }
0xf: {  	s10 =	sadd.s32 s10, s20;
	[sflag:s6] =	ssyncset.done $0x0  }
0x10: {  	s10 =	sadd.s32 $0x2400, s10;
	[sflag:s6] =	ssyncadd.s32 $0xFFFFFC00  }
0x11: {  	[tilespmem:s3], [sflag:$0x1] =	stream.linear.gather [hbm4b:s10+s3], $0x2710, $0x38;
	[tilespmem:$0x2E00] =	vst v63  }
0x12: {  	_ =	swait.ge [sflag:s6], $0x2710  }
0x13: {  	[sflag:s6] =	ssyncset.done $0x0  }
0x14: {  	[sflag:s6] =	ssyncadd.s32 $0xFFFFD8F0  }
0x15: {  	s11 =	simm.s32 $0x3E8;
	[bflag:$0x0] =	sbarrier.arrive $0xFFFF  }
0x16: {  	[spmem:s2] =	stream.indirect.scatter.add.f32 [tilespmem:s9], [sflag:$0x1], $0x1, s3, s11, $0xb8;
	[tilespmem:$0x2E00] =	vst v63  }
0x17: {  	_ =	swait.ge [sflag:s6], $0x3E8  }
0x18: {  	[sflag:s6] =	ssyncset.done $0x0  }
0x19: {  	[sflag:s6] =	ssyncadd.s32 $0xFFFFFC18  }
0x1a: {  	[spmem:s2] =	stream.indirect.scatter.add.f32 [tilespmem:s9], [sflag:$0x1], $0x1, s11, s11, $0xb8;
	[tilespmem:$0x2E00] =	vst v63  }
0x1b: {  	_ =	swait.ge [sflag:s6], $0x3E8  }
0x1c: {  	[sflag:s6] =	ssyncset.done $0x0  }
0x1d: {  	s12 =	simm.s32 $0x7D0;
	[sflag:s6] =	ssyncadd.s32 $0xFFFFFC18  }
0x1e: {  	[spmem:s2] =	stream.indirect.scatter.add.f32 [tilespmem:s9], [sflag:$0x1], $0x1, s12, s11, $0xb8;
	[tilespmem:$0x2E00] =	vst v63  }
0x1f: {  	_ =	swait.ge [sflag:s6], $0x3E8  }
0x20: {  	[sflag:s6] =	ssyncset.done $0x0  }
0x21: {  	s13 =	simm.s32 $0xBB8;
	[sflag:s6] =	ssyncadd.s32 $0xFFFFFC18  }
0x22: {  	[spmem:s2] =	stream.indirect.scatter.add.f32 [tilespmem:s9], [sflag:$0x1], $0x1, s13, s11, $0xb8;
	[tilespmem:$0x2E00] =	vst v63  }
0x23: {  	_ =	swait.ge [sflag:s6], $0x3E8  }
0x24: {  	[sflag:s6] =	ssyncset.done $0x0  }
0x25: {  	s14 =	simm.s32 $0xFA0;
	[sflag:s6] =	ssyncadd.s32 $0xFFFFFC18  }
0x26: {  	[spmem:s2] =	stream.indirect.scatter.add.f32 [tilespmem:s9], [sflag:$0x1], $0x1, s14, s11, $0xb8;
	[tilespmem:$0x2E00] =	vst v63  }
0x27: {  	_ =	swait.ge [sflag:s6], $0x3E8  }
0x28: {  	[sflag:s6] =	ssyncset.done $0x0  }
0x29: {  	s15 =	simm.s32 $0x1388;
	[sflag:s6] =	ssyncadd.s32 $0xFFFFFC18  }
0x2a: {  	[spmem:s2] =	stream.indirect.scatter.add.f32 [tilespmem:s9], [sflag:$0x1], $0x1, s15, s11, $0xb8;
	[tilespmem:$0x2E00] =	vst v63  }
0x2b: {  	_ =	swait.ge [sflag:s6], $0x3E8  }
0x2c: {  	[sflag:s6] =	ssyncset.done $0x0  }
0x2d: {  	s16 =	simm.s32 $0x1770;
	[sflag:s6] =	ssyncadd.s32 $0xFFFFFC18  }
0x2e: {  	[spmem:s2] =	stream.indirect.scatter.add.f32 [tilespmem:s9], [sflag:$0x1], $0x1, s16, s11, $0xb8;
	[tilespmem:$0x2E00] =	vst v63  }
0x2f: {  	_ =	swait.ge [sflag:s6], $0x3E8  }
0x30: {  	[sflag:s6] =	ssyncset.done $0x0  }
0x31: {  	s17 =	simm.s32 $0x1B58;
	[sflag:s6] =	ssyncadd.s32 $0xFFFFFC18  }
0x32: {  	[spmem:s2] =	stream.indirect.scatter.add.f32 [tilespmem:s9], [sflag:$0x1], $0x1, s17, s11, $0xb8;
	[tilespmem:$0x2E00] =	vst v63  }
0x33: {  	_ =	swait.ge [sflag:s6], $0x3E8  }
0x34: {  	[sflag:s6] =	ssyncset.done $0x0  }
0x35: {  	s18 =	simm.s32 $0x1F40;
	s23 =	smul.u32 $0x2800, s22;
	[sflag:s6] =	ssyncadd.s32 $0xFFFFFC18  }
0x36: {  	[spmem:s2] =	stream.indirect.scatter.add.f32 [tilespmem:s9], [sflag:$0x1], $0x1, s18, s11, $0xb8;
	[tilespmem:$0x2E00] =	vst v63  }
0x37: {  	s19 =	simm.s32 $0x2328;
	s22 =	ssub.s32 $0x2, s22;
	_ =	swait.ge [sflag:s6], $0x3E8  }
0x38: {  	s30 =	sshrl.u32 s22, $0x1;
	s21 =	sadd.s32 s21, s23;
	[sflag:s6] =	ssyncset.done $0x0  }
0x39: {  	s31 =	ssub.s32 s22, s30;
	s21 =	sshrl.u32 s21, $0x3;
	[sflag:s6] =	ssyncadd.s32 $0xFFFFFC18  }
0x3a: {  	[spmem:s2] =	stream.indirect.scatter.add.f32 [tilespmem:s9], [sflag:$0x1], $0x1, s19, s11, $0xb8;
	[tilespmem:$0x2E00] =	vst v63  }
0x3b: {  	s20 =	sadd.s32 s21, s20;
	s21 =	smax.u32 s31, $0x1;
	_ =	swait.ge [sflag:s6], $0x3E8  }
0x3c: {  	p0 =	sne.s32 s21, $0x1;
	[sflag:s6] =	ssyncset.done $0x0  }
.Ltmp0:
0x3d: {  	[sflag:s6] =	ssyncadd.s32 $0xFFFFFC18;
	(pc) =	sbr.rel @!p0 .LBB2_2-.Ltmp0, $4  }
0x3e: {  	s20 =	sadd.s32 $0xCA00, s20;
	[bflag:$0x0] =	sbarrier.arrive $0xFFFF  }
0x3f: {  	[hbm:s20], [sflag:s5] =	dma.local [spmem:s7], $0x50  }
0x40: {  	_ =	swait.ge [sflag:s6], $0x50  }
0x41: {  	s21 =	sadd.s32 $0xFFFFFFFF, s21;
	[sflag:s6] =	ssyncset.done $0x0  }
.LBB2_1:
0x42: {  	p0 =	sne.s32 s21, $0x1;
	s21 =	sadd.s32 $0xFFFFFFFF, s21;
	[sflag:s6] =	ssyncadd.s32 $0xFFFFFFB0  }
0x43: {  	[spmem:s7], [sflag:s5] =	dma.local [hbm:s4], $0x50  }
0x44: {  	_ =	swait.ge [sflag:s6], $0x50  }
0x45: {  	[sflag:s6] =	ssyncset.done $0x0  }
0x46: {  	[sflag:s6] =	ssyncadd.s32 $0xFFFFFFB0  }
0x47: {  	[tilespmem:s9], [sflag:$0x1] =	stream.linear.gather [hbm4b:s8+s3], $0x400, $0x38;
	[tilespmem:$0x2E00] =	vst v63  }
0x48: {  	_ =	swait.ge [sflag:s6], $0x400  }
0x49: {  	[sflag:s6] =	ssyncset.done $0x0  }
0x4a: {  	[sflag:s6] =	ssyncadd.s32 $0xFFFFFC00  }
0x4b: {  	[tilespmem:s3], [sflag:$0x1] =	stream.linear.gather [hbm4b:s10+s3], $0x2710, $0x38;
	[tilespmem:$0x2E00] =	vst v63  }
0x4c: {  	_ =	swait.ge [sflag:s6], $0x2710  }
0x4d: {  	[sflag:s6] =	ssyncset.done $0x0  }
0x4e: {  	[sflag:s6] =	ssyncadd.s32 $0xFFFFD8F0  }
0x4f: {  	[bflag:$0x0] =	sbarrier.arrive $0xFFFF  }
0x50: {  	[spmem:s2] =	stream.indirect.scatter.add.f32 [tilespmem:s9], [sflag:$0x1], $0x1, s3, s11, $0xb8;
	[tilespmem:$0x2E00] =	vst v63  }
0x51: {  	_ =	swait.ge [sflag:s6], $0x3E8  }
0x52: {  	[sflag:s6] =	ssyncset.done $0x0  }
0x53: {  	[sflag:s6] =	ssyncadd.s32 $0xFFFFFC18  }
0x54: {  	[spmem:s2] =	stream.indirect.scatter.add.f32 [tilespmem:s9], [sflag:$0x1], $0x1, s11, s11, $0xb8;
	[tilespmem:$0x2E00] =	vst v63  }
0x55: {  	_ =	swait.ge [sflag:s6], $0x3E8  }
0x56: {  	[sflag:s6] =	ssyncset.done $0x0  }
0x57: {  	[sflag:s6] =	ssyncadd.s32 $0xFFFFFC18  }
0x58: {  	[spmem:s2] =	stream.indirect.scatter.add.f32 [tilespmem:s9], [sflag:$0x1], $0x1, s12, s11, $0xb8;
	[tilespmem:$0x2E00] =	vst v63  }
0x59: {  	_ =	swait.ge [sflag:s6], $0x3E8  }
0x5a: {  	[sflag:s6] =	ssyncset.done $0x0  }
0x5b: {  	[sflag:s6] =	ssyncadd.s32 $0xFFFFFC18  }
0x5c: {  	[spmem:s2] =	stream.indirect.scatter.add.f32 [tilespmem:s9], [sflag:$0x1], $0x1, s13, s11, $0xb8;
	[tilespmem:$0x2E00] =	vst v63  }
0x5d: {  	_ =	swait.ge [sflag:s6], $0x3E8  }
0x5e: {  	[sflag:s6] =	ssyncset.done $0x0  }
0x5f: {  	[sflag:s6] =	ssyncadd.s32 $0xFFFFFC18  }
0x60: {  	[spmem:s2] =	stream.indirect.scatter.add.f32 [tilespmem:s9], [sflag:$0x1], $0x1, s14, s11, $0xb8;
	[tilespmem:$0x2E00] =	vst v63  }
0x61: {  	_ =	swait.ge [sflag:s6], $0x3E8  }
0x62: {  	[sflag:s6] =	ssyncset.done $0x0  }
0x63: {  	[sflag:s6] =	ssyncadd.s32 $0xFFFFFC18  }
0x64: {  	[spmem:s2] =	stream.indirect.scatter.add.f32 [tilespmem:s9], [sflag:$0x1], $0x1, s15, s11, $0xb8;
	[tilespmem:$0x2E00] =	vst v63  }
0x65: {  	_ =	swait.ge [sflag:s6], $0x3E8  }
0x66: {  	[sflag:s6] =	ssyncset.done $0x0  }
0x67: {  	[sflag:s6] =	ssyncadd.s32 $0xFFFFFC18  }
0x68: {  	[spmem:s2] =	stream.indirect.scatter.add.f32 [tilespmem:s9], [sflag:$0x1], $0x1, s16, s11, $0xb8;
	[tilespmem:$0x2E00] =	vst v63  }
0x69: {  	_ =	swait.ge [sflag:s6], $0x3E8  }
0x6a: {  	[sflag:s6] =	ssyncset.done $0x0  }
0x6b: {  	[sflag:s6] =	ssyncadd.s32 $0xFFFFFC18  }
0x6c: {  	[spmem:s2] =	stream.indirect.scatter.add.f32 [tilespmem:s9], [sflag:$0x1], $0x1, s17, s11, $0xb8;
	[tilespmem:$0x2E00] =	vst v63  }
0x6d: {  	_ =	swait.ge [sflag:s6], $0x3E8  }
0x6e: {  	[sflag:s6] =	ssyncset.done $0x0  }
0x6f: {  	[sflag:s6] =	ssyncadd.s32 $0xFFFFFC18  }
0x70: {  	[spmem:s2] =	stream.indirect.scatter.add.f32 [tilespmem:s9], [sflag:$0x1], $0x1, s18, s11, $0xb8;
	[tilespmem:$0x2E00] =	vst v63  }
0x71: {  	_ =	swait.ge [sflag:s6], $0x3E8  }
0x72: {  	[sflag:s6] =	ssyncset.done $0x0  }
0x73: {  	[sflag:s6] =	ssyncadd.s32 $0xFFFFFC18  }
0x74: {  	[spmem:s2] =	stream.indirect.scatter.add.f32 [tilespmem:s9], [sflag:$0x1], $0x1, s19, s11, $0xb8;
	[tilespmem:$0x2E00] =	vst v63  }
0x75: {  	_ =	swait.ge [sflag:s6], $0x3E8  }
0x76: {  	[sflag:s6] =	ssyncset.done $0x0  }
.Ltmp1:
0x77: {  	[sflag:s6] =	ssyncadd.s32 $0xFFFFFC18;
	(pc) =	sbr.rel @p0 .LBB2_1-.Ltmp1, $4  }
0x78: {  	[bflag:$0x0] =	sbarrier.arrive $0xFFFF  }
0x79: {  	[hbm:s20], [sflag:s5] =	dma.local [spmem:s7], $0x50  }
0x7a: {  	_ =	swait.ge [sflag:s6], $0x50  }
0x7b: {  	[sflag:s6] =	ssyncset.done $0x0  }
.LBB2_2:
0x7c: {  	[sflag:s6] =	ssyncadd.s32 $0xFFFFFFB0  }
0x7d: {  	_ =	sfence.sel $0x180000  }
0x7e: {  	[bflag:$0x0] =	sbarrier.arrive $0xFFFF  }
0x7f: {  	p0 =	sne.s32 s0, $0x0;
	_ =	strace $0x90000047  }
0x80: {  	s0 =	sadd.s32 @!p0 $0x100000, s1;
	[bflag:$0x2] =	sbarrier.arrive $0xFFFF  }
0x81: {  	[sflag:s0] =	ssyncadd.tile.s32 @!p0 $0x1;
	_ =	shalt  }
.Lfunc_end2:
_tile_overlayer_lowered:
.L_overlay_start_2:
0x82: {  	(tag) =	ssettag $0x2  }
0x83: {  	s0 =	rddreg [dreg:$0x0];
	s2 =	stileid.u32  }
0x84: {  	s1 =	rddreg [dreg:$0x1];
	p0 =	sne.s32 s2, $0x0  }
0x85: {  	s3 =	rddreg [dreg:$0x2];
	[bflag:$0x3] =	sbarrier.arrive $0xFFFF;
	s2 =	simm.s32 @!p0 $0x1C01  }
0x86: {  	[timem:s3], [sflag:s2] =	dma.local @!p0 [hbm:s0], s1  }
0x87: {  	s0 =	simm.s32 @!p0 $0x1  }
0x88: {  	_ =	swait.ge @!p0 [sflag:s0], s1  }
0x89: {  	s1 =	ssub.s32 @!p0 $0x0, s1;
	[sflag:s0] =	ssyncset.done @!p0 $0x0  }
0x8a: {  	[sflag:s0] =	ssyncadd.s32 @!p0 s1  }
0x8b: {  	[bflag:$0x3] =	sbarrier.arrive $0xFFFF  }
0x8c: {  	_ =	shalt  }

</sc_bundles>
